<compile_context>
chip_gen: v7x
topology: tpu7x:2x2x1
jax: 0.10.2.dev20260603
libtpu: 0.0.44.dev20260713+nightly
codegen_flags: <defaults>
</compile_context>

<pallas_src>
import functools

import jax
import jax.numpy as jnp
from jax import lax
from jax.experimental import pallas as pl
from jax.experimental.pallas import tpu as pltpu
from jax.experimental.pallas import tpu_sc as plsc

_LANES = 16
_CHUNK = 128
_LN2 = 0.6931471805599453


def _neg_log(s):
    bits = lax.bitcast_convert_type(s, jnp.int32)
    e = lax.shift_right_logical(bits, 23) - 127
    m = lax.bitcast_convert_type(
        (bits & 0x007FFFFF) | 0x3F800000, jnp.float32)
    big = m > 1.4142135623730951
    m = jnp.where(big, m * 0.5, m)
    ef = (e + jnp.where(big, 1, 0)).astype(jnp.float32)
    t = (m - 1.0) / (m + 1.0)
    t2 = t * t
    log_m = t * (2.0 + t2 * (0.6666666666666666
                             + t2 * (0.4 + t2 * 0.2857142857142857)))
    return -(ef * _LN2 + log_m)


def _sc_loss_partials(tbl16, ind_p, w_p, n_chunks, num_ch, hw, n_valid):
    rows_per_plane = hw // _LANES
    mesh = plsc.VectorSubcoreMesh(core_axis_name="c", subcore_axis_name="s")

    @functools.partial(
        pl.kernel,
        out_type=jax.ShapeDtypeStruct((2, _LANES), jnp.float32),
        mesh=mesh,
        scratch_types=[
            pltpu.VMEM((n_chunks, _CHUNK), jnp.int32),
            pltpu.VMEM((n_chunks, _CHUNK), jnp.float32),
            pltpu.VMEM((n_chunks, _CHUNK), jnp.int32),
            pltpu.VMEM((num_ch * n_chunks, _CHUNK), jnp.int32),
            pltpu.VMEM((n_chunks * _CHUNK, _LANES), jnp.float32),
            pltpu.VMEM((n_chunks * _CHUNK, _LANES), jnp.float32),
            pltpu.VMEM((n_chunks * _CHUNK, _LANES), jnp.float32),
            pltpu.VMEM((n_chunks * _CHUNK, _LANES), jnp.float32),
            pltpu.VMEM((2, _LANES), jnp.float32),
            pltpu.VMEM_SHARED((16, 2, _LANES), jnp.float32),
            pltpu.VMEM((16, 2, _LANES), jnp.float32),
            pltpu.VMEM((2, _LANES), jnp.float32),
            pltpu.SemaphoreType.DMA,
            [pltpu.SemaphoreType.DMA for _ in range(4)],
        ],
        compiler_params=pltpu.CompilerParams(
            needs_layout_passes=False, use_tc_tiling_on_sc=False),
    )
    def k(tbl_hbm, ind_hbm, w_hbm, out_hbm,
          ind_v, w_v, rem_v, idx_dma, g0, g1, g2, g3,
          acc_v, shared, all_v, res_v, sem0, sems):
        core = lax.axis_index("c")
        sid = lax.axis_index("s")
        b = sid * 2 + core
        cp1 = pltpu.async_copy(ind_hbm.at[b], ind_v, sem0)
        cp2 = pltpu.async_copy(w_hbm.at[b], w_v, sem0)
        cp1.wait()
        cp2.wait()
        gbufs = (g0, g1, g2, g3)
        lane = lax.iota(jnp.int32, _LANES)
        for j in range(n_chunks):
            def addr_body(t, _, j=j):
                sl = (j, pl.ds(t * _LANES, _LANES))
                iv = ind_v[sl]
                addr = (
                    lax.shift_right_logical(iv, 11) * 2048
                    + (lax.shift_right_logical(iv, 7) & 1) * 1024
                    + (lax.shift_right_logical(iv, 8) & 7) * 128
                    + (iv & 127))
                row = lax.shift_right_logical(addr, 4)
                rem_v[sl] = iv & (_LANES - 1)
                for c in range(num_ch):
                    base = (b * num_ch + c) * rows_per_plane
                    idx_dma[(c * n_chunks + j, pl.ds(t * _LANES, _LANES))] = (
                        row + base)
                return 0
            lax.fori_loop(0, _CHUNK // _LANES, addr_body, 0)
            for c in range(num_ch):
                pltpu.async_copy(
                    tbl_hbm.at[idx_dma.at[c * n_chunks + j]],
                    gbufs[c].at[pl.ds(j * _CHUNK, _CHUNK)], sems[j])
        acc_l = jnp.zeros((_LANES,), jnp.float32)
        acc_w = jnp.zeros((_LANES,), jnp.float32)
        for j in range(n_chunks):
            for c in range(num_ch):
                pltpu.make_async_copy(
                    tbl_hbm.at[idx_dma.at[c * n_chunks + j]],
                    gbufs[c].at[pl.ds(j * _CHUNK, _CHUNK)], sems[j]).wait()

            def comp_body(t, carry, j=j):
                a_l, a_w = carry
                sl = (j, pl.ds(t * _LANES, _LANES))
                rows16 = j * _CHUNK + t * _LANES + lane
                cols16 = rem_v[sl]
                w = w_v[sl]
                p0 = plsc.load_gather(g0, [rows16, cols16]) * w
                p1 = plsc.load_gather(g1, [rows16, cols16]) * w
                p2 = plsc.load_gather(g2, [rows16, cols16]) * w
                p3 = plsc.load_gather(g3, [rows16, cols16]) * w
                x1 = jnp.minimum(p0, p2) / (jnp.maximum(p0, p2) + 1e-6)
                x2 = jnp.minimum(p1, p3) / (jnp.maximum(p1, p3) + 1e-6)
                y = _neg_log(x1 + x2)
                pos = j * _CHUNK + t * _LANES
                y = jnp.where(pos + lane < n_valid, y, 0.0)
                return (a_l + y, a_w + w)

            acc_l, acc_w = lax.fori_loop(
                0, _CHUNK // _LANES, comp_body, (acc_l, acc_w))
        acc_v[0, :] = acc_l
        acc_v[1, :] = acc_w
        pltpu.sync_copy(acc_v, shared.at[sid])
        plsc.subcore_barrier()

        @pl.when(sid == 0)
        def _():
            pltpu.sync_copy(shared, all_v)
            suml = jnp.zeros((_LANES,), jnp.float32)
            sumw = jnp.zeros((_LANES,), jnp.float32)
            for i in range(16):
                suml = suml + all_v[i, 0, :]
                sumw = sumw + all_v[i, 1, :]
            ls = jnp.full((_LANES,), jnp.sum(suml))
            ws = jnp.full((_LANES,), jnp.sum(sumw))
            res_v[0, :] = jnp.where(lane == 0, ls, jnp.where(lane == 1, ws, 0.0))
            pltpu.sync_copy(res_v.at[0], out_hbm.at[core])

    return k(tbl16, ind_p, w_p)


def kernel(output, target, ind, weight):
    del target
    b, c, h, w = output.shape
    hw = h * w
    n = ind.shape[1]
    n_chunks = -(-n // _CHUNK)
    npad = n_chunks * _CHUNK

    tbl16 = (
        output.reshape(b, c, h // 8, 8, w // 128, 128)
        .transpose(0, 1, 2, 4, 3, 5)
        .reshape(b * c * hw // _LANES, _LANES))
    ind_p = jnp.zeros((b, npad), jnp.int32).at[:, :n].set(ind)
    w_p = jnp.zeros((b, npad), jnp.float32).at[:, :n].set(weight)

    parts = _sc_loss_partials(
        tbl16,
        ind_p.reshape(b, n_chunks, _CHUNK),
        w_p.reshape(b, n_chunks, _CHUNK),
        n_chunks, c, hw, n)

    return (parts[0, 0] + parts[1, 0]) / (parts[0, 1] + parts[1, 1] + 1e-6)

# --- scband reference (transcript-rebuilt; emitter-appended) ---
"""Pipeline reference for scband-distance-constraint-36412732735858 (READ-ONLY COPY).

The authoritative reference and input builder live on the scoring server;
editing this copy changes nothing except your own understanding.
"""

import jax, jax.numpy as jnp
import numpy as np

B, C, H, W, N = 32, 4, 256, 256, 500

def setup_inputs(seed: int = 0) -> dict:
    key = jax.random.key(seed)
    k1, k2, k3, k4 = jax.random.split(key, 4)
    output = jax.random.uniform(k1, (B, C, H, W), dtype=jnp.float32)
    target = jax.random.uniform(k2, (B, N, 4), dtype=jnp.float32)
    ind = jax.random.randint(k3, (B, N), 0, H * W, dtype=jnp.int32)
    weight = jax.random.uniform(k4, (B, N), dtype=jnp.float32)
    return {"output": output, "target": target, "ind": ind, "weight": weight}

def reference(output, target, ind, weight):
    b, c = output.shape[0], output.shape[1]
    # _tranpose_and_gather_feat: [B,C,H,W] -> [B,H*W,C] then gather along dim 1
    feat = jnp.transpose(output, (0, 2, 3, 1)).reshape(b, -1, c)
    idx = jnp.broadcast_to(ind[:, :, None], (b, ind.shape[1], c))
    gathered = jnp.take_along_axis(feat, idx, axis=1)
    w = weight[:, :, None]
    valid_output = gathered * w
    valid_target = target * w  # computed but unused downstream, as in torch module
    pred_w1 = valid_output[..., 0:1]
    pred_h1 = valid_output[..., 1:2]
    pred_w2 = valid_output[..., 2:3]
    pred_h2 = valid_output[..., 3:4]
    x1 = jnp.minimum(pred_w1, pred_w2) / (jnp.maximum(pred_w1, pred_w2) + 1e-06)
    x2 = jnp.minimum(pred_h1, pred_h2) / (jnp.maximum(pred_h1, pred_h2) + 1e-06)
    dist_constraint_loss = -jnp.log(x1 + x2)
    dist_constraint_loss = jnp.sum(dist_constraint_loss) / (jnp.sum(weight) + 1e-06)
    return dist_constraint_loss

if __name__ == "__main__":
    import jax
    _d = setup_inputs()
    print(jax.jit(kernel)(*tuple(_d.values())))

</pallas_src>

<mosaic_0001>
#map = affine_map<(d0, d1) -> (0, 0)>
#map1 = affine_map<(d0, d1) -> (0, 0, 0)>
module attributes {stable_mosaic.version = 14 : i64} {
  func.func @k(%arg0: i32, %arg1: i32, %arg2: memref<524288x16xf32, #tpu.memory_space<hbm>>, %arg3: memref<32x4x128xi32, #tpu.memory_space<hbm>>, %arg4: memref<32x4x128xf32, #tpu.memory_space<hbm>>, %arg5: memref<2x16xf32, #tpu.memory_space<hbm>>, %arg6: memref<4x128xi32, #tpu.memory_space<vmem>>, %arg7: memref<4x128xf32, #tpu.memory_space<vmem>>, %arg8: memref<4x128xi32, #tpu.memory_space<vmem>>, %arg9: memref<16x128xi32, #tpu.memory_space<vmem>>, %arg10: memref<512x16xf32, #tpu.memory_space<vmem>>, %arg11: memref<512x16xf32, #tpu.memory_space<vmem>>, %arg12: memref<512x16xf32, #tpu.memory_space<vmem>>, %arg13: memref<512x16xf32, #tpu.memory_space<vmem>>, %arg14: memref<2x16xf32, #tpu.memory_space<vmem>>, %arg15: memref<16x2x16xf32, #tpu.memory_space<vmem_shared>>, %arg16: memref<16x2x16xf32, #tpu.memory_space<vmem>>, %arg17: memref<2x16xf32, #tpu.memory_space<vmem>>, %arg18: memref<!tpu.dma_semaphore, #tpu.memory_space<semaphore_mem>>, %arg19: memref<!tpu.dma_semaphore, #tpu.memory_space<semaphore_mem>>, %arg20: memref<!tpu.dma_semaphore, #tpu.memory_space<semaphore_mem>>, %arg21: memref<!tpu.dma_semaphore, #tpu.memory_space<semaphore_mem>>, %arg22: memref<!tpu.dma_semaphore, #tpu.memory_space<semaphore_mem>>) attributes {dimension_semantics = [#tpu.dimension_semantics<core_parallel>, #tpu.dimension_semantics<subcore_parallel>], iteration_bounds = array<i64: 2, 16>, scalar_prefetch = 0 : i64, scratch_operands = 17 : i64, tpu.core_type = #tpu.core_type<sc_vector_subcore>, window_params = [{transform_indices = #map}, {transform_indices = #map1}, {transform_indices = #map1}, {transform_indices = #map}]} {
    %mul3A = arith.constant 2 : i32
    %mul3A_0 = arith.muli %arg1, %mul3A : i32
    %add3A = arith.addi %mul3A_0, %arg0 : i32
    %dma_start3A = arith.constant 0 : i32
    %dma_start3A_1 = arith.constant 0 : i32
    %dma_start3A_2 = tpu.memref_slice %arg3[%add3A, %dma_start3A, %dma_start3A_1] : memref<32x4x128xi32, #tpu.memory_space<hbm>> -> memref<1x4x128xi32, #tpu.memory_space<hbm>>
    %dma_start3A_3 = tpu.memref_squeeze %dma_start3A_2 : memref<1x4x128xi32, #tpu.memory_space<hbm>> -> memref<4x128xi32, #tpu.memory_space<hbm>>
    %dma_start3A_4 = arith.constant 0 : i32
    %dma_start3A_5 = arith.constant 0 : i32
    %dma_start3A_6 = tpu.memref_slice %arg3[%add3A, %dma_start3A_4, %dma_start3A_5] : memref<32x4x128xi32, #tpu.memory_space<hbm>> -> memref<1x4x128xi32, #tpu.memory_space<hbm>>
    %dma_start3A_7 = tpu.memref_squeeze %dma_start3A_6 : memref<1x4x128xi32, #tpu.memory_space<hbm>> -> memref<4x128xi32, #tpu.memory_space<hbm>>
    tpu.enqueue_dma source(%dma_start3A_7 : memref<4x128xi32, #tpu.memory_space<hbm>>) target(%arg6 : memref<4x128xi32, #tpu.memory_space<vmem>>) target_semaphore(%arg18 : memref<!tpu.dma_semaphore, #tpu.memory_space<semaphore_mem>>)
    %dma_start3A_8 = arith.constant 0 : i32
    %dma_start3A_9 = arith.constant 0 : i32
    %dma_start3A_10 = tpu.memref_slice %arg4[%add3A, %dma_start3A_8, %dma_start3A_9] : memref<32x4x128xf32, #tpu.memory_space<hbm>> -> memref<1x4x128xf32, #tpu.memory_space<hbm>>
    %dma_start3A_11 = tpu.memref_squeeze %dma_start3A_10 : memref<1x4x128xf32, #tpu.memory_space<hbm>> -> memref<4x128xf32, #tpu.memory_space<hbm>>
    %dma_start3A_12 = arith.constant 0 : i32
    %dma_start3A_13 = arith.constant 0 : i32
    %dma_start3A_14 = tpu.memref_slice %arg4[%add3A, %dma_start3A_12, %dma_start3A_13] : memref<32x4x128xf32, #tpu.memory_space<hbm>> -> memref<1x4x128xf32, #tpu.memory_space<hbm>>
    %dma_start3A_15 = tpu.memref_squeeze %dma_start3A_14 : memref<1x4x128xf32, #tpu.memory_space<hbm>> -> memref<4x128xf32, #tpu.memory_space<hbm>>
    tpu.enqueue_dma source(%dma_start3A_15 : memref<4x128xf32, #tpu.memory_space<hbm>>) target(%arg7 : memref<4x128xf32, #tpu.memory_space<vmem>>) target_semaphore(%arg18 : memref<!tpu.dma_semaphore, #tpu.memory_space<semaphore_mem>>)
    %dma_wait3A = arith.constant 0 : i32
    %dma_wait3A_16 = arith.constant 0 : i32
    %dma_wait3A_17 = tpu.memref_slice %arg3[%add3A, %dma_wait3A, %dma_wait3A_16] : memref<32x4x128xi32, #tpu.memory_space<hbm>> -> memref<1x4x128xi32, #tpu.memory_space<hbm>>
    %dma_wait3A_18 = tpu.memref_squeeze %dma_wait3A_17 : memref<1x4x128xi32, #tpu.memory_space<hbm>> -> memref<4x128xi32, #tpu.memory_space<hbm>>
    %dma_wait3A_19 = arith.constant 0 : i32
    %dma_wait3A_20 = arith.constant 0 : i32
    %dma_wait3A_21 = tpu.memref_slice %arg3[%add3A, %dma_wait3A_19, %dma_wait3A_20] : memref<32x4x128xi32, #tpu.memory_space<hbm>> -> memref<1x4x128xi32, #tpu.memory_space<hbm>>
    %dma_wait3A_22 = tpu.memref_squeeze %dma_wait3A_21 : memref<1x4x128xi32, #tpu.memory_space<hbm>> -> memref<4x128xi32, #tpu.memory_space<hbm>>
    tpu.wait_dma2 semaphore(%arg18 : memref<!tpu.dma_semaphore, #tpu.memory_space<semaphore_mem>>) src(%dma_wait3A_22 : memref<4x128xi32, #tpu.memory_space<hbm>>) dst(%arg6 : memref<4x128xi32, #tpu.memory_space<vmem>>)
    %dma_wait3A_23 = arith.constant 0 : i32
    %dma_wait3A_24 = arith.constant 0 : i32
    %dma_wait3A_25 = tpu.memref_slice %arg4[%add3A, %dma_wait3A_23, %dma_wait3A_24] : memref<32x4x128xf32, #tpu.memory_space<hbm>> -> memref<1x4x128xf32, #tpu.memory_space<hbm>>
    %dma_wait3A_26 = tpu.memref_squeeze %dma_wait3A_25 : memref<1x4x128xf32, #tpu.memory_space<hbm>> -> memref<4x128xf32, #tpu.memory_space<hbm>>
    %dma_wait3A_27 = arith.constant 0 : i32
    %dma_wait3A_28 = arith.constant 0 : i32
    %dma_wait3A_29 = tpu.memref_slice %arg4[%add3A, %dma_wait3A_27, %dma_wait3A_28] : memref<32x4x128xf32, #tpu.memory_space<hbm>> -> memref<1x4x128xf32, #tpu.memory_space<hbm>>
    %dma_wait3A_30 = tpu.memref_squeeze %dma_wait3A_29 : memref<1x4x128xf32, #tpu.memory_space<hbm>> -> memref<4x128xf32, #tpu.memory_space<hbm>>
    tpu.wait_dma2 semaphore(%arg18 : memref<!tpu.dma_semaphore, #tpu.memory_space<semaphore_mem>>) src(%dma_wait3A_30 : memref<4x128xf32, #tpu.memory_space<hbm>>) dst(%arg7 : memref<4x128xf32, #tpu.memory_space<vmem>>)
    %iota3A = tpu.iota {dimensions = array<i32: 0>} : vector<16xi32>
    %scan3A = arith.constant 0 : i32
    %scan3A_31 = arith.constant 0 : i32
    %scan3A_32 = arith.constant 8 : i32
    %scan3A_33 = arith.addi %scan3A_31, %scan3A_32 : i32
    %scan3A_34 = arith.constant 1 : i32
    %scan3A_35 = scf.for %scan3A_414 = %scan3A_31 to %scan3A_33 step %scan3A_34 iter_args(%scan3A_415 = %scan3A) -> (i32)  : i32 {
      %mul3A_416 = arith.constant 16 : i32
      %mul3A_417 = arith.muli %scan3A_414, %mul3A_416 : i32
      %get3A = arith.constant 0 : i32
      %get3A_418 = arith.index_cast %get3A : i32 to index
      %get3A_419 = arith.index_cast %mul3A_417 : i32 to index
      %get3A_420 = tpu.vector_load %arg6[%get3A_418, %get3A_419] {strides = array<i32>} : memref<4x128xi32, #tpu.memory_space<vmem>>, vector<16xi32>,
      %shift_right_logical3A = arith.constant 11 : i32
      %shift_right_logical3A_421 = vector.broadcast %shift_right_logical3A : i32 to vector<16xi32>
      %shift_right_logical3A_422 = arith.shrui %get3A_420, %shift_right_logical3A_421 : vector<16xi32>
      %mul3A_423 = arith.constant 2048 : i32
      %mul3A_424 = vector.broadcast %mul3A_423 : i32 to vector<16xi32>
      %mul3A_425 = arith.muli %shift_right_logical3A_422, %mul3A_424 : vector<16xi32>
      %shift_right_logical3A_426 = arith.constant 7 : i32
      %shift_right_logical3A_427 = vector.broadcast %shift_right_logical3A_426 : i32 to vector<16xi32>
      %shift_right_logical3A_428 = arith.shrui %get3A_420, %shift_right_logical3A_427 : vector<16xi32>
      %and3A = arith.constant 1 : i32
      %and3A_429 = vector.broadcast %and3A : i32 to vector<16xi32>
      %and3A_430 = arith.andi %shift_right_logical3A_428, %and3A_429 : vector<16xi32>
      %mul3A_431 = arith.constant 1024 : i32
      %mul3A_432 = vector.broadcast %mul3A_431 : i32 to vector<16xi32>
      %mul3A_433 = arith.muli %and3A_430, %mul3A_432 : vector<16xi32>
      %add3A_434 = arith.addi %mul3A_425, %mul3A_433 : vector<16xi32>
      %shift_right_logical3A_435 = arith.constant 8 : i32
      %shift_right_logical3A_436 = vector.broadcast %shift_right_logical3A_435 : i32 to vector<16xi32>
      %shift_right_logical3A_437 = arith.shrui %get3A_420, %shift_right_logical3A_436 : vector<16xi32>
      %and3A_438 = arith.constant 7 : i32
      %and3A_439 = vector.broadcast %and3A_438 : i32 to vector<16xi32>
      %and3A_440 = arith.andi %shift_right_logical3A_437, %and3A_439 : vector<16xi32>
      %mul3A_441 = arith.constant 128 : i32
      %mul3A_442 = vector.broadcast %mul3A_441 : i32 to vector<16xi32>
      %mul3A_443 = arith.muli %and3A_440, %mul3A_442 : vector<16xi32>
      %add3A_444 = arith.addi %add3A_434, %mul3A_443 : vector<16xi32>
      %and3A_445 = arith.constant 127 : i32
      %and3A_446 = vector.broadcast %and3A_445 : i32 to vector<16xi32>
      %and3A_447 = arith.andi %get3A_420, %and3A_446 : vector<16xi32>
      %add3A_448 = arith.addi %add3A_444, %and3A_447 : vector<16xi32>
      %shift_right_logical3A_449 = arith.constant 4 : i32
      %shift_right_logical3A_450 = vector.broadcast %shift_right_logical3A_449 : i32 to vector<16xi32>
      %shift_right_logical3A_451 = arith.shrui %add3A_448, %shift_right_logical3A_450 : vector<16xi32>
      %and3A_452 = arith.constant 15 : i32
      %and3A_453 = vector.broadcast %and3A_452 : i32 to vector<16xi32>
      %and3A_454 = arith.andi %get3A_420, %and3A_453 : vector<16xi32>
      %swap3A_455 = arith.constant 0 : i32
      %swap3A_456 = arith.index_cast %swap3A_455 : i32 to index
      %swap3A_457 = arith.index_cast %mul3A_417 : i32 to index
      %swap3A_458 = tpu.vector_load %arg8[%swap3A_456, %swap3A_457] {strides = array<i32>} : memref<4x128xi32, #tpu.memory_space<vmem>>, vector<16xi32>,
      tpu.vector_store %arg8[%swap3A_456, %swap3A_457], %and3A_454 {strides = array<i32>} : memref<4x128xi32, #tpu.memory_space<vmem>>, vector<16xi32>,
      %mul3A_459 = arith.constant 4 : i32
      %mul3A_460 = arith.muli %add3A, %mul3A_459 : i32
      %add3A_461 = arith.constant 0 : i32
      %add3A_462 = arith.addi %mul3A_460, %add3A_461 : i32
      %mul3A_463 = arith.constant 4096 : i32
      %mul3A_464 = arith.muli %add3A_462, %mul3A_463 : i32
      %add3A_465 = vector.broadcast %mul3A_464 : i32 to vector<16xi32>
      %add3A_466 = arith.addi %shift_right_logical3A_451, %add3A_465 : vector<16xi32>
      %mul3A_467 = arith.constant 16 : i32
      %mul3A_468 = arith.muli %scan3A_414, %mul3A_467 : i32
      %swap3A_469 = arith.constant 0 : i32
      %swap3A_470 = arith.index_cast %swap3A_469 : i32 to index
      %swap3A_471 = arith.index_cast %mul3A_468 : i32 to index
      %swap3A_472 = tpu.vector_load %arg9[%swap3A_470, %swap3A_471] {strides = array<i32>} : memref<16x128xi32, #tpu.memory_space<vmem>>, vector<16xi32>,
      tpu.vector_store %arg9[%swap3A_470, %swap3A_471], %add3A_466 {strides = array<i32>} : memref<16x128xi32, #tpu.memory_space<vmem>>, vector<16xi32>,
      %mul3A_473 = arith.constant 4 : i32
      %mul3A_474 = arith.muli %add3A, %mul3A_473 : i32
      %add3A_475 = arith.constant 1 : i32
      %add3A_476 = arith.addi %mul3A_474, %add3A_475 : i32
      %mul3A_477 = arith.constant 4096 : i32
      %mul3A_478 = arith.muli %add3A_476, %mul3A_477 : i32
      %add3A_479 = vector.broadcast %mul3A_478 : i32 to vector<16xi32>
      %add3A_480 = arith.addi %shift_right_logical3A_451, %add3A_479 : vector<16xi32>
      %mul3A_481 = arith.constant 16 : i32
      %mul3A_482 = arith.muli %scan3A_414, %mul3A_481 : i32
      %swap3A_483 = arith.constant 4 : i32
      %swap3A_484 = arith.index_cast %swap3A_483 : i32 to index
      %swap3A_485 = arith.index_cast %mul3A_482 : i32 to index
      %swap3A_486 = tpu.vector_load %arg9[%swap3A_484, %swap3A_485] {strides = array<i32>} : memref<16x128xi32, #tpu.memory_space<vmem>>, vector<16xi32>,
      tpu.vector_store %arg9[%swap3A_484, %swap3A_485], %add3A_480 {strides = array<i32>} : memref<16x128xi32, #tpu.memory_space<vmem>>, vector<16xi32>,
      %mul3A_487 = arith.constant 4 : i32
      %mul3A_488 = arith.muli %add3A, %mul3A_487 : i32
      %add3A_489 = arith.constant 2 : i32
      %add3A_490 = arith.addi %mul3A_488, %add3A_489 : i32
      %mul3A_491 = arith.constant 4096 : i32
      %mul3A_492 = arith.muli %add3A_490, %mul3A_491 : i32
      %add3A_493 = vector.broadcast %mul3A_492 : i32 to vector<16xi32>
      %add3A_494 = arith.addi %shift_right_logical3A_451, %add3A_493 : vector<16xi32>
      %mul3A_495 = arith.constant 16 : i32
      %mul3A_496 = arith.muli %scan3A_414, %mul3A_495 : i32
      %swap3A_497 = arith.constant 8 : i32
      %swap3A_498 = arith.index_cast %swap3A_497 : i32 to index
      %swap3A_499 = arith.index_cast %mul3A_496 : i32 to index
      %swap3A_500 = tpu.vector_load %arg9[%swap3A_498, %swap3A_499] {strides = array<i32>} : memref<16x128xi32, #tpu.memory_space<vmem>>, vector<16xi32>,
      tpu.vector_store %arg9[%swap3A_498, %swap3A_499], %add3A_494 {strides = array<i32>} : memref<16x128xi32, #tpu.memory_space<vmem>>, vector<16xi32>,
      %mul3A_501 = arith.constant 4 : i32
      %mul3A_502 = arith.muli %add3A, %mul3A_501 : i32
      %add3A_503 = arith.constant 3 : i32
      %add3A_504 = arith.addi %mul3A_502, %add3A_503 : i32
      %mul3A_505 = arith.constant 4096 : i32
      %mul3A_506 = arith.muli %add3A_504, %mul3A_505 : i32
      %add3A_507 = vector.broadcast %mul3A_506 : i32 to vector<16xi32>
      %add3A_508 = arith.addi %shift_right_logical3A_451, %add3A_507 : vector<16xi32>
      %mul3A_509 = arith.constant 16 : i32
      %mul3A_510 = arith.muli %scan3A_414, %mul3A_509 : i32
      %swap3A_511 = arith.constant 12 : i32
      %swap3A_512 = arith.index_cast %swap3A_511 : i32 to index
      %swap3A_513 = arith.index_cast %mul3A_510 : i32 to index
      %swap3A_514 = tpu.vector_load %arg9[%swap3A_512, %swap3A_513] {strides = array<i32>} : memref<16x128xi32, #tpu.memory_space<vmem>>, vector<16xi32>,
      tpu.vector_store %arg9[%swap3A_512, %swap3A_513], %add3A_508 {strides = array<i32>} : memref<16x128xi32, #tpu.memory_space<vmem>>, vector<16xi32>,
      %scan3A_515 = arith.constant 0 : i32
      scf.yield %scan3A_515 : i32
    }
    %scan3A_36 = arith.constant 8 : i32
    %dma_start3A_37 = arith.constant 0 : i32
    %dma_start3A_38 = arith.constant 0 : i32
    %dma_start3A_39 = arith.constant 0 : i32
    %dma_start3A_40 = tpu.memref_slice %arg10[%dma_start3A_38, %dma_start3A_39] : memref<512x16xf32, #tpu.memory_space<vmem>> -> memref<128x16xf32, #tpu.memory_space<vmem>>
    %dma_start3A_41 = arith.constant 0 : i32
    %dma_start3A_42 = tpu.memref_slice %arg9[%dma_start3A_37, %dma_start3A_41] : memref<16x128xi32, #tpu.memory_space<vmem>> -> memref<1x128xi32, #tpu.memory_space<vmem>>
    %dma_start3A_43 = tpu.memref_squeeze %dma_start3A_42 : memref<1x128xi32, #tpu.memory_space<vmem>> -> memref<128xi32, #tpu.memory_space<vmem>>
    %dma_start3A_44 = arith.constant 0 : i32
    %dma_start3A_45 = arith.constant 0 : i32
    %dma_start3A_46 = tpu.memref_slice %arg2[%dma_start3A_44, %dma_start3A_45] : memref<524288x16xf32, #tpu.memory_space<hbm>> -> memref<524288x16xf32, #tpu.memory_space<hbm>>
    tpu.enqueue_indirect_dma source(%dma_start3A_46 : memref<524288x16xf32, #tpu.memory_space<hbm>>) target(%dma_start3A_40 : memref<128x16xf32, #tpu.memory_space<vmem>>) offsets(%dma_start3A_43 : memref<128xi32, #tpu.memory_space<vmem>>) semaphore(%arg19 : memref<!tpu.dma_semaphore, #tpu.memory_space<semaphore_mem>>)
    %dma_start3A_47 = arith.constant 4 : i32
    %dma_start3A_48 = arith.constant 0 : i32
    %dma_start3A_49 = arith.constant 0 : i32
    %dma_start3A_50 = tpu.memref_slice %arg11[%dma_start3A_48, %dma_start3A_49] : memref<512x16xf32, #tpu.memory_space<vmem>> -> memref<128x16xf32, #tpu.memory_space<vmem>>
    %dma_start3A_51 = arith.constant 0 : i32
    %dma_start3A_52 = tpu.memref_slice %arg9[%dma_start3A_47, %dma_start3A_51] : memref<16x128xi32, #tpu.memory_space<vmem>> -> memref<1x128xi32, #tpu.memory_space<vmem>>
    %dma_start3A_53 = tpu.memref_squeeze %dma_start3A_52 : memref<1x128xi32, #tpu.memory_space<vmem>> -> memref<128xi32, #tpu.memory_space<vmem>>
    %dma_start3A_54 = arith.constant 0 : i32
    %dma_start3A_55 = arith.constant 0 : i32
    %dma_start3A_56 = tpu.memref_slice %arg2[%dma_start3A_54, %dma_start3A_55] : memref<524288x16xf32, #tpu.memory_space<hbm>> -> memref<524288x16xf32, #tpu.memory_space<hbm>>
    tpu.enqueue_indirect_dma source(%dma_start3A_56 : memref<524288x16xf32, #tpu.memory_space<hbm>>) target(%dma_start3A_50 : memref<128x16xf32, #tpu.memory_space<vmem>>) offsets(%dma_start3A_53 : memref<128xi32, #tpu.memory_space<vmem>>) semaphore(%arg19 : memref<!tpu.dma_semaphore, #tpu.memory_space<semaphore_mem>>)
    %dma_start3A_57 = arith.constant 8 : i32
    %dma_start3A_58 = arith.constant 0 : i32
    %dma_start3A_59 = arith.constant 0 : i32
    %dma_start3A_60 = tpu.memref_slice %arg12[%dma_start3A_58, %dma_start3A_59] : memref<512x16xf32, #tpu.memory_space<vmem>> -> memref<128x16xf32, #tpu.memory_space<vmem>>
    %dma_start3A_61 = arith.constant 0 : i32
    %dma_start3A_62 = tpu.memref_slice %arg9[%dma_start3A_57, %dma_start3A_61] : memref<16x128xi32, #tpu.memory_space<vmem>> -> memref<1x128xi32, #tpu.memory_space<vmem>>
    %dma_start3A_63 = tpu.memref_squeeze %dma_start3A_62 : memref<1x128xi32, #tpu.memory_space<vmem>> -> memref<128xi32, #tpu.memory_space<vmem>>
    %dma_start3A_64 = arith.constant 0 : i32
    %dma_start3A_65 = arith.constant 0 : i32
    %dma_start3A_66 = tpu.memref_slice %arg2[%dma_start3A_64, %dma_start3A_65] : memref<524288x16xf32, #tpu.memory_space<hbm>> -> memref<524288x16xf32, #tpu.memory_space<hbm>>
    tpu.enqueue_indirect_dma source(%dma_start3A_66 : memref<524288x16xf32, #tpu.memory_space<hbm>>) target(%dma_start3A_60 : memref<128x16xf32, #tpu.memory_space<vmem>>) offsets(%dma_start3A_63 : memref<128xi32, #tpu.memory_space<vmem>>) semaphore(%arg19 : memref<!tpu.dma_semaphore, #tpu.memory_space<semaphore_mem>>)
    %dma_start3A_67 = arith.constant 12 : i32
    %dma_start3A_68 = arith.constant 0 : i32
    %dma_start3A_69 = arith.constant 0 : i32
    %dma_start3A_70 = tpu.memref_slice %arg13[%dma_start3A_68, %dma_start3A_69] : memref<512x16xf32, #tpu.memory_space<vmem>> -> memref<128x16xf32, #tpu.memory_space<vmem>>
    %dma_start3A_71 = arith.constant 0 : i32
    %dma_start3A_72 = tpu.memref_slice %arg9[%dma_start3A_67, %dma_start3A_71] : memref<16x128xi32, #tpu.memory_space<vmem>> -> memref<1x128xi32, #tpu.memory_space<vmem>>
    %dma_start3A_73 = tpu.memref_squeeze %dma_start3A_72 : memref<1x128xi32, #tpu.memory_space<vmem>> -> memref<128xi32, #tpu.memory_space<vmem>>
    %dma_start3A_74 = arith.constant 0 : i32
    %dma_start3A_75 = arith.constant 0 : i32
    %dma_start3A_76 = tpu.memref_slice %arg2[%dma_start3A_74, %dma_start3A_75] : memref<524288x16xf32, #tpu.memory_space<hbm>> -> memref<524288x16xf32, #tpu.memory_space<hbm>>
    tpu.enqueue_indirect_dma source(%dma_start3A_76 : memref<524288x16xf32, #tpu.memory_space<hbm>>) target(%dma_start3A_70 : memref<128x16xf32, #tpu.memory_space<vmem>>) offsets(%dma_start3A_73 : memref<128xi32, #tpu.memory_space<vmem>>) semaphore(%arg19 : memref<!tpu.dma_semaphore, #tpu.memory_space<semaphore_mem>>)
    %scan3A_77 = arith.constant 0 : i32
    %scan3A_78 = arith.constant 0 : i32
    %scan3A_79 = arith.constant 8 : i32
    %scan3A_80 = arith.addi %scan3A_78, %scan3A_79 : i32
    %scan3A_81 = arith.constant 1 : i32
    %scan3A_82 = scf.for %scan3A_414 = %scan3A_78 to %scan3A_80 step %scan3A_81 iter_args(%scan3A_415 = %scan3A_77) -> (i32)  : i32 {
      %mul3A_416 = arith.constant 16 : i32
      %mul3A_417 = arith.muli %scan3A_414, %mul3A_416 : i32
      %get3A = arith.constant 1 : i32
      %get3A_418 = arith.index_cast %get3A : i32 to index
      %get3A_419 = arith.index_cast %mul3A_417 : i32 to index
      %get3A_420 = tpu.vector_load %arg6[%get3A_418, %get3A_419] {strides = array<i32>} : memref<4x128xi32, #tpu.memory_space<vmem>>, vector<16xi32>,
      %shift_right_logical3A = arith.constant 11 : i32
      %shift_right_logical3A_421 = vector.broadcast %shift_right_logical3A : i32 to vector<16xi32>
      %shift_right_logical3A_422 = arith.shrui %get3A_420, %shift_right_logical3A_421 : vector<16xi32>
      %mul3A_423 = arith.constant 2048 : i32
      %mul3A_424 = vector.broadcast %mul3A_423 : i32 to vector<16xi32>
      %mul3A_425 = arith.muli %shift_right_logical3A_422, %mul3A_424 : vector<16xi32>
      %shift_right_logical3A_426 = arith.constant 7 : i32
      %shift_right_logical3A_427 = vector.broadcast %shift_right_logical3A_426 : i32 to vector<16xi32>
      %shift_right_logical3A_428 = arith.shrui %get3A_420, %shift_right_logical3A_427 : vector<16xi32>
      %and3A = arith.constant 1 : i32
      %and3A_429 = vector.broadcast %and3A : i32 to vector<16xi32>
      %and3A_430 = arith.andi %shift_right_logical3A_428, %and3A_429 : vector<16xi32>
      %mul3A_431 = arith.constant 1024 : i32
      %mul3A_432 = vector.broadcast %mul3A_431 : i32 to vector<16xi32>
      %mul3A_433 = arith.muli %and3A_430, %mul3A_432 : vector<16xi32>
      %add3A_434 = arith.addi %mul3A_425, %mul3A_433 : vector<16xi32>
      %shift_right_logical3A_435 = arith.constant 8 : i32
      %shift_right_logical3A_436 = vector.broadcast %shift_right_logical3A_435 : i32 to vector<16xi32>
      %shift_right_logical3A_437 = arith.shrui %get3A_420, %shift_right_logical3A_436 : vector<16xi32>
      %and3A_438 = arith.constant 7 : i32
      %and3A_439 = vector.broadcast %and3A_438 : i32 to vector<16xi32>
      %and3A_440 = arith.andi %shift_right_logical3A_437, %and3A_439 : vector<16xi32>
      %mul3A_441 = arith.constant 128 : i32
      %mul3A_442 = vector.broadcast %mul3A_441 : i32 to vector<16xi32>
      %mul3A_443 = arith.muli %and3A_440, %mul3A_442 : vector<16xi32>
      %add3A_444 = arith.addi %add3A_434, %mul3A_443 : vector<16xi32>
      %and3A_445 = arith.constant 127 : i32
      %and3A_446 = vector.broadcast %and3A_445 : i32 to vector<16xi32>
      %and3A_447 = arith.andi %get3A_420, %and3A_446 : vector<16xi32>
      %add3A_448 = arith.addi %add3A_444, %and3A_447 : vector<16xi32>
      %shift_right_logical3A_449 = arith.constant 4 : i32
      %shift_right_logical3A_450 = vector.broadcast %shift_right_logical3A_449 : i32 to vector<16xi32>
      %shift_right_logical3A_451 = arith.shrui %add3A_448, %shift_right_logical3A_450 : vector<16xi32>
      %and3A_452 = arith.constant 15 : i32
      %and3A_453 = vector.broadcast %and3A_452 : i32 to vector<16xi32>
      %and3A_454 = arith.andi %get3A_420, %and3A_453 : vector<16xi32>
      %swap3A_455 = arith.constant 1 : i32
      %swap3A_456 = arith.index_cast %swap3A_455 : i32 to index
      %swap3A_457 = arith.index_cast %mul3A_417 : i32 to index
      %swap3A_458 = tpu.vector_load %arg8[%swap3A_456, %swap3A_457] {strides = array<i32>} : memref<4x128xi32, #tpu.memory_space<vmem>>, vector<16xi32>,
      tpu.vector_store %arg8[%swap3A_456, %swap3A_457], %and3A_454 {strides = array<i32>} : memref<4x128xi32, #tpu.memory_space<vmem>>, vector<16xi32>,
      %mul3A_459 = arith.constant 4 : i32
      %mul3A_460 = arith.muli %add3A, %mul3A_459 : i32
      %add3A_461 = arith.constant 0 : i32
      %add3A_462 = arith.addi %mul3A_460, %add3A_461 : i32
      %mul3A_463 = arith.constant 4096 : i32
      %mul3A_464 = arith.muli %add3A_462, %mul3A_463 : i32
      %add3A_465 = vector.broadcast %mul3A_464 : i32 to vector<16xi32>
      %add3A_466 = arith.addi %shift_right_logical3A_451, %add3A_465 : vector<16xi32>
      %mul3A_467 = arith.constant 16 : i32
      %mul3A_468 = arith.muli %scan3A_414, %mul3A_467 : i32
      %swap3A_469 = arith.constant 1 : i32
      %swap3A_470 = arith.index_cast %swap3A_469 : i32 to index
      %swap3A_471 = arith.index_cast %mul3A_468 : i32 to index
      %swap3A_472 = tpu.vector_load %arg9[%swap3A_470, %swap3A_471] {strides = array<i32>} : memref<16x128xi32, #tpu.memory_space<vmem>>, vector<16xi32>,
      tpu.vector_store %arg9[%swap3A_470, %swap3A_471], %add3A_466 {strides = array<i32>} : memref<16x128xi32, #tpu.memory_space<vmem>>, vector<16xi32>,
      %mul3A_473 = arith.constant 4 : i32
      %mul3A_474 = arith.muli %add3A, %mul3A_473 : i32
      %add3A_475 = arith.constant 1 : i32
      %add3A_476 = arith.addi %mul3A_474, %add3A_475 : i32
      %mul3A_477 = arith.constant 4096 : i32
      %mul3A_478 = arith.muli %add3A_476, %mul3A_477 : i32
      %add3A_479 = vector.broadcast %mul3A_478 : i32 to vector<16xi32>
      %add3A_480 = arith.addi %shift_right_logical3A_451, %add3A_479 : vector<16xi32>
      %mul3A_481 = arith.constant 16 : i32
      %mul3A_482 = arith.muli %scan3A_414, %mul3A_481 : i32
      %swap3A_483 = arith.constant 5 : i32
      %swap3A_484 = arith.index_cast %swap3A_483 : i32 to index
      %swap3A_485 = arith.index_cast %mul3A_482 : i32 to index
      %swap3A_486 = tpu.vector_load %arg9[%swap3A_484, %swap3A_485] {strides = array<i32>} : memref<16x128xi32, #tpu.memory_space<vmem>>, vector<16xi32>,
      tpu.vector_store %arg9[%swap3A_484, %swap3A_485], %add3A_480 {strides = array<i32>} : memref<16x128xi32, #tpu.memory_space<vmem>>, vector<16xi32>,
      %mul3A_487 = arith.constant 4 : i32
      %mul3A_488 = arith.muli %add3A, %mul3A_487 : i32
      %add3A_489 = arith.constant 2 : i32
      %add3A_490 = arith.addi %mul3A_488, %add3A_489 : i32
      %mul3A_491 = arith.constant 4096 : i32
      %mul3A_492 = arith.muli %add3A_490, %mul3A_491 : i32
      %add3A_493 = vector.broadcast %mul3A_492 : i32 to vector<16xi32>
      %add3A_494 = arith.addi %shift_right_logical3A_451, %add3A_493 : vector<16xi32>
      %mul3A_495 = arith.constant 16 : i32
      %mul3A_496 = arith.muli %scan3A_414, %mul3A_495 : i32
      %swap3A_497 = arith.constant 9 : i32
      %swap3A_498 = arith.index_cast %swap3A_497 : i32 to index
      %swap3A_499 = arith.index_cast %mul3A_496 : i32 to index
      %swap3A_500 = tpu.vector_load %arg9[%swap3A_498, %swap3A_499] {strides = array<i32>} : memref<16x128xi32, #tpu.memory_space<vmem>>, vector<16xi32>,
      tpu.vector_store %arg9[%swap3A_498, %swap3A_499], %add3A_494 {strides = array<i32>} : memref<16x128xi32, #tpu.memory_space<vmem>>, vector<16xi32>,
      %mul3A_501 = arith.constant 4 : i32
      %mul3A_502 = arith.muli %add3A, %mul3A_501 : i32
      %add3A_503 = arith.constant 3 : i32
      %add3A_504 = arith.addi %mul3A_502, %add3A_503 : i32
      %mul3A_505 = arith.constant 4096 : i32
      %mul3A_506 = arith.muli %add3A_504, %mul3A_505 : i32
      %add3A_507 = vector.broadcast %mul3A_506 : i32 to vector<16xi32>
      %add3A_508 = arith.addi %shift_right_logical3A_451, %add3A_507 : vector<16xi32>
      %mul3A_509 = arith.constant 16 : i32
      %mul3A_510 = arith.muli %scan3A_414, %mul3A_509 : i32
      %swap3A_511 = arith.constant 13 : i32
      %swap3A_512 = arith.index_cast %swap3A_511 : i32 to index
      %swap3A_513 = arith.index_cast %mul3A_510 : i32 to index
      %swap3A_514 = tpu.vector_load %arg9[%swap3A_512, %swap3A_513] {strides = array<i32>} : memref<16x128xi32, #tpu.memory_space<vmem>>, vector<16xi32>,
      tpu.vector_store %arg9[%swap3A_512, %swap3A_513], %add3A_508 {strides = array<i32>} : memref<16x128xi32, #tpu.memory_space<vmem>>, vector<16xi32>,
      %scan3A_515 = arith.constant 0 : i32
      scf.yield %scan3A_515 : i32
    }
    %scan3A_83 = arith.constant 8 : i32
    %dma_start3A_84 = arith.constant 1 : i32
    %dma_start3A_85 = arith.constant 128 : i32
    %dma_start3A_86 = arith.constant 0 : i32
    %dma_start3A_87 = tpu.memref_slice %arg10[%dma_start3A_85, %dma_start3A_86] : memref<512x16xf32, #tpu.memory_space<vmem>> -> memref<128x16xf32, #tpu.memory_space<vmem>>
    %dma_start3A_88 = arith.constant 0 : i32
    %dma_start3A_89 = tpu.memref_slice %arg9[%dma_start3A_84, %dma_start3A_88] : memref<16x128xi32, #tpu.memory_space<vmem>> -> memref<1x128xi32, #tpu.memory_space<vmem>>
    %dma_start3A_90 = tpu.memref_squeeze %dma_start3A_89 : memref<1x128xi32, #tpu.memory_space<vmem>> -> memref<128xi32, #tpu.memory_space<vmem>>
    %dma_start3A_91 = arith.constant 0 : i32
    %dma_start3A_92 = arith.constant 0 : i32
    %dma_start3A_93 = tpu.memref_slice %arg2[%dma_start3A_91, %dma_start3A_92] : memref<524288x16xf32, #tpu.memory_space<hbm>> -> memref<524288x16xf32, #tpu.memory_space<hbm>>
    tpu.enqueue_indirect_dma source(%dma_start3A_93 : memref<524288x16xf32, #tpu.memory_space<hbm>>) target(%dma_start3A_87 : memref<128x16xf32, #tpu.memory_space<vmem>>) offsets(%dma_start3A_90 : memref<128xi32, #tpu.memory_space<vmem>>) semaphore(%arg20 : memref<!tpu.dma_semaphore, #tpu.memory_space<semaphore_mem>>)
    %dma_start3A_94 = arith.constant 5 : i32
    %dma_start3A_95 = arith.constant 128 : i32
    %dma_start3A_96 = arith.constant 0 : i32
    %dma_start3A_97 = tpu.memref_slice %arg11[%dma_start3A_95, %dma_start3A_96] : memref<512x16xf32, #tpu.memory_space<vmem>> -> memref<128x16xf32, #tpu.memory_space<vmem>>
    %dma_start3A_98 = arith.constant 0 : i32
    %dma_start3A_99 = tpu.memref_slice %arg9[%dma_start3A_94, %dma_start3A_98] : memref<16x128xi32, #tpu.memory_space<vmem>> -> memref<1x128xi32, #tpu.memory_space<vmem>>
    %dma_start3A_100 = tpu.memref_squeeze %dma_start3A_99 : memref<1x128xi32, #tpu.memory_space<vmem>> -> memref<128xi32, #tpu.memory_space<vmem>>
    %dma_start3A_101 = arith.constant 0 : i32
    %dma_start3A_102 = arith.constant 0 : i32
    %dma_start3A_103 = tpu.memref_slice %arg2[%dma_start3A_101, %dma_start3A_102] : memref<524288x16xf32, #tpu.memory_space<hbm>> -> memref<524288x16xf32, #tpu.memory_space<hbm>>
    tpu.enqueue_indirect_dma source(%dma_start3A_103 : memref<524288x16xf32, #tpu.memory_space<hbm>>) target(%dma_start3A_97 : memref<128x16xf32, #tpu.memory_space<vmem>>) offsets(%dma_start3A_100 : memref<128xi32, #tpu.memory_space<vmem>>) semaphore(%arg20 : memref<!tpu.dma_semaphore, #tpu.memory_space<semaphore_mem>>)
    %dma_start3A_104 = arith.constant 9 : i32
    %dma_start3A_105 = arith.constant 128 : i32
    %dma_start3A_106 = arith.constant 0 : i32
    %dma_start3A_107 = tpu.memref_slice %arg12[%dma_start3A_105, %dma_start3A_106] : memref<512x16xf32, #tpu.memory_space<vmem>> -> memref<128x16xf32, #tpu.memory_space<vmem>>
    %dma_start3A_108 = arith.constant 0 : i32
    %dma_start3A_109 = tpu.memref_slice %arg9[%dma_start3A_104, %dma_start3A_108] : memref<16x128xi32, #tpu.memory_space<vmem>> -> memref<1x128xi32, #tpu.memory_space<vmem>>
    %dma_start3A_110 = tpu.memref_squeeze %dma_start3A_109 : memref<1x128xi32, #tpu.memory_space<vmem>> -> memref<128xi32, #tpu.memory_space<vmem>>
    %dma_start3A_111 = arith.constant 0 : i32
    %dma_start3A_112 = arith.constant 0 : i32
    %dma_start3A_113 = tpu.memref_slice %arg2[%dma_start3A_111, %dma_start3A_112] : memref<524288x16xf32, #tpu.memory_space<hbm>> -> memref<524288x16xf32, #tpu.memory_space<hbm>>
    tpu.enqueue_indirect_dma source(%dma_start3A_113 : memref<524288x16xf32, #tpu.memory_space<hbm>>) target(%dma_start3A_107 : memref<128x16xf32, #tpu.memory_space<vmem>>) offsets(%dma_start3A_110 : memref<128xi32, #tpu.memory_space<vmem>>) semaphore(%arg20 : memref<!tpu.dma_semaphore, #tpu.memory_space<semaphore_mem>>)
    %dma_start3A_114 = arith.constant 13 : i32
    %dma_start3A_115 = arith.constant 128 : i32
    %dma_start3A_116 = arith.constant 0 : i32
    %dma_start3A_117 = tpu.memref_slice %arg13[%dma_start3A_115, %dma_start3A_116] : memref<512x16xf32, #tpu.memory_space<vmem>> -> memref<128x16xf32, #tpu.memory_space<vmem>>
    %dma_start3A_118 = arith.constant 0 : i32
    %dma_start3A_119 = tpu.memref_slice %arg9[%dma_start3A_114, %dma_start3A_118] : memref<16x128xi32, #tpu.memory_space<vmem>> -> memref<1x128xi32, #tpu.memory_space<vmem>>
    %dma_start3A_120 = tpu.memref_squeeze %dma_start3A_119 : memref<1x128xi32, #tpu.memory_space<vmem>> -> memref<128xi32, #tpu.memory_space<vmem>>
    %dma_start3A_121 = arith.constant 0 : i32
    %dma_start3A_122 = arith.constant 0 : i32
    %dma_start3A_123 = tpu.memref_slice %arg2[%dma_start3A_121, %dma_start3A_122] : memref<524288x16xf32, #tpu.memory_space<hbm>> -> memref<524288x16xf32, #tpu.memory_space<hbm>>
    tpu.enqueue_indirect_dma source(%dma_start3A_123 : memref<524288x16xf32, #tpu.memory_space<hbm>>) target(%dma_start3A_117 : memref<128x16xf32, #tpu.memory_space<vmem>>) offsets(%dma_start3A_120 : memref<128xi32, #tpu.memory_space<vmem>>) semaphore(%arg20 : memref<!tpu.dma_semaphore, #tpu.memory_space<semaphore_mem>>)
    %scan3A_124 = arith.constant 0 : i32
    %scan3A_125 = arith.constant 0 : i32
    %scan3A_126 = arith.constant 8 : i32
    %scan3A_127 = arith.addi %scan3A_125, %scan3A_126 : i32
    %scan3A_128 = arith.constant 1 : i32
    %scan3A_129 = scf.for %scan3A_414 = %scan3A_125 to %scan3A_127 step %scan3A_128 iter_args(%scan3A_415 = %scan3A_124) -> (i32)  : i32 {
      %mul3A_416 = arith.constant 16 : i32
      %mul3A_417 = arith.muli %scan3A_414, %mul3A_416 : i32
      %get3A = arith.constant 2 : i32
      %get3A_418 = arith.index_cast %get3A : i32 to index
      %get3A_419 = arith.index_cast %mul3A_417 : i32 to index
      %get3A_420 = tpu.vector_load %arg6[%get3A_418, %get3A_419] {strides = array<i32>} : memref<4x128xi32, #tpu.memory_space<vmem>>, vector<16xi32>,
      %shift_right_logical3A = arith.constant 11 : i32
      %shift_right_logical3A_421 = vector.broadcast %shift_right_logical3A : i32 to vector<16xi32>
      %shift_right_logical3A_422 = arith.shrui %get3A_420, %shift_right_logical3A_421 : vector<16xi32>
      %mul3A_423 = arith.constant 2048 : i32
      %mul3A_424 = vector.broadcast %mul3A_423 : i32 to vector<16xi32>
      %mul3A_425 = arith.muli %shift_right_logical3A_422, %mul3A_424 : vector<16xi32>
      %shift_right_logical3A_426 = arith.constant 7 : i32
      %shift_right_logical3A_427 = vector.broadcast %shift_right_logical3A_426 : i32 to vector<16xi32>
      %shift_right_logical3A_428 = arith.shrui %get3A_420, %shift_right_logical3A_427 : vector<16xi32>
      %and3A = arith.constant 1 : i32
      %and3A_429 = vector.broadcast %and3A : i32 to vector<16xi32>
      %and3A_430 = arith.andi %shift_right_logical3A_428, %and3A_429 : vector<16xi32>
      %mul3A_431 = arith.constant 1024 : i32
      %mul3A_432 = vector.broadcast %mul3A_431 : i32 to vector<16xi32>
      %mul3A_433 = arith.muli %and3A_430, %mul3A_432 : vector<16xi32>
      %add3A_434 = arith.addi %mul3A_425, %mul3A_433 : vector<16xi32>
      %shift_right_logical3A_435 = arith.constant 8 : i32
      %shift_right_logical3A_436 = vector.broadcast %shift_right_logical3A_435 : i32 to vector<16xi32>
      %shift_right_logical3A_437 = arith.shrui %get3A_420, %shift_right_logical3A_436 : vector<16xi32>
      %and3A_438 = arith.constant 7 : i32
      %and3A_439 = vector.broadcast %and3A_438 : i32 to vector<16xi32>
      %and3A_440 = arith.andi %shift_right_logical3A_437, %and3A_439 : vector<16xi32>
      %mul3A_441 = arith.constant 128 : i32
      %mul3A_442 = vector.broadcast %mul3A_441 : i32 to vector<16xi32>
      %mul3A_443 = arith.muli %and3A_440, %mul3A_442 : vector<16xi32>
      %add3A_444 = arith.addi %add3A_434, %mul3A_443 : vector<16xi32>
      %and3A_445 = arith.constant 127 : i32
      %and3A_446 = vector.broadcast %and3A_445 : i32 to vector<16xi32>
      %and3A_447 = arith.andi %get3A_420, %and3A_446 : vector<16xi32>
      %add3A_448 = arith.addi %add3A_444, %and3A_447 : vector<16xi32>
      %shift_right_logical3A_449 = arith.constant 4 : i32
      %shift_right_logical3A_450 = vector.broadcast %shift_right_logical3A_449 : i32 to vector<16xi32>
      %shift_right_logical3A_451 = arith.shrui %add3A_448, %shift_right_logical3A_450 : vector<16xi32>
      %and3A_452 = arith.constant 15 : i32
      %and3A_453 = vector.broadcast %and3A_452 : i32 to vector<16xi32>
      %and3A_454 = arith.andi %get3A_420, %and3A_453 : vector<16xi32>
      %swap3A_455 = arith.constant 2 : i32
      %swap3A_456 = arith.index_cast %swap3A_455 : i32 to index
      %swap3A_457 = arith.index_cast %mul3A_417 : i32 to index
      %swap3A_458 = tpu.vector_load %arg8[%swap3A_456, %swap3A_457] {strides = array<i32>} : memref<4x128xi32, #tpu.memory_space<vmem>>, vector<16xi32>,
      tpu.vector_store %arg8[%swap3A_456, %swap3A_457], %and3A_454 {strides = array<i32>} : memref<4x128xi32, #tpu.memory_space<vmem>>, vector<16xi32>,
      %mul3A_459 = arith.constant 4 : i32
      %mul3A_460 = arith.muli %add3A, %mul3A_459 : i32
      %add3A_461 = arith.constant 0 : i32
      %add3A_462 = arith.addi %mul3A_460, %add3A_461 : i32
      %mul3A_463 = arith.constant 4096 : i32
      %mul3A_464 = arith.muli %add3A_462, %mul3A_463 : i32
      %add3A_465 = vector.broadcast %mul3A_464 : i32 to vector<16xi32>
      %add3A_466 = arith.addi %shift_right_logical3A_451, %add3A_465 : vector<16xi32>
      %mul3A_467 = arith.constant 16 : i32
      %mul3A_468 = arith.muli %scan3A_414, %mul3A_467 : i32
      %swap3A_469 = arith.constant 2 : i32
      %swap3A_470 = arith.index_cast %swap3A_469 : i32 to index
      %swap3A_471 = arith.index_cast %mul3A_468 : i32 to index
      %swap3A_472 = tpu.vector_load %arg9[%swap3A_470, %swap3A_471] {strides = array<i32>} : memref<16x128xi32, #tpu.memory_space<vmem>>, vector<16xi32>,
      tpu.vector_store %arg9[%swap3A_470, %swap3A_471], %add3A_466 {strides = array<i32>} : memref<16x128xi32, #tpu.memory_space<vmem>>, vector<16xi32>,
      %mul3A_473 = arith.constant 4 : i32
      %mul3A_474 = arith.muli %add3A, %mul3A_473 : i32
      %add3A_475 = arith.constant 1 : i32
      %add3A_476 = arith.addi %mul3A_474, %add3A_475 : i32
      %mul3A_477 = arith.constant 4096 : i32
      %mul3A_478 = arith.muli %add3A_476, %mul3A_477 : i32
      %add3A_479 = vector.broadcast %mul3A_478 : i32 to vector<16xi32>
      %add3A_480 = arith.addi %shift_right_logical3A_451, %add3A_479 : vector<16xi32>
      %mul3A_481 = arith.constant 16 : i32
      %mul3A_482 = arith.muli %scan3A_414, %mul3A_481 : i32
      %swap3A_483 = arith.constant 6 : i32
      %swap3A_484 = arith.index_cast %swap3A_483 : i32 to index
      %swap3A_485 = arith.index_cast %mul3A_482 : i32 to index
      %swap3A_486 = tpu.vector_load %arg9[%swap3A_484, %swap3A_485] {strides = array<i32>} : memref<16x128xi32, #tpu.memory_space<vmem>>, vector<16xi32>,
      tpu.vector_store %arg9[%swap3A_484, %swap3A_485], %add3A_480 {strides = array<i32>} : memref<16x128xi32, #tpu.memory_space<vmem>>, vector<16xi32>,
      %mul3A_487 = arith.constant 4 : i32
      %mul3A_488 = arith.muli %add3A, %mul3A_487 : i32
      %add3A_489 = arith.constant 2 : i32
      %add3A_490 = arith.addi %mul3A_488, %add3A_489 : i32
      %mul3A_491 = arith.constant 4096 : i32
      %mul3A_492 = arith.muli %add3A_490, %mul3A_491 : i32
      %add3A_493 = vector.broadcast %mul3A_492 : i32 to vector<16xi32>
      %add3A_494 = arith.addi %shift_right_logical3A_451, %add3A_493 : vector<16xi32>
      %mul3A_495 = arith.constant 16 : i32
      %mul3A_496 = arith.muli %scan3A_414, %mul3A_495 : i32
      %swap3A_497 = arith.constant 10 : i32
      %swap3A_498 = arith.index_cast %swap3A_497 : i32 to index
      %swap3A_499 = arith.index_cast %mul3A_496 : i32 to index
      %swap3A_500 = tpu.vector_load %arg9[%swap3A_498, %swap3A_499] {strides = array<i32>} : memref<16x128xi32, #tpu.memory_space<vmem>>, vector<16xi32>,
      tpu.vector_store %arg9[%swap3A_498, %swap3A_499], %add3A_494 {strides = array<i32>} : memref<16x128xi32, #tpu.memory_space<vmem>>, vector<16xi32>,
      %mul3A_501 = arith.constant 4 : i32
      %mul3A_502 = arith.muli %add3A, %mul3A_501 : i32
      %add3A_503 = arith.constant 3 : i32
      %add3A_504 = arith.addi %mul3A_502, %add3A_503 : i32
      %mul3A_505 = arith.constant 4096 : i32
      %mul3A_506 = arith.muli %add3A_504, %mul3A_505 : i32
      %add3A_507 = vector.broadcast %mul3A_506 : i32 to vector<16xi32>
      %add3A_508 = arith.addi %shift_right_logical3A_451, %add3A_507 : vector<16xi32>
      %mul3A_509 = arith.constant 16 : i32
      %mul3A_510 = arith.muli %scan3A_414, %mul3A_509 : i32
      %swap3A_511 = arith.constant 14 : i32
      %swap3A_512 = arith.index_cast %swap3A_511 : i32 to index
      %swap3A_513 = arith.index_cast %mul3A_510 : i32 to index
      %swap3A_514 = tpu.vector_load %arg9[%swap3A_512, %swap3A_513] {strides = array<i32>} : memref<16x128xi32, #tpu.memory_space<vmem>>, vector<16xi32>,
      tpu.vector_store %arg9[%swap3A_512, %swap3A_513], %add3A_508 {strides = array<i32>} : memref<16x128xi32, #tpu.memory_space<vmem>>, vector<16xi32>,
      %scan3A_515 = arith.constant 0 : i32
      scf.yield %scan3A_515 : i32
    }
    %scan3A_130 = arith.constant 8 : i32
    %dma_start3A_131 = arith.constant 2 : i32
    %dma_start3A_132 = arith.constant 256 : i32
    %dma_start3A_133 = arith.constant 0 : i32
    %dma_start3A_134 = tpu.memref_slice %arg10[%dma_start3A_132, %dma_start3A_133] : memref<512x16xf32, #tpu.memory_space<vmem>> -> memref<128x16xf32, #tpu.memory_space<vmem>>
    %dma_start3A_135 = arith.constant 0 : i32
    %dma_start3A_136 = tpu.memref_slice %arg9[%dma_start3A_131, %dma_start3A_135] : memref<16x128xi32, #tpu.memory_space<vmem>> -> memref<1x128xi32, #tpu.memory_space<vmem>>
    %dma_start3A_137 = tpu.memref_squeeze %dma_start3A_136 : memref<1x128xi32, #tpu.memory_space<vmem>> -> memref<128xi32, #tpu.memory_space<vmem>>
    %dma_start3A_138 = arith.constant 0 : i32
    %dma_start3A_139 = arith.constant 0 : i32
    %dma_start3A_140 = tpu.memref_slice %arg2[%dma_start3A_138, %dma_start3A_139] : memref<524288x16xf32, #tpu.memory_space<hbm>> -> memref<524288x16xf32, #tpu.memory_space<hbm>>
    tpu.enqueue_indirect_dma source(%dma_start3A_140 : memref<524288x16xf32, #tpu.memory_space<hbm>>) target(%dma_start3A_134 : memref<128x16xf32, #tpu.memory_space<vmem>>) offsets(%dma_start3A_137 : memref<128xi32, #tpu.memory_space<vmem>>) semaphore(%arg21 : memref<!tpu.dma_semaphore, #tpu.memory_space<semaphore_mem>>)
    %dma_start3A_141 = arith.constant 6 : i32
    %dma_start3A_142 = arith.constant 256 : i32
    %dma_start3A_143 = arith.constant 0 : i32
    %dma_start3A_144 = tpu.memref_slice %arg11[%dma_start3A_142, %dma_start3A_143] : memref<512x16xf32, #tpu.memory_space<vmem>> -> memref<128x16xf32, #tpu.memory_space<vmem>>
    %dma_start3A_145 = arith.constant 0 : i32
    %dma_start3A_146 = tpu.memref_slice %arg9[%dma_start3A_141, %dma_start3A_145] : memref<16x128xi32, #tpu.memory_space<vmem>> -> memref<1x128xi32, #tpu.memory_space<vmem>>
    %dma_start3A_147 = tpu.memref_squeeze %dma_start3A_146 : memref<1x128xi32, #tpu.memory_space<vmem>> -> memref<128xi32, #tpu.memory_space<vmem>>
    %dma_start3A_148 = arith.constant 0 : i32
    %dma_start3A_149 = arith.constant 0 : i32
    %dma_start3A_150 = tpu.memref_slice %arg2[%dma_start3A_148, %dma_start3A_149] : memref<524288x16xf32, #tpu.memory_space<hbm>> -> memref<524288x16xf32, #tpu.memory_space<hbm>>
    tpu.enqueue_indirect_dma source(%dma_start3A_150 : memref<524288x16xf32, #tpu.memory_space<hbm>>) target(%dma_start3A_144 : memref<128x16xf32, #tpu.memory_space<vmem>>) offsets(%dma_start3A_147 : memref<128xi32, #tpu.memory_space<vmem>>) semaphore(%arg21 : memref<!tpu.dma_semaphore, #tpu.memory_space<semaphore_mem>>)
    %dma_start3A_151 = arith.constant 10 : i32
    %dma_start3A_152 = arith.constant 256 : i32
    %dma_start3A_153 = arith.constant 0 : i32
    %dma_start3A_154 = tpu.memref_slice %arg12[%dma_start3A_152, %dma_start3A_153] : memref<512x16xf32, #tpu.memory_space<vmem>> -> memref<128x16xf32, #tpu.memory_space<vmem>>
    %dma_start3A_155 = arith.constant 0 : i32
    %dma_start3A_156 = tpu.memref_slice %arg9[%dma_start3A_151, %dma_start3A_155] : memref<16x128xi32, #tpu.memory_space<vmem>> -> memref<1x128xi32, #tpu.memory_space<vmem>>
    %dma_start3A_157 = tpu.memref_squeeze %dma_start3A_156 : memref<1x128xi32, #tpu.memory_space<vmem>> -> memref<128xi32, #tpu.memory_space<vmem>>
    %dma_start3A_158 = arith.constant 0 : i32
    %dma_start3A_159 = arith.constant 0 : i32
    %dma_start3A_160 = tpu.memref_slice %arg2[%dma_start3A_158, %dma_start3A_159] : memref<524288x16xf32, #tpu.memory_space<hbm>> -> memref<524288x16xf32, #tpu.memory_space<hbm>>
    tpu.enqueue_indirect_dma source(%dma_start3A_160 : memref<524288x16xf32, #tpu.memory_space<hbm>>) target(%dma_start3A_154 : memref<128x16xf32, #tpu.memory_space<vmem>>) offsets(%dma_start3A_157 : memref<128xi32, #tpu.memory_space<vmem>>) semaphore(%arg21 : memref<!tpu.dma_semaphore, #tpu.memory_space<semaphore_mem>>)
    %dma_start3A_161 = arith.constant 14 : i32
    %dma_start3A_162 = arith.constant 256 : i32
    %dma_start3A_163 = arith.constant 0 : i32
    %dma_start3A_164 = tpu.memref_slice %arg13[%dma_start3A_162, %dma_start3A_163] : memref<512x16xf32, #tpu.memory_space<vmem>> -> memref<128x16xf32, #tpu.memory_space<vmem>>
    %dma_start3A_165 = arith.constant 0 : i32
    %dma_start3A_166 = tpu.memref_slice %arg9[%dma_start3A_161, %dma_start3A_165] : memref<16x128xi32, #tpu.memory_space<vmem>> -> memref<1x128xi32, #tpu.memory_space<vmem>>
    %dma_start3A_167 = tpu.memref_squeeze %dma_start3A_166 : memref<1x128xi32, #tpu.memory_space<vmem>> -> memref<128xi32, #tpu.memory_space<vmem>>
    %dma_start3A_168 = arith.constant 0 : i32
    %dma_start3A_169 = arith.constant 0 : i32
    %dma_start3A_170 = tpu.memref_slice %arg2[%dma_start3A_168, %dma_start3A_169] : memref<524288x16xf32, #tpu.memory_space<hbm>> -> memref<524288x16xf32, #tpu.memory_space<hbm>>
    tpu.enqueue_indirect_dma source(%dma_start3A_170 : memref<524288x16xf32, #tpu.memory_space<hbm>>) target(%dma_start3A_164 : memref<128x16xf32, #tpu.memory_space<vmem>>) offsets(%dma_start3A_167 : memref<128xi32, #tpu.memory_space<vmem>>) semaphore(%arg21 : memref<!tpu.dma_semaphore, #tpu.memory_space<semaphore_mem>>)
    %scan3A_171 = arith.constant 0 : i32
    %scan3A_172 = arith.constant 0 : i32
    %scan3A_173 = arith.constant 8 : i32
    %scan3A_174 = arith.addi %scan3A_172, %scan3A_173 : i32
    %scan3A_175 = arith.constant 1 : i32
    %scan3A_176 = scf.for %scan3A_414 = %scan3A_172 to %scan3A_174 step %scan3A_175 iter_args(%scan3A_415 = %scan3A_171) -> (i32)  : i32 {
      %mul3A_416 = arith.constant 16 : i32
      %mul3A_417 = arith.muli %scan3A_414, %mul3A_416 : i32
      %get3A = arith.constant 3 : i32
      %get3A_418 = arith.index_cast %get3A : i32 to index
      %get3A_419 = arith.index_cast %mul3A_417 : i32 to index
      %get3A_420 = tpu.vector_load %arg6[%get3A_418, %get3A_419] {strides = array<i32>} : memref<4x128xi32, #tpu.memory_space<vmem>>, vector<16xi32>,
      %shift_right_logical3A = arith.constant 11 : i32
      %shift_right_logical3A_421 = vector.broadcast %shift_right_logical3A : i32 to vector<16xi32>
      %shift_right_logical3A_422 = arith.shrui %get3A_420, %shift_right_logical3A_421 : vector<16xi32>
      %mul3A_423 = arith.constant 2048 : i32
      %mul3A_424 = vector.broadcast %mul3A_423 : i32 to vector<16xi32>
      %mul3A_425 = arith.muli %shift_right_logical3A_422, %mul3A_424 : vector<16xi32>
      %shift_right_logical3A_426 = arith.constant 7 : i32
      %shift_right_logical3A_427 = vector.broadcast %shift_right_logical3A_426 : i32 to vector<16xi32>
      %shift_right_logical3A_428 = arith.shrui %get3A_420, %shift_right_logical3A_427 : vector<16xi32>
      %and3A = arith.constant 1 : i32
      %and3A_429 = vector.broadcast %and3A : i32 to vector<16xi32>
      %and3A_430 = arith.andi %shift_right_logical3A_428, %and3A_429 : vector<16xi32>
      %mul3A_431 = arith.constant 1024 : i32
      %mul3A_432 = vector.broadcast %mul3A_431 : i32 to vector<16xi32>
      %mul3A_433 = arith.muli %and3A_430, %mul3A_432 : vector<16xi32>
      %add3A_434 = arith.addi %mul3A_425, %mul3A_433 : vector<16xi32>
      %shift_right_logical3A_435 = arith.constant 8 : i32
      %shift_right_logical3A_436 = vector.broadcast %shift_right_logical3A_435 : i32 to vector<16xi32>
      %shift_right_logical3A_437 = arith.shrui %get3A_420, %shift_right_logical3A_436 : vector<16xi32>
      %and3A_438 = arith.constant 7 : i32
      %and3A_439 = vector.broadcast %and3A_438 : i32 to vector<16xi32>
      %and3A_440 = arith.andi %shift_right_logical3A_437, %and3A_439 : vector<16xi32>
      %mul3A_441 = arith.constant 128 : i32
      %mul3A_442 = vector.broadcast %mul3A_441 : i32 to vector<16xi32>
      %mul3A_443 = arith.muli %and3A_440, %mul3A_442 : vector<16xi32>
      %add3A_444 = arith.addi %add3A_434, %mul3A_443 : vector<16xi32>
      %and3A_445 = arith.constant 127 : i32
      %and3A_446 = vector.broadcast %and3A_445 : i32 to vector<16xi32>
      %and3A_447 = arith.andi %get3A_420, %and3A_446 : vector<16xi32>
      %add3A_448 = arith.addi %add3A_444, %and3A_447 : vector<16xi32>
      %shift_right_logical3A_449 = arith.constant 4 : i32
      %shift_right_logical3A_450 = vector.broadcast %shift_right_logical3A_449 : i32 to vector<16xi32>
      %shift_right_logical3A_451 = arith.shrui %add3A_448, %shift_right_logical3A_450 : vector<16xi32>
      %and3A_452 = arith.constant 15 : i32
      %and3A_453 = vector.broadcast %and3A_452 : i32 to vector<16xi32>
      %and3A_454 = arith.andi %get3A_420, %and3A_453 : vector<16xi32>
      %swap3A_455 = arith.constant 3 : i32
      %swap3A_456 = arith.index_cast %swap3A_455 : i32 to index
      %swap3A_457 = arith.index_cast %mul3A_417 : i32 to index
      %swap3A_458 = tpu.vector_load %arg8[%swap3A_456, %swap3A_457] {strides = array<i32>} : memref<4x128xi32, #tpu.memory_space<vmem>>, vector<16xi32>,
      tpu.vector_store %arg8[%swap3A_456, %swap3A_457], %and3A_454 {strides = array<i32>} : memref<4x128xi32, #tpu.memory_space<vmem>>, vector<16xi32>,
      %mul3A_459 = arith.constant 4 : i32
      %mul3A_460 = arith.muli %add3A, %mul3A_459 : i32
      %add3A_461 = arith.constant 0 : i32
      %add3A_462 = arith.addi %mul3A_460, %add3A_461 : i32
      %mul3A_463 = arith.constant 4096 : i32
      %mul3A_464 = arith.muli %add3A_462, %mul3A_463 : i32
      %add3A_465 = vector.broadcast %mul3A_464 : i32 to vector<16xi32>
      %add3A_466 = arith.addi %shift_right_logical3A_451, %add3A_465 : vector<16xi32>
      %mul3A_467 = arith.constant 16 : i32
      %mul3A_468 = arith.muli %scan3A_414, %mul3A_467 : i32
      %swap3A_469 = arith.constant 3 : i32
      %swap3A_470 = arith.index_cast %swap3A_469 : i32 to index
      %swap3A_471 = arith.index_cast %mul3A_468 : i32 to index
      %swap3A_472 = tpu.vector_load %arg9[%swap3A_470, %swap3A_471] {strides = array<i32>} : memref<16x128xi32, #tpu.memory_space<vmem>>, vector<16xi32>,
      tpu.vector_store %arg9[%swap3A_470, %swap3A_471], %add3A_466 {strides = array<i32>} : memref<16x128xi32, #tpu.memory_space<vmem>>, vector<16xi32>,
      %mul3A_473 = arith.constant 4 : i32
      %mul3A_474 = arith.muli %add3A, %mul3A_473 : i32
      %add3A_475 = arith.constant 1 : i32
      %add3A_476 = arith.addi %mul3A_474, %add3A_475 : i32
      %mul3A_477 = arith.constant 4096 : i32
      %mul3A_478 = arith.muli %add3A_476, %mul3A_477 : i32
      %add3A_479 = vector.broadcast %mul3A_478 : i32 to vector<16xi32>
      %add3A_480 = arith.addi %shift_right_logical3A_451, %add3A_479 : vector<16xi32>
      %mul3A_481 = arith.constant 16 : i32
      %mul3A_482 = arith.muli %scan3A_414, %mul3A_481 : i32
      %swap3A_483 = arith.constant 7 : i32
      %swap3A_484 = arith.index_cast %swap3A_483 : i32 to index
      %swap3A_485 = arith.index_cast %mul3A_482 : i32 to index
      %swap3A_486 = tpu.vector_load %arg9[%swap3A_484, %swap3A_485] {strides = array<i32>} : memref<16x128xi32, #tpu.memory_space<vmem>>, vector<16xi32>,
      tpu.vector_store %arg9[%swap3A_484, %swap3A_485], %add3A_480 {strides = array<i32>} : memref<16x128xi32, #tpu.memory_space<vmem>>, vector<16xi32>,
      %mul3A_487 = arith.constant 4 : i32
      %mul3A_488 = arith.muli %add3A, %mul3A_487 : i32
      %add3A_489 = arith.constant 2 : i32
      %add3A_490 = arith.addi %mul3A_488, %add3A_489 : i32
      %mul3A_491 = arith.constant 4096 : i32
      %mul3A_492 = arith.muli %add3A_490, %mul3A_491 : i32
      %add3A_493 = vector.broadcast %mul3A_492 : i32 to vector<16xi32>
      %add3A_494 = arith.addi %shift_right_logical3A_451, %add3A_493 : vector<16xi32>
      %mul3A_495 = arith.constant 16 : i32
      %mul3A_496 = arith.muli %scan3A_414, %mul3A_495 : i32
      %swap3A_497 = arith.constant 11 : i32
      %swap3A_498 = arith.index_cast %swap3A_497 : i32 to index
      %swap3A_499 = arith.index_cast %mul3A_496 : i32 to index
      %swap3A_500 = tpu.vector_load %arg9[%swap3A_498, %swap3A_499] {strides = array<i32>} : memref<16x128xi32, #tpu.memory_space<vmem>>, vector<16xi32>,
      tpu.vector_store %arg9[%swap3A_498, %swap3A_499], %add3A_494 {strides = array<i32>} : memref<16x128xi32, #tpu.memory_space<vmem>>, vector<16xi32>,
      %mul3A_501 = arith.constant 4 : i32
      %mul3A_502 = arith.muli %add3A, %mul3A_501 : i32
      %add3A_503 = arith.constant 3 : i32
      %add3A_504 = arith.addi %mul3A_502, %add3A_503 : i32
      %mul3A_505 = arith.constant 4096 : i32
      %mul3A_506 = arith.muli %add3A_504, %mul3A_505 : i32
      %add3A_507 = vector.broadcast %mul3A_506 : i32 to vector<16xi32>
      %add3A_508 = arith.addi %shift_right_logical3A_451, %add3A_507 : vector<16xi32>
      %mul3A_509 = arith.constant 16 : i32
      %mul3A_510 = arith.muli %scan3A_414, %mul3A_509 : i32
      %swap3A_511 = arith.constant 15 : i32
      %swap3A_512 = arith.index_cast %swap3A_511 : i32 to index
      %swap3A_513 = arith.index_cast %mul3A_510 : i32 to index
      %swap3A_514 = tpu.vector_load %arg9[%swap3A_512, %swap3A_513] {strides = array<i32>} : memref<16x128xi32, #tpu.memory_space<vmem>>, vector<16xi32>,
      tpu.vector_store %arg9[%swap3A_512, %swap3A_513], %add3A_508 {strides = array<i32>} : memref<16x128xi32, #tpu.memory_space<vmem>>, vector<16xi32>,
      %scan3A_515 = arith.constant 0 : i32
      scf.yield %scan3A_515 : i32
    }
    %scan3A_177 = arith.constant 8 : i32
    %dma_start3A_178 = arith.constant 3 : i32
    %dma_start3A_179 = arith.constant 384 : i32
    %dma_start3A_180 = arith.constant 0 : i32
    %dma_start3A_181 = tpu.memref_slice %arg10[%dma_start3A_179, %dma_start3A_180] : memref<512x16xf32, #tpu.memory_space<vmem>> -> memref<128x16xf32, #tpu.memory_space<vmem>>
    %dma_start3A_182 = arith.constant 0 : i32
    %dma_start3A_183 = tpu.memref_slice %arg9[%dma_start3A_178, %dma_start3A_182] : memref<16x128xi32, #tpu.memory_space<vmem>> -> memref<1x128xi32, #tpu.memory_space<vmem>>
    %dma_start3A_184 = tpu.memref_squeeze %dma_start3A_183 : memref<1x128xi32, #tpu.memory_space<vmem>> -> memref<128xi32, #tpu.memory_space<vmem>>
    %dma_start3A_185 = arith.constant 0 : i32
    %dma_start3A_186 = arith.constant 0 : i32
    %dma_start3A_187 = tpu.memref_slice %arg2[%dma_start3A_185, %dma_start3A_186] : memref<524288x16xf32, #tpu.memory_space<hbm>> -> memref<524288x16xf32, #tpu.memory_space<hbm>>
    tpu.enqueue_indirect_dma source(%dma_start3A_187 : memref<524288x16xf32, #tpu.memory_space<hbm>>) target(%dma_start3A_181 : memref<128x16xf32, #tpu.memory_space<vmem>>) offsets(%dma_start3A_184 : memref<128xi32, #tpu.memory_space<vmem>>) semaphore(%arg22 : memref<!tpu.dma_semaphore, #tpu.memory_space<semaphore_mem>>)
    %dma_start3A_188 = arith.constant 7 : i32
    %dma_start3A_189 = arith.constant 384 : i32
    %dma_start3A_190 = arith.constant 0 : i32
    %dma_start3A_191 = tpu.memref_slice %arg11[%dma_start3A_189, %dma_start3A_190] : memref<512x16xf32, #tpu.memory_space<vmem>> -> memref<128x16xf32, #tpu.memory_space<vmem>>
    %dma_start3A_192 = arith.constant 0 : i32
    %dma_start3A_193 = tpu.memref_slice %arg9[%dma_start3A_188, %dma_start3A_192] : memref<16x128xi32, #tpu.memory_space<vmem>> -> memref<1x128xi32, #tpu.memory_space<vmem>>
    %dma_start3A_194 = tpu.memref_squeeze %dma_start3A_193 : memref<1x128xi32, #tpu.memory_space<vmem>> -> memref<128xi32, #tpu.memory_space<vmem>>
    %dma_start3A_195 = arith.constant 0 : i32
    %dma_start3A_196 = arith.constant 0 : i32
    %dma_start3A_197 = tpu.memref_slice %arg2[%dma_start3A_195, %dma_start3A_196] : memref<524288x16xf32, #tpu.memory_space<hbm>> -> memref<524288x16xf32, #tpu.memory_space<hbm>>
    tpu.enqueue_indirect_dma source(%dma_start3A_197 : memref<524288x16xf32, #tpu.memory_space<hbm>>) target(%dma_start3A_191 : memref<128x16xf32, #tpu.memory_space<vmem>>) offsets(%dma_start3A_194 : memref<128xi32, #tpu.memory_space<vmem>>) semaphore(%arg22 : memref<!tpu.dma_semaphore, #tpu.memory_space<semaphore_mem>>)
    %dma_start3A_198 = arith.constant 11 : i32
    %dma_start3A_199 = arith.constant 384 : i32
    %dma_start3A_200 = arith.constant 0 : i32
    %dma_start3A_201 = tpu.memref_slice %arg12[%dma_start3A_199, %dma_start3A_200] : memref<512x16xf32, #tpu.memory_space<vmem>> -> memref<128x16xf32, #tpu.memory_space<vmem>>
    %dma_start3A_202 = arith.constant 0 : i32
    %dma_start3A_203 = tpu.memref_slice %arg9[%dma_start3A_198, %dma_start3A_202] : memref<16x128xi32, #tpu.memory_space<vmem>> -> memref<1x128xi32, #tpu.memory_space<vmem>>
    %dma_start3A_204 = tpu.memref_squeeze %dma_start3A_203 : memref<1x128xi32, #tpu.memory_space<vmem>> -> memref<128xi32, #tpu.memory_space<vmem>>
    %dma_start3A_205 = arith.constant 0 : i32
    %dma_start3A_206 = arith.constant 0 : i32
    %dma_start3A_207 = tpu.memref_slice %arg2[%dma_start3A_205, %dma_start3A_206] : memref<524288x16xf32, #tpu.memory_space<hbm>> -> memref<524288x16xf32, #tpu.memory_space<hbm>>
    tpu.enqueue_indirect_dma source(%dma_start3A_207 : memref<524288x16xf32, #tpu.memory_space<hbm>>) target(%dma_start3A_201 : memref<128x16xf32, #tpu.memory_space<vmem>>) offsets(%dma_start3A_204 : memref<128xi32, #tpu.memory_space<vmem>>) semaphore(%arg22 : memref<!tpu.dma_semaphore, #tpu.memory_space<semaphore_mem>>)
    %dma_start3A_208 = arith.constant 15 : i32
    %dma_start3A_209 = arith.constant 384 : i32
    %dma_start3A_210 = arith.constant 0 : i32
    %dma_start3A_211 = tpu.memref_slice %arg13[%dma_start3A_209, %dma_start3A_210] : memref<512x16xf32, #tpu.memory_space<vmem>> -> memref<128x16xf32, #tpu.memory_space<vmem>>
    %dma_start3A_212 = arith.constant 0 : i32
    %dma_start3A_213 = tpu.memref_slice %arg9[%dma_start3A_208, %dma_start3A_212] : memref<16x128xi32, #tpu.memory_space<vmem>> -> memref<1x128xi32, #tpu.memory_space<vmem>>
    %dma_start3A_214 = tpu.memref_squeeze %dma_start3A_213 : memref<1x128xi32, #tpu.memory_space<vmem>> -> memref<128xi32, #tpu.memory_space<vmem>>
    %dma_start3A_215 = arith.constant 0 : i32
    %dma_start3A_216 = arith.constant 0 : i32
    %dma_start3A_217 = tpu.memref_slice %arg2[%dma_start3A_215, %dma_start3A_216] : memref<524288x16xf32, #tpu.memory_space<hbm>> -> memref<524288x16xf32, #tpu.memory_space<hbm>>
    tpu.enqueue_indirect_dma source(%dma_start3A_217 : memref<524288x16xf32, #tpu.memory_space<hbm>>) target(%dma_start3A_211 : memref<128x16xf32, #tpu.memory_space<vmem>>) offsets(%dma_start3A_214 : memref<128xi32, #tpu.memory_space<vmem>>) semaphore(%arg22 : memref<!tpu.dma_semaphore, #tpu.memory_space<semaphore_mem>>)
    %broadcast_in_dim3A = arith.constant 0.000000e+00 : f32
    %broadcast_in_dim3A_218 = vector.broadcast %broadcast_in_dim3A : f32 to vector<16xf32>
    %broadcast_in_dim3A_219 = arith.constant 0.000000e+00 : f32
    %broadcast_in_dim3A_220 = vector.broadcast %broadcast_in_dim3A_219 : f32 to vector<16xf32>
    %dma_wait3A_221 = arith.constant 0 : i32
    %dma_wait3A_222 = arith.constant 0 : i32
    %dma_wait3A_223 = arith.constant 0 : i32
    %dma_wait3A_224 = tpu.memref_slice %arg10[%dma_wait3A_222, %dma_wait3A_223] : memref<512x16xf32, #tpu.memory_space<vmem>> -> memref<128x16xf32, #tpu.memory_space<vmem>>
    %dma_wait3A_225 = arith.constant 0 : i32
    %dma_wait3A_226 = tpu.memref_slice %arg9[%dma_wait3A_221, %dma_wait3A_225] : memref<16x128xi32, #tpu.memory_space<vmem>> -> memref<1x128xi32, #tpu.memory_space<vmem>>
    %dma_wait3A_227 = tpu.memref_squeeze %dma_wait3A_226 : memref<1x128xi32, #tpu.memory_space<vmem>> -> memref<128xi32, #tpu.memory_space<vmem>>
    %dma_wait3A_228 = arith.constant 0 : i32
    %dma_wait3A_229 = arith.constant 0 : i32
    %dma_wait3A_230 = tpu.memref_slice %arg2[%dma_wait3A_228, %dma_wait3A_229] : memref<524288x16xf32, #tpu.memory_space<hbm>> -> memref<524288x16xf32, #tpu.memory_space<hbm>>
    tpu.wait_indirect_dma semaphore(%arg19 : memref<!tpu.dma_semaphore, #tpu.memory_space<semaphore_mem>>) src(%dma_wait3A_230 : memref<524288x16xf32, #tpu.memory_space<hbm>>) dst(%dma_wait3A_224 : memref<128x16xf32, #tpu.memory_space<vmem>>)
    %dma_wait3A_231 = arith.constant 4 : i32
    %dma_wait3A_232 = arith.constant 0 : i32
    %dma_wait3A_233 = arith.constant 0 : i32
    %dma_wait3A_234 = tpu.memref_slice %arg11[%dma_wait3A_232, %dma_wait3A_233] : memref<512x16xf32, #tpu.memory_space<vmem>> -> memref<128x16xf32, #tpu.memory_space<vmem>>
    %dma_wait3A_235 = arith.constant 0 : i32
    %dma_wait3A_236 = tpu.memref_slice %arg9[%dma_wait3A_231, %dma_wait3A_235] : memref<16x128xi32, #tpu.memory_space<vmem>> -> memref<1x128xi32, #tpu.memory_space<vmem>>
    %dma_wait3A_237 = tpu.memref_squeeze %dma_wait3A_236 : memref<1x128xi32, #tpu.memory_space<vmem>> -> memref<128xi32, #tpu.memory_space<vmem>>
    %dma_wait3A_238 = arith.constant 0 : i32
    %dma_wait3A_239 = arith.constant 0 : i32
    %dma_wait3A_240 = tpu.memref_slice %arg2[%dma_wait3A_238, %dma_wait3A_239] : memref<524288x16xf32, #tpu.memory_space<hbm>> -> memref<524288x16xf32, #tpu.memory_space<hbm>>
    tpu.wait_indirect_dma semaphore(%arg19 : memref<!tpu.dma_semaphore, #tpu.memory_space<semaphore_mem>>) src(%dma_wait3A_240 : memref<524288x16xf32, #tpu.memory_space<hbm>>) dst(%dma_wait3A_234 : memref<128x16xf32, #tpu.memory_space<vmem>>)
    %dma_wait3A_241 = arith.constant 8 : i32
    %dma_wait3A_242 = arith.constant 0 : i32
    %dma_wait3A_243 = arith.constant 0 : i32
    %dma_wait3A_244 = tpu.memref_slice %arg12[%dma_wait3A_242, %dma_wait3A_243] : memref<512x16xf32, #tpu.memory_space<vmem>> -> memref<128x16xf32, #tpu.memory_space<vmem>>
    %dma_wait3A_245 = arith.constant 0 : i32
    %dma_wait3A_246 = tpu.memref_slice %arg9[%dma_wait3A_241, %dma_wait3A_245] : memref<16x128xi32, #tpu.memory_space<vmem>> -> memref<1x128xi32, #tpu.memory_space<vmem>>
    %dma_wait3A_247 = tpu.memref_squeeze %dma_wait3A_246 : memref<1x128xi32, #tpu.memory_space<vmem>> -> memref<128xi32, #tpu.memory_space<vmem>>
    %dma_wait3A_248 = arith.constant 0 : i32
    %dma_wait3A_249 = arith.constant 0 : i32
    %dma_wait3A_250 = tpu.memref_slice %arg2[%dma_wait3A_248, %dma_wait3A_249] : memref<524288x16xf32, #tpu.memory_space<hbm>> -> memref<524288x16xf32, #tpu.memory_space<hbm>>
    tpu.wait_indirect_dma semaphore(%arg19 : memref<!tpu.dma_semaphore, #tpu.memory_space<semaphore_mem>>) src(%dma_wait3A_250 : memref<524288x16xf32, #tpu.memory_space<hbm>>) dst(%dma_wait3A_244 : memref<128x16xf32, #tpu.memory_space<vmem>>)
    %dma_wait3A_251 = arith.constant 12 : i32
    %dma_wait3A_252 = arith.constant 0 : i32
    %dma_wait3A_253 = arith.constant 0 : i32
    %dma_wait3A_254 = tpu.memref_slice %arg13[%dma_wait3A_252, %dma_wait3A_253] : memref<512x16xf32, #tpu.memory_space<vmem>> -> memref<128x16xf32, #tpu.memory_space<vmem>>
    %dma_wait3A_255 = arith.constant 0 : i32
    %dma_wait3A_256 = tpu.memref_slice %arg9[%dma_wait3A_251, %dma_wait3A_255] : memref<16x128xi32, #tpu.memory_space<vmem>> -> memref<1x128xi32, #tpu.memory_space<vmem>>
    %dma_wait3A_257 = tpu.memref_squeeze %dma_wait3A_256 : memref<1x128xi32, #tpu.memory_space<vmem>> -> memref<128xi32, #tpu.memory_space<vmem>>
    %dma_wait3A_258 = arith.constant 0 : i32
    %dma_wait3A_259 = arith.constant 0 : i32
    %dma_wait3A_260 = tpu.memref_slice %arg2[%dma_wait3A_258, %dma_wait3A_259] : memref<524288x16xf32, #tpu.memory_space<hbm>> -> memref<524288x16xf32, #tpu.memory_space<hbm>>
    tpu.wait_indirect_dma semaphore(%arg19 : memref<!tpu.dma_semaphore, #tpu.memory_space<semaphore_mem>>) src(%dma_wait3A_260 : memref<524288x16xf32, #tpu.memory_space<hbm>>) dst(%dma_wait3A_254 : memref<128x16xf32, #tpu.memory_space<vmem>>)
    %scan3A_261 = arith.constant 0 : i32
    %scan3A_262 = arith.constant 8 : i32
    %scan3A_263 = arith.addi %scan3A_261, %scan3A_262 : i32
    %scan3A_264 = arith.constant 1 : i32
    %scan3A_265:2 = scf.for %scan3A_414 = %scan3A_261 to %scan3A_263 step %scan3A_264 iter_args(%scan3A_415 = %broadcast_in_dim3A_218, %scan3A_416 = %broadcast_in_dim3A_220) -> (vector<16xf32>, vector<16xf32>)  : i32 {
      %mul3A_417 = arith.constant 16 : i32
      %mul3A_418 = arith.muli %scan3A_414, %mul3A_417 : i32
      %mul3A_419 = arith.constant 16 : i32
      %mul3A_420 = arith.muli %scan3A_414, %mul3A_419 : i32
      %add3A_421 = arith.constant 0 : i32
      %add3A_422 = arith.addi %add3A_421, %mul3A_420 : i32
      %add3A_423 = vector.broadcast %add3A_422 : i32 to vector<16xi32>
      %add3A_424 = arith.addi %add3A_423, %iota3A : vector<16xi32>
      %get3A = arith.constant 0 : i32
      %get3A_425 = arith.index_cast %get3A : i32 to index
      %get3A_426 = arith.index_cast %mul3A_418 : i32 to index
      %get3A_427 = tpu.vector_load %arg8[%get3A_425, %get3A_426] {strides = array<i32>} : memref<4x128xi32, #tpu.memory_space<vmem>>, vector<16xi32>,
      %get3A_428 = arith.constant 0 : i32
      %get3A_429 = arith.index_cast %get3A_428 : i32 to index
      %get3A_430 = arith.index_cast %mul3A_418 : i32 to index
      %get3A_431 = tpu.vector_load %arg7[%get3A_429, %get3A_430] {strides = array<i32>} : memref<4x128xf32, #tpu.memory_space<vmem>>, vector<16xf32>,
      %gather3A = tpu.vector_load_idx %arg10[%add3A_424, %get3A_427] : memref<512x16xf32, #tpu.memory_space<vmem>>[vector<16xi32>, vector<16xi32>], vector<16xf32>,
      %mul3A_432 = arith.mulf %gather3A, %get3A_431 : vector<16xf32>
      %gather3A_433 = tpu.vector_load_idx %arg11[%add3A_424, %get3A_427] : memref<512x16xf32, #tpu.memory_space<vmem>>[vector<16xi32>, vector<16xi32>], vector<16xf32>,
      %mul3A_434 = arith.mulf %gather3A_433, %get3A_431 : vector<16xf32>
      %gather3A_435 = tpu.vector_load_idx %arg12[%add3A_424, %get3A_427] : memref<512x16xf32, #tpu.memory_space<vmem>>[vector<16xi32>, vector<16xi32>], vector<16xf32>,
      %mul3A_436 = arith.mulf %gather3A_435, %get3A_431 : vector<16xf32>
      %gather3A_437 = tpu.vector_load_idx %arg13[%add3A_424, %get3A_427] : memref<512x16xf32, #tpu.memory_space<vmem>>[vector<16xi32>, vector<16xi32>], vector<16xf32>,
      %mul3A_438 = arith.mulf %gather3A_437, %get3A_431 : vector<16xf32>
      %min3A = arith.minimumf %mul3A_432, %mul3A_436 : vector<16xf32>
      %max3A = arith.maximumf %mul3A_432, %mul3A_436 : vector<16xf32>
      %add3A_439 = arith.constant 9.99999997E-7 : f32
      %add3A_440 = vector.broadcast %add3A_439 : f32 to vector<16xf32>
      %add3A_441 = arith.addf %max3A, %add3A_440 : vector<16xf32>
      %div3A = arith.divf %min3A, %add3A_441 : vector<16xf32>
      %min3A_442 = arith.minimumf %mul3A_434, %mul3A_438 : vector<16xf32>
      %max3A_443 = arith.maximumf %mul3A_434, %mul3A_438 : vector<16xf32>
      %add3A_444 = arith.constant 9.99999997E-7 : f32
      %add3A_445 = vector.broadcast %add3A_444 : f32 to vector<16xf32>
      %add3A_446 = arith.addf %max3A_443, %add3A_445 : vector<16xf32>
      %div3A_447 = arith.divf %min3A_442, %add3A_446 : vector<16xf32>
      %add3A_448 = arith.addf %div3A, %div3A_447 : vector<16xf32>
      %bitcast_convert_type3A = tpu.bitcast %add3A_448 : vector<16xf32> -> vector<16xi32>
      %shift_right_logical3A = arith.constant 23 : i32
      %shift_right_logical3A_449 = vector.broadcast %shift_right_logical3A : i32 to vector<16xi32>
      %shift_right_logical3A_450 = arith.shrui %bitcast_convert_type3A, %shift_right_logical3A_449 : vector<16xi32>
      %sub3A = arith.constant 127 : i32
      %sub3A_451 = vector.broadcast %sub3A : i32 to vector<16xi32>
      %sub3A_452 = arith.subi %shift_right_logical3A_450, %sub3A_451 : vector<16xi32>
      %and3A = arith.constant 8388607 : i32
      %and3A_453 = vector.broadcast %and3A : i32 to vector<16xi32>
      %and3A_454 = arith.andi %bitcast_convert_type3A, %and3A_453 : vector<16xi32>
      %or3A = arith.constant 1065353216 : i32
      %or3A_455 = vector.broadcast %or3A : i32 to vector<16xi32>
      %or3A_456 = arith.ori %and3A_454, %or3A_455 : vector<16xi32>
      %bitcast_convert_type3A_457 = tpu.bitcast %or3A_456 : vector<16xi32> -> vector<16xf32>
      %gt3A = arith.constant 1.41421354 : f32
      %gt3A_458 = vector.broadcast %gt3A : f32 to vector<16xf32>
      %gt3A_459 = arith.cmpf ogt, %bitcast_convert_type3A_457, %gt3A_458 : vector<16xf32>
      %mul3A_460 = arith.constant 5.000000e-01 : f32
      %mul3A_461 = vector.broadcast %mul3A_460 : f32 to vector<16xf32>
      %mul3A_462 = arith.mulf %bitcast_convert_type3A_457, %mul3A_461 : vector<16xf32>
      %select_n3A = arith.select %gt3A_459, %mul3A_462, %bitcast_convert_type3A_457 : vector<16xi1>, vector<16xf32>
      %jit3A = arith.constant 1 : i32
      %jit3A_463 = arith.constant 0 : i32
      %broadcast_in_dim3A_464 = vector.broadcast %jit3A : i32 to vector<16xi32>
      %broadcast_in_dim3A_465 = vector.broadcast %jit3A_463 : i32 to vector<16xi32>
      %select_n3A_466 = arith.select %gt3A_459, %broadcast_in_dim3A_464, %broadcast_in_dim3A_465 : vector<16xi1>, vector<16xi32>
      %add3A_467 = arith.addi %sub3A_452, %select_n3A_466 : vector<16xi32>
      %convert_element_type3A_468 = arith.sitofp %add3A_467 : vector<16xi32> to vector<16xf32>
      %sub3A_469 = arith.constant 1.000000e+00 : f32
      %sub3A_470 = vector.broadcast %sub3A_469 : f32 to vector<16xf32>
      %sub3A_471 = arith.subf %select_n3A, %sub3A_470 : vector<16xf32>
      %add3A_472 = arith.constant 1.000000e+00 : f32
      %add3A_473 = vector.broadcast %add3A_472 : f32 to vector<16xf32>
      %add3A_474 = arith.addf %select_n3A, %add3A_473 : vector<16xf32>
      %div3A_475 = arith.divf %sub3A_471, %add3A_474 : vector<16xf32>
      %mul3A_476 = arith.mulf %div3A_475, %div3A_475 : vector<16xf32>
      %mul3A_477 = arith.constant 0.285714298 : f32
      %mul3A_478 = vector.broadcast %mul3A_477 : f32 to vector<16xf32>
      %mul3A_479 = arith.mulf %mul3A_476, %mul3A_478 : vector<16xf32>
      %add3A_480 = arith.constant 4.000000e-01 : f32
      %add3A_481 = vector.broadcast %add3A_480 : f32 to vector<16xf32>
      %add3A_482 = arith.addf %add3A_481, %mul3A_479 : vector<16xf32>
      %mul3A_483 = arith.mulf %mul3A_476, %add3A_482 : vector<16xf32>
      %add3A_484 = arith.constant 0.666666686 : f32
      %add3A_485 = vector.broadcast %add3A_484 : f32 to vector<16xf32>
      %add3A_486 = arith.addf %add3A_485, %mul3A_483 : vector<16xf32>
      %mul3A_487 = arith.mulf %mul3A_476, %add3A_486 : vector<16xf32>
      %add3A_488 = arith.constant 2.000000e+00 : f32
      %add3A_489 = vector.broadcast %add3A_488 : f32 to vector<16xf32>
      %add3A_490 = arith.addf %add3A_489, %mul3A_487 : vector<16xf32>
      %mul3A_491 = arith.mulf %div3A_475, %add3A_490 : vector<16xf32>
      %mul3A_492 = arith.constant 0.693147182 : f32
      %mul3A_493 = vector.broadcast %mul3A_492 : f32 to vector<16xf32>
      %mul3A_494 = arith.mulf %convert_element_type3A_468, %mul3A_493 : vector<16xf32>
      %add3A_495 = arith.addf %mul3A_494, %mul3A_491 : vector<16xf32>
      %neg3A = arith.constant 0.000000e+00 : f32
      %neg3A_496 = vector.broadcast %neg3A : f32 to vector<16xf32>
      %neg3A_497 = arith.subf %neg3A_496, %add3A_495 : vector<16xf32>
      %mul3A_498 = arith.constant 16 : i32
      %mul3A_499 = arith.muli %scan3A_414, %mul3A_498 : i32
      %add3A_500 = arith.constant 0 : i32
      %add3A_501 = arith.addi %add3A_500, %mul3A_499 : i32
      %add3A_502 = vector.broadcast %add3A_501 : i32 to vector<16xi32>
      %add3A_503 = arith.addi %add3A_502, %iota3A : vector<16xi32>
      %lt3A = arith.constant 500 : i32
      %lt3A_504 = vector.broadcast %lt3A : i32 to vector<16xi32>
      %lt3A_505 = arith.cmpi slt, %add3A_503, %lt3A_504 : vector<16xi32>
      %jit3A_506 = arith.constant 0.000000e+00 : f32
      %broadcast_in_dim3A_507 = vector.broadcast %jit3A_506 : f32 to vector<16xf32>
      %select_n3A_508 = arith.select %lt3A_505, %neg3A_497, %broadcast_in_dim3A_507 : vector<16xi1>, vector<16xf32>
      %add3A_509 = arith.addf %scan3A_415, %select_n3A_508 : vector<16xf32>
      %add3A_510 = arith.addf %scan3A_416, %get3A_431 : vector<16xf32>
      scf.yield %add3A_509, %add3A_510 : vector<16xf32>, vector<16xf32>
    }
    %scan3A_266 = arith.constant 8 : i32
    %dma_wait3A_267 = arith.constant 1 : i32
    %dma_wait3A_268 = arith.constant 128 : i32
    %dma_wait3A_269 = arith.constant 0 : i32
    %dma_wait3A_270 = tpu.memref_slice %arg10[%dma_wait3A_268, %dma_wait3A_269] : memref<512x16xf32, #tpu.memory_space<vmem>> -> memref<128x16xf32, #tpu.memory_space<vmem>>
    %dma_wait3A_271 = arith.constant 0 : i32
    %dma_wait3A_272 = tpu.memref_slice %arg9[%dma_wait3A_267, %dma_wait3A_271] : memref<16x128xi32, #tpu.memory_space<vmem>> -> memref<1x128xi32, #tpu.memory_space<vmem>>
    %dma_wait3A_273 = tpu.memref_squeeze %dma_wait3A_272 : memref<1x128xi32, #tpu.memory_space<vmem>> -> memref<128xi32, #tpu.memory_space<vmem>>
    %dma_wait3A_274 = arith.constant 0 : i32
    %dma_wait3A_275 = arith.constant 0 : i32
    %dma_wait3A_276 = tpu.memref_slice %arg2[%dma_wait3A_274, %dma_wait3A_275] : memref<524288x16xf32, #tpu.memory_space<hbm>> -> memref<524288x16xf32, #tpu.memory_space<hbm>>
    tpu.wait_indirect_dma semaphore(%arg20 : memref<!tpu.dma_semaphore, #tpu.memory_space<semaphore_mem>>) src(%dma_wait3A_276 : memref<524288x16xf32, #tpu.memory_space<hbm>>) dst(%dma_wait3A_270 : memref<128x16xf32, #tpu.memory_space<vmem>>)
    %dma_wait3A_277 = arith.constant 5 : i32
    %dma_wait3A_278 = arith.constant 128 : i32
    %dma_wait3A_279 = arith.constant 0 : i32
    %dma_wait3A_280 = tpu.memref_slice %arg11[%dma_wait3A_278, %dma_wait3A_279] : memref<512x16xf32, #tpu.memory_space<vmem>> -> memref<128x16xf32, #tpu.memory_space<vmem>>
    %dma_wait3A_281 = arith.constant 0 : i32
    %dma_wait3A_282 = tpu.memref_slice %arg9[%dma_wait3A_277, %dma_wait3A_281] : memref<16x128xi32, #tpu.memory_space<vmem>> -> memref<1x128xi32, #tpu.memory_space<vmem>>
    %dma_wait3A_283 = tpu.memref_squeeze %dma_wait3A_282 : memref<1x128xi32, #tpu.memory_space<vmem>> -> memref<128xi32, #tpu.memory_space<vmem>>
    %dma_wait3A_284 = arith.constant 0 : i32
    %dma_wait3A_285 = arith.constant 0 : i32
    %dma_wait3A_286 = tpu.memref_slice %arg2[%dma_wait3A_284, %dma_wait3A_285] : memref<524288x16xf32, #tpu.memory_space<hbm>> -> memref<524288x16xf32, #tpu.memory_space<hbm>>
    tpu.wait_indirect_dma semaphore(%arg20 : memref<!tpu.dma_semaphore, #tpu.memory_space<semaphore_mem>>) src(%dma_wait3A_286 : memref<524288x16xf32, #tpu.memory_space<hbm>>) dst(%dma_wait3A_280 : memref<128x16xf32, #tpu.memory_space<vmem>>)
    %dma_wait3A_287 = arith.constant 9 : i32
    %dma_wait3A_288 = arith.constant 128 : i32
    %dma_wait3A_289 = arith.constant 0 : i32
    %dma_wait3A_290 = tpu.memref_slice %arg12[%dma_wait3A_288, %dma_wait3A_289] : memref<512x16xf32, #tpu.memory_space<vmem>> -> memref<128x16xf32, #tpu.memory_space<vmem>>
    %dma_wait3A_291 = arith.constant 0 : i32
    %dma_wait3A_292 = tpu.memref_slice %arg9[%dma_wait3A_287, %dma_wait3A_291] : memref<16x128xi32, #tpu.memory_space<vmem>> -> memref<1x128xi32, #tpu.memory_space<vmem>>
    %dma_wait3A_293 = tpu.memref_squeeze %dma_wait3A_292 : memref<1x128xi32, #tpu.memory_space<vmem>> -> memref<128xi32, #tpu.memory_space<vmem>>
    %dma_wait3A_294 = arith.constant 0 : i32
    %dma_wait3A_295 = arith.constant 0 : i32
    %dma_wait3A_296 = tpu.memref_slice %arg2[%dma_wait3A_294, %dma_wait3A_295] : memref<524288x16xf32, #tpu.memory_space<hbm>> -> memref<524288x16xf32, #tpu.memory_space<hbm>>
    tpu.wait_indirect_dma semaphore(%arg20 : memref<!tpu.dma_semaphore, #tpu.memory_space<semaphore_mem>>) src(%dma_wait3A_296 : memref<524288x16xf32, #tpu.memory_space<hbm>>) dst(%dma_wait3A_290 : memref<128x16xf32, #tpu.memory_space<vmem>>)
    %dma_wait3A_297 = arith.constant 13 : i32
    %dma_wait3A_298 = arith.constant 128 : i32
    %dma_wait3A_299 = arith.constant 0 : i32
    %dma_wait3A_300 = tpu.memref_slice %arg13[%dma_wait3A_298, %dma_wait3A_299] : memref<512x16xf32, #tpu.memory_space<vmem>> -> memref<128x16xf32, #tpu.memory_space<vmem>>
    %dma_wait3A_301 = arith.constant 0 : i32
    %dma_wait3A_302 = tpu.memref_slice %arg9[%dma_wait3A_297, %dma_wait3A_301] : memref<16x128xi32, #tpu.memory_space<vmem>> -> memref<1x128xi32, #tpu.memory_space<vmem>>
    %dma_wait3A_303 = tpu.memref_squeeze %dma_wait3A_302 : memref<1x128xi32, #tpu.memory_space<vmem>> -> memref<128xi32, #tpu.memory_space<vmem>>
    %dma_wait3A_304 = arith.constant 0 : i32
    %dma_wait3A_305 = arith.constant 0 : i32
    %dma_wait3A_306 = tpu.memref_slice %arg2[%dma_wait3A_304, %dma_wait3A_305] : memref<524288x16xf32, #tpu.memory_space<hbm>> -> memref<524288x16xf32, #tpu.memory_space<hbm>>
    tpu.wait_indirect_dma semaphore(%arg20 : memref<!tpu.dma_semaphore, #tpu.memory_space<semaphore_mem>>) src(%dma_wait3A_306 : memref<524288x16xf32, #tpu.memory_space<hbm>>) dst(%dma_wait3A_300 : memref<128x16xf32, #tpu.memory_space<vmem>>)
    %scan3A_307 = arith.constant 0 : i32
    %scan3A_308 = arith.constant 8 : i32
    %scan3A_309 = arith.addi %scan3A_307, %scan3A_308 : i32
    %scan3A_310 = arith.constant 1 : i32
    %scan3A_311:2 = scf.for %scan3A_414 = %scan3A_307 to %scan3A_309 step %scan3A_310 iter_args(%scan3A_415 = %scan3A_265#0, %scan3A_416 = %scan3A_265#1) -> (vector<16xf32>, vector<16xf32>)  : i32 {
      %mul3A_417 = arith.constant 16 : i32
      %mul3A_418 = arith.muli %scan3A_414, %mul3A_417 : i32
      %mul3A_419 = arith.constant 16 : i32
      %mul3A_420 = arith.muli %scan3A_414, %mul3A_419 : i32
      %add3A_421 = arith.constant 128 : i32
      %add3A_422 = arith.addi %add3A_421, %mul3A_420 : i32
      %add3A_423 = vector.broadcast %add3A_422 : i32 to vector<16xi32>
      %add3A_424 = arith.addi %add3A_423, %iota3A : vector<16xi32>
      %get3A = arith.constant 1 : i32
      %get3A_425 = arith.index_cast %get3A : i32 to index
      %get3A_426 = arith.index_cast %mul3A_418 : i32 to index
      %get3A_427 = tpu.vector_load %arg8[%get3A_425, %get3A_426] {strides = array<i32>} : memref<4x128xi32, #tpu.memory_space<vmem>>, vector<16xi32>,
      %get3A_428 = arith.constant 1 : i32
      %get3A_429 = arith.index_cast %get3A_428 : i32 to index
      %get3A_430 = arith.index_cast %mul3A_418 : i32 to index
      %get3A_431 = tpu.vector_load %arg7[%get3A_429, %get3A_430] {strides = array<i32>} : memref<4x128xf32, #tpu.memory_space<vmem>>, vector<16xf32>,
      %gather3A = tpu.vector_load_idx %arg10[%add3A_424, %get3A_427] : memref<512x16xf32, #tpu.memory_space<vmem>>[vector<16xi32>, vector<16xi32>], vector<16xf32>,
      %mul3A_432 = arith.mulf %gather3A, %get3A_431 : vector<16xf32>
      %gather3A_433 = tpu.vector_load_idx %arg11[%add3A_424, %get3A_427] : memref<512x16xf32, #tpu.memory_space<vmem>>[vector<16xi32>, vector<16xi32>], vector<16xf32>,
      %mul3A_434 = arith.mulf %gather3A_433, %get3A_431 : vector<16xf32>
      %gather3A_435 = tpu.vector_load_idx %arg12[%add3A_424, %get3A_427] : memref<512x16xf32, #tpu.memory_space<vmem>>[vector<16xi32>, vector<16xi32>], vector<16xf32>,
      %mul3A_436 = arith.mulf %gather3A_435, %get3A_431 : vector<16xf32>
      %gather3A_437 = tpu.vector_load_idx %arg13[%add3A_424, %get3A_427] : memref<512x16xf32, #tpu.memory_space<vmem>>[vector<16xi32>, vector<16xi32>], vector<16xf32>,
      %mul3A_438 = arith.mulf %gather3A_437, %get3A_431 : vector<16xf32>
      %min3A = arith.minimumf %mul3A_432, %mul3A_436 : vector<16xf32>
      %max3A = arith.maximumf %mul3A_432, %mul3A_436 : vector<16xf32>
      %add3A_439 = arith.constant 9.99999997E-7 : f32
      %add3A_440 = vector.broadcast %add3A_439 : f32 to vector<16xf32>
      %add3A_441 = arith.addf %max3A, %add3A_440 : vector<16xf32>
      %div3A = arith.divf %min3A, %add3A_441 : vector<16xf32>
      %min3A_442 = arith.minimumf %mul3A_434, %mul3A_438 : vector<16xf32>
      %max3A_443 = arith.maximumf %mul3A_434, %mul3A_438 : vector<16xf32>
      %add3A_444 = arith.constant 9.99999997E-7 : f32
      %add3A_445 = vector.broadcast %add3A_444 : f32 to vector<16xf32>
      %add3A_446 = arith.addf %max3A_443, %add3A_445 : vector<16xf32>
      %div3A_447 = arith.divf %min3A_442, %add3A_446 : vector<16xf32>
      %add3A_448 = arith.addf %div3A, %div3A_447 : vector<16xf32>
      %bitcast_convert_type3A = tpu.bitcast %add3A_448 : vector<16xf32> -> vector<16xi32>
      %shift_right_logical3A = arith.constant 23 : i32
      %shift_right_logical3A_449 = vector.broadcast %shift_right_logical3A : i32 to vector<16xi32>
      %shift_right_logical3A_450 = arith.shrui %bitcast_convert_type3A, %shift_right_logical3A_449 : vector<16xi32>
      %sub3A = arith.constant 127 : i32
      %sub3A_451 = vector.broadcast %sub3A : i32 to vector<16xi32>
      %sub3A_452 = arith.subi %shift_right_logical3A_450, %sub3A_451 : vector<16xi32>
      %and3A = arith.constant 8388607 : i32
      %and3A_453 = vector.broadcast %and3A : i32 to vector<16xi32>
      %and3A_454 = arith.andi %bitcast_convert_type3A, %and3A_453 : vector<16xi32>
      %or3A = arith.constant 1065353216 : i32
      %or3A_455 = vector.broadcast %or3A : i32 to vector<16xi32>
      %or3A_456 = arith.ori %and3A_454, %or3A_455 : vector<16xi32>
      %bitcast_convert_type3A_457 = tpu.bitcast %or3A_456 : vector<16xi32> -> vector<16xf32>
      %gt3A = arith.constant 1.41421354 : f32
      %gt3A_458 = vector.broadcast %gt3A : f32 to vector<16xf32>
      %gt3A_459 = arith.cmpf ogt, %bitcast_convert_type3A_457, %gt3A_458 : vector<16xf32>
      %mul3A_460 = arith.constant 5.000000e-01 : f32
      %mul3A_461 = vector.broadcast %mul3A_460 : f32 to vector<16xf32>
      %mul3A_462 = arith.mulf %bitcast_convert_type3A_457, %mul3A_461 : vector<16xf32>
      %select_n3A = arith.select %gt3A_459, %mul3A_462, %bitcast_convert_type3A_457 : vector<16xi1>, vector<16xf32>
      %jit3A = arith.constant 1 : i32
      %jit3A_463 = arith.constant 0 : i32
      %broadcast_in_dim3A_464 = vector.broadcast %jit3A : i32 to vector<16xi32>
      %broadcast_in_dim3A_465 = vector.broadcast %jit3A_463 : i32 to vector<16xi32>
      %select_n3A_466 = arith.select %gt3A_459, %broadcast_in_dim3A_464, %broadcast_in_dim3A_465 : vector<16xi1>, vector<16xi32>
      %add3A_467 = arith.addi %sub3A_452, %select_n3A_466 : vector<16xi32>
      %convert_element_type3A_468 = arith.sitofp %add3A_467 : vector<16xi32> to vector<16xf32>
      %sub3A_469 = arith.constant 1.000000e+00 : f32
      %sub3A_470 = vector.broadcast %sub3A_469 : f32 to vector<16xf32>
      %sub3A_471 = arith.subf %select_n3A, %sub3A_470 : vector<16xf32>
      %add3A_472 = arith.constant 1.000000e+00 : f32
      %add3A_473 = vector.broadcast %add3A_472 : f32 to vector<16xf32>
      %add3A_474 = arith.addf %select_n3A, %add3A_473 : vector<16xf32>
      %div3A_475 = arith.divf %sub3A_471, %add3A_474 : vector<16xf32>
      %mul3A_476 = arith.mulf %div3A_475, %div3A_475 : vector<16xf32>
      %mul3A_477 = arith.constant 0.285714298 : f32
      %mul3A_478 = vector.broadcast %mul3A_477 : f32 to vector<16xf32>
      %mul3A_479 = arith.mulf %mul3A_476, %mul3A_478 : vector<16xf32>
      %add3A_480 = arith.constant 4.000000e-01 : f32
      %add3A_481 = vector.broadcast %add3A_480 : f32 to vector<16xf32>
      %add3A_482 = arith.addf %add3A_481, %mul3A_479 : vector<16xf32>
      %mul3A_483 = arith.mulf %mul3A_476, %add3A_482 : vector<16xf32>
      %add3A_484 = arith.constant 0.666666686 : f32
      %add3A_485 = vector.broadcast %add3A_484 : f32 to vector<16xf32>
      %add3A_486 = arith.addf %add3A_485, %mul3A_483 : vector<16xf32>
      %mul3A_487 = arith.mulf %mul3A_476, %add3A_486 : vector<16xf32>
      %add3A_488 = arith.constant 2.000000e+00 : f32
      %add3A_489 = vector.broadcast %add3A_488 : f32 to vector<16xf32>
      %add3A_490 = arith.addf %add3A_489, %mul3A_487 : vector<16xf32>
      %mul3A_491 = arith.mulf %div3A_475, %add3A_490 : vector<16xf32>
      %mul3A_492 = arith.constant 0.693147182 : f32
      %mul3A_493 = vector.broadcast %mul3A_492 : f32 to vector<16xf32>
      %mul3A_494 = arith.mulf %convert_element_type3A_468, %mul3A_493 : vector<16xf32>
      %add3A_495 = arith.addf %mul3A_494, %mul3A_491 : vector<16xf32>
      %neg3A = arith.constant 0.000000e+00 : f32
      %neg3A_496 = vector.broadcast %neg3A : f32 to vector<16xf32>
      %neg3A_497 = arith.subf %neg3A_496, %add3A_495 : vector<16xf32>
      %mul3A_498 = arith.constant 16 : i32
      %mul3A_499 = arith.muli %scan3A_414, %mul3A_498 : i32
      %add3A_500 = arith.constant 128 : i32
      %add3A_501 = arith.addi %add3A_500, %mul3A_499 : i32
      %add3A_502 = vector.broadcast %add3A_501 : i32 to vector<16xi32>
      %add3A_503 = arith.addi %add3A_502, %iota3A : vector<16xi32>
      %lt3A = arith.constant 500 : i32
      %lt3A_504 = vector.broadcast %lt3A : i32 to vector<16xi32>
      %lt3A_505 = arith.cmpi slt, %add3A_503, %lt3A_504 : vector<16xi32>
      %jit3A_506 = arith.constant 0.000000e+00 : f32
      %broadcast_in_dim3A_507 = vector.broadcast %jit3A_506 : f32 to vector<16xf32>
      %select_n3A_508 = arith.select %lt3A_505, %neg3A_497, %broadcast_in_dim3A_507 : vector<16xi1>, vector<16xf32>
      %add3A_509 = arith.addf %scan3A_415, %select_n3A_508 : vector<16xf32>
      %add3A_510 = arith.addf %scan3A_416, %get3A_431 : vector<16xf32>
      scf.yield %add3A_509, %add3A_510 : vector<16xf32>, vector<16xf32>
    }
    %scan3A_312 = arith.constant 8 : i32
    %dma_wait3A_313 = arith.constant 2 : i32
    %dma_wait3A_314 = arith.constant 256 : i32
    %dma_wait3A_315 = arith.constant 0 : i32
    %dma_wait3A_316 = tpu.memref_slice %arg10[%dma_wait3A_314, %dma_wait3A_315] : memref<512x16xf32, #tpu.memory_space<vmem>> -> memref<128x16xf32, #tpu.memory_space<vmem>>
    %dma_wait3A_317 = arith.constant 0 : i32
    %dma_wait3A_318 = tpu.memref_slice %arg9[%dma_wait3A_313, %dma_wait3A_317] : memref<16x128xi32, #tpu.memory_space<vmem>> -> memref<1x128xi32, #tpu.memory_space<vmem>>
    %dma_wait3A_319 = tpu.memref_squeeze %dma_wait3A_318 : memref<1x128xi32, #tpu.memory_space<vmem>> -> memref<128xi32, #tpu.memory_space<vmem>>
    %dma_wait3A_320 = arith.constant 0 : i32
    %dma_wait3A_321 = arith.constant 0 : i32
    %dma_wait3A_322 = tpu.memref_slice %arg2[%dma_wait3A_320, %dma_wait3A_321] : memref<524288x16xf32, #tpu.memory_space<hbm>> -> memref<524288x16xf32, #tpu.memory_space<hbm>>
    tpu.wait_indirect_dma semaphore(%arg21 : memref<!tpu.dma_semaphore, #tpu.memory_space<semaphore_mem>>) src(%dma_wait3A_322 : memref<524288x16xf32, #tpu.memory_space<hbm>>) dst(%dma_wait3A_316 : memref<128x16xf32, #tpu.memory_space<vmem>>)
    %dma_wait3A_323 = arith.constant 6 : i32
    %dma_wait3A_324 = arith.constant 256 : i32
    %dma_wait3A_325 = arith.constant 0 : i32
    %dma_wait3A_326 = tpu.memref_slice %arg11[%dma_wait3A_324, %dma_wait3A_325] : memref<512x16xf32, #tpu.memory_space<vmem>> -> memref<128x16xf32, #tpu.memory_space<vmem>>
    %dma_wait3A_327 = arith.constant 0 : i32
    %dma_wait3A_328 = tpu.memref_slice %arg9[%dma_wait3A_323, %dma_wait3A_327] : memref<16x128xi32, #tpu.memory_space<vmem>> -> memref<1x128xi32, #tpu.memory_space<vmem>>
    %dma_wait3A_329 = tpu.memref_squeeze %dma_wait3A_328 : memref<1x128xi32, #tpu.memory_space<vmem>> -> memref<128xi32, #tpu.memory_space<vmem>>
    %dma_wait3A_330 = arith.constant 0 : i32
    %dma_wait3A_331 = arith.constant 0 : i32
    %dma_wait3A_332 = tpu.memref_slice %arg2[%dma_wait3A_330, %dma_wait3A_331] : memref<524288x16xf32, #tpu.memory_space<hbm>> -> memref<524288x16xf32, #tpu.memory_space<hbm>>
    tpu.wait_indirect_dma semaphore(%arg21 : memref<!tpu.dma_semaphore, #tpu.memory_space<semaphore_mem>>) src(%dma_wait3A_332 : memref<524288x16xf32, #tpu.memory_space<hbm>>) dst(%dma_wait3A_326 : memref<128x16xf32, #tpu.memory_space<vmem>>)
    %dma_wait3A_333 = arith.constant 10 : i32
    %dma_wait3A_334 = arith.constant 256 : i32
    %dma_wait3A_335 = arith.constant 0 : i32
    %dma_wait3A_336 = tpu.memref_slice %arg12[%dma_wait3A_334, %dma_wait3A_335] : memref<512x16xf32, #tpu.memory_space<vmem>> -> memref<128x16xf32, #tpu.memory_space<vmem>>
    %dma_wait3A_337 = arith.constant 0 : i32
    %dma_wait3A_338 = tpu.memref_slice %arg9[%dma_wait3A_333, %dma_wait3A_337] : memref<16x128xi32, #tpu.memory_space<vmem>> -> memref<1x128xi32, #tpu.memory_space<vmem>>
    %dma_wait3A_339 = tpu.memref_squeeze %dma_wait3A_338 : memref<1x128xi32, #tpu.memory_space<vmem>> -> memref<128xi32, #tpu.memory_space<vmem>>
    %dma_wait3A_340 = arith.constant 0 : i32
    %dma_wait3A_341 = arith.constant 0 : i32
    %dma_wait3A_342 = tpu.memref_slice %arg2[%dma_wait3A_340, %dma_wait3A_341] : memref<524288x16xf32, #tpu.memory_space<hbm>> -> memref<524288x16xf32, #tpu.memory_space<hbm>>
    tpu.wait_indirect_dma semaphore(%arg21 : memref<!tpu.dma_semaphore, #tpu.memory_space<semaphore_mem>>) src(%dma_wait3A_342 : memref<524288x16xf32, #tpu.memory_space<hbm>>) dst(%dma_wait3A_336 : memref<128x16xf32, #tpu.memory_space<vmem>>)
    %dma_wait3A_343 = arith.constant 14 : i32
    %dma_wait3A_344 = arith.constant 256 : i32
    %dma_wait3A_345 = arith.constant 0 : i32
    %dma_wait3A_346 = tpu.memref_slice %arg13[%dma_wait3A_344, %dma_wait3A_345] : memref<512x16xf32, #tpu.memory_space<vmem>> -> memref<128x16xf32, #tpu.memory_space<vmem>>
    %dma_wait3A_347 = arith.constant 0 : i32
    %dma_wait3A_348 = tpu.memref_slice %arg9[%dma_wait3A_343, %dma_wait3A_347] : memref<16x128xi32, #tpu.memory_space<vmem>> -> memref<1x128xi32, #tpu.memory_space<vmem>>
    %dma_wait3A_349 = tpu.memref_squeeze %dma_wait3A_348 : memref<1x128xi32, #tpu.memory_space<vmem>> -> memref<128xi32, #tpu.memory_space<vmem>>
    %dma_wait3A_350 = arith.constant 0 : i32
    %dma_wait3A_351 = arith.constant 0 : i32
    %dma_wait3A_352 = tpu.memref_slice %arg2[%dma_wait3A_350, %dma_wait3A_351] : memref<524288x16xf32, #tpu.memory_space<hbm>> -> memref<524288x16xf32, #tpu.memory_space<hbm>>
    tpu.wait_indirect_dma semaphore(%arg21 : memref<!tpu.dma_semaphore, #tpu.memory_space<semaphore_mem>>) src(%dma_wait3A_352 : memref<524288x16xf32, #tpu.memory_space<hbm>>) dst(%dma_wait3A_346 : memref<128x16xf32, #tpu.memory_space<vmem>>)
    %scan3A_353 = arith.constant 0 : i32
    %scan3A_354 = arith.constant 8 : i32
    %scan3A_355 = arith.addi %scan3A_353, %scan3A_354 : i32
    %scan3A_356 = arith.constant 1 : i32
    %scan3A_357:2 = scf.for %scan3A_414 = %scan3A_353 to %scan3A_355 step %scan3A_356 iter_args(%scan3A_415 = %scan3A_311#0, %scan3A_416 = %scan3A_311#1) -> (vector<16xf32>, vector<16xf32>)  : i32 {
      %mul3A_417 = arith.constant 16 : i32
      %mul3A_418 = arith.muli %scan3A_414, %mul3A_417 : i32
      %mul3A_419 = arith.constant 16 : i32
      %mul3A_420 = arith.muli %scan3A_414, %mul3A_419 : i32
      %add3A_421 = arith.constant 256 : i32
      %add3A_422 = arith.addi %add3A_421, %mul3A_420 : i32
      %add3A_423 = vector.broadcast %add3A_422 : i32 to vector<16xi32>
      %add3A_424 = arith.addi %add3A_423, %iota3A : vector<16xi32>
      %get3A = arith.constant 2 : i32
      %get3A_425 = arith.index_cast %get3A : i32 to index
      %get3A_426 = arith.index_cast %mul3A_418 : i32 to index
      %get3A_427 = tpu.vector_load %arg8[%get3A_425, %get3A_426] {strides = array<i32>} : memref<4x128xi32, #tpu.memory_space<vmem>>, vector<16xi32>,
      %get3A_428 = arith.constant 2 : i32
      %get3A_429 = arith.index_cast %get3A_428 : i32 to index
      %get3A_430 = arith.index_cast %mul3A_418 : i32 to index
      %get3A_431 = tpu.vector_load %arg7[%get3A_429, %get3A_430] {strides = array<i32>} : memref<4x128xf32, #tpu.memory_space<vmem>>, vector<16xf32>,
      %gather3A = tpu.vector_load_idx %arg10[%add3A_424, %get3A_427] : memref<512x16xf32, #tpu.memory_space<vmem>>[vector<16xi32>, vector<16xi32>], vector<16xf32>,
      %mul3A_432 = arith.mulf %gather3A, %get3A_431 : vector<16xf32>
      %gather3A_433 = tpu.vector_load_idx %arg11[%add3A_424, %get3A_427] : memref<512x16xf32, #tpu.memory_space<vmem>>[vector<16xi32>, vector<16xi32>], vector<16xf32>,
      %mul3A_434 = arith.mulf %gather3A_433, %get3A_431 : vector<16xf32>
      %gather3A_435 = tpu.vector_load_idx %arg12[%add3A_424, %get3A_427] : memref<512x16xf32, #tpu.memory_space<vmem>>[vector<16xi32>, vector<16xi32>], vector<16xf32>,
      %mul3A_436 = arith.mulf %gather3A_435, %get3A_431 : vector<16xf32>
      %gather3A_437 = tpu.vector_load_idx %arg13[%add3A_424, %get3A_427] : memref<512x16xf32, #tpu.memory_space<vmem>>[vector<16xi32>, vector<16xi32>], vector<16xf32>,
      %mul3A_438 = arith.mulf %gather3A_437, %get3A_431 : vector<16xf32>
      %min3A = arith.minimumf %mul3A_432, %mul3A_436 : vector<16xf32>
      %max3A = arith.maximumf %mul3A_432, %mul3A_436 : vector<16xf32>
      %add3A_439 = arith.constant 9.99999997E-7 : f32
      %add3A_440 = vector.broadcast %add3A_439 : f32 to vector<16xf32>
      %add3A_441 = arith.addf %max3A, %add3A_440 : vector<16xf32>
      %div3A = arith.divf %min3A, %add3A_441 : vector<16xf32>
      %min3A_442 = arith.minimumf %mul3A_434, %mul3A_438 : vector<16xf32>
      %max3A_443 = arith.maximumf %mul3A_434, %mul3A_438 : vector<16xf32>
      %add3A_444 = arith.constant 9.99999997E-7 : f32
      %add3A_445 = vector.broadcast %add3A_444 : f32 to vector<16xf32>
      %add3A_446 = arith.addf %max3A_443, %add3A_445 : vector<16xf32>
      %div3A_447 = arith.divf %min3A_442, %add3A_446 : vector<16xf32>
      %add3A_448 = arith.addf %div3A, %div3A_447 : vector<16xf32>
      %bitcast_convert_type3A = tpu.bitcast %add3A_448 : vector<16xf32> -> vector<16xi32>
      %shift_right_logical3A = arith.constant 23 : i32
      %shift_right_logical3A_449 = vector.broadcast %shift_right_logical3A : i32 to vector<16xi32>
      %shift_right_logical3A_450 = arith.shrui %bitcast_convert_type3A, %shift_right_logical3A_449 : vector<16xi32>
      %sub3A = arith.constant 127 : i32
      %sub3A_451 = vector.broadcast %sub3A : i32 to vector<16xi32>
      %sub3A_452 = arith.subi %shift_right_logical3A_450, %sub3A_451 : vector<16xi32>
      %and3A = arith.constant 8388607 : i32
      %and3A_453 = vector.broadcast %and3A : i32 to vector<16xi32>
      %and3A_454 = arith.andi %bitcast_convert_type3A, %and3A_453 : vector<16xi32>
      %or3A = arith.constant 1065353216 : i32
      %or3A_455 = vector.broadcast %or3A : i32 to vector<16xi32>
      %or3A_456 = arith.ori %and3A_454, %or3A_455 : vector<16xi32>
      %bitcast_convert_type3A_457 = tpu.bitcast %or3A_456 : vector<16xi32> -> vector<16xf32>
      %gt3A = arith.constant 1.41421354 : f32
      %gt3A_458 = vector.broadcast %gt3A : f32 to vector<16xf32>
      %gt3A_459 = arith.cmpf ogt, %bitcast_convert_type3A_457, %gt3A_458 : vector<16xf32>
      %mul3A_460 = arith.constant 5.000000e-01 : f32
      %mul3A_461 = vector.broadcast %mul3A_460 : f32 to vector<16xf32>
      %mul3A_462 = arith.mulf %bitcast_convert_type3A_457, %mul3A_461 : vector<16xf32>
      %select_n3A = arith.select %gt3A_459, %mul3A_462, %bitcast_convert_type3A_457 : vector<16xi1>, vector<16xf32>
      %jit3A = arith.constant 1 : i32
      %jit3A_463 = arith.constant 0 : i32
      %broadcast_in_dim3A_464 = vector.broadcast %jit3A : i32 to vector<16xi32>
      %broadcast_in_dim3A_465 = vector.broadcast %jit3A_463 : i32 to vector<16xi32>
      %select_n3A_466 = arith.select %gt3A_459, %broadcast_in_dim3A_464, %broadcast_in_dim3A_465 : vector<16xi1>, vector<16xi32>
      %add3A_467 = arith.addi %sub3A_452, %select_n3A_466 : vector<16xi32>
      %convert_element_type3A_468 = arith.sitofp %add3A_467 : vector<16xi32> to vector<16xf32>
      %sub3A_469 = arith.constant 1.000000e+00 : f32
      %sub3A_470 = vector.broadcast %sub3A_469 : f32 to vector<16xf32>
      %sub3A_471 = arith.subf %select_n3A, %sub3A_470 : vector<16xf32>
      %add3A_472 = arith.constant 1.000000e+00 : f32
      %add3A_473 = vector.broadcast %add3A_472 : f32 to vector<16xf32>
      %add3A_474 = arith.addf %select_n3A, %add3A_473 : vector<16xf32>
      %div3A_475 = arith.divf %sub3A_471, %add3A_474 : vector<16xf32>
      %mul3A_476 = arith.mulf %div3A_475, %div3A_475 : vector<16xf32>
      %mul3A_477 = arith.constant 0.285714298 : f32
      %mul3A_478 = vector.broadcast %mul3A_477 : f32 to vector<16xf32>
      %mul3A_479 = arith.mulf %mul3A_476, %mul3A_478 : vector<16xf32>
      %add3A_480 = arith.constant 4.000000e-01 : f32
      %add3A_481 = vector.broadcast %add3A_480 : f32 to vector<16xf32>
      %add3A_482 = arith.addf %add3A_481, %mul3A_479 : vector<16xf32>
      %mul3A_483 = arith.mulf %mul3A_476, %add3A_482 : vector<16xf32>
      %add3A_484 = arith.constant 0.666666686 : f32
      %add3A_485 = vector.broadcast %add3A_484 : f32 to vector<16xf32>
      %add3A_486 = arith.addf %add3A_485, %mul3A_483 : vector<16xf32>
      %mul3A_487 = arith.mulf %mul3A_476, %add3A_486 : vector<16xf32>
      %add3A_488 = arith.constant 2.000000e+00 : f32
      %add3A_489 = vector.broadcast %add3A_488 : f32 to vector<16xf32>
      %add3A_490 = arith.addf %add3A_489, %mul3A_487 : vector<16xf32>
      %mul3A_491 = arith.mulf %div3A_475, %add3A_490 : vector<16xf32>
      %mul3A_492 = arith.constant 0.693147182 : f32
      %mul3A_493 = vector.broadcast %mul3A_492 : f32 to vector<16xf32>
      %mul3A_494 = arith.mulf %convert_element_type3A_468, %mul3A_493 : vector<16xf32>
      %add3A_495 = arith.addf %mul3A_494, %mul3A_491 : vector<16xf32>
      %neg3A = arith.constant 0.000000e+00 : f32
      %neg3A_496 = vector.broadcast %neg3A : f32 to vector<16xf32>
      %neg3A_497 = arith.subf %neg3A_496, %add3A_495 : vector<16xf32>
      %mul3A_498 = arith.constant 16 : i32
      %mul3A_499 = arith.muli %scan3A_414, %mul3A_498 : i32
      %add3A_500 = arith.constant 256 : i32
      %add3A_501 = arith.addi %add3A_500, %mul3A_499 : i32
      %add3A_502 = vector.broadcast %add3A_501 : i32 to vector<16xi32>
      %add3A_503 = arith.addi %add3A_502, %iota3A : vector<16xi32>
      %lt3A = arith.constant 500 : i32
      %lt3A_504 = vector.broadcast %lt3A : i32 to vector<16xi32>
      %lt3A_505 = arith.cmpi slt, %add3A_503, %lt3A_504 : vector<16xi32>
      %jit3A_506 = arith.constant 0.000000e+00 : f32
      %broadcast_in_dim3A_507 = vector.broadcast %jit3A_506 : f32 to vector<16xf32>
      %select_n3A_508 = arith.select %lt3A_505, %neg3A_497, %broadcast_in_dim3A_507 : vector<16xi1>, vector<16xf32>
      %add3A_509 = arith.addf %scan3A_415, %select_n3A_508 : vector<16xf32>
      %add3A_510 = arith.addf %scan3A_416, %get3A_431 : vector<16xf32>
      scf.yield %add3A_509, %add3A_510 : vector<16xf32>, vector<16xf32>
    }
    %scan3A_358 = arith.constant 8 : i32
    %dma_wait3A_359 = arith.constant 3 : i32
    %dma_wait3A_360 = arith.constant 384 : i32
    %dma_wait3A_361 = arith.constant 0 : i32
    %dma_wait3A_362 = tpu.memref_slice %arg10[%dma_wait3A_360, %dma_wait3A_361] : memref<512x16xf32, #tpu.memory_space<vmem>> -> memref<128x16xf32, #tpu.memory_space<vmem>>
    %dma_wait3A_363 = arith.constant 0 : i32
    %dma_wait3A_364 = tpu.memref_slice %arg9[%dma_wait3A_359, %dma_wait3A_363] : memref<16x128xi32, #tpu.memory_space<vmem>> -> memref<1x128xi32, #tpu.memory_space<vmem>>
    %dma_wait3A_365 = tpu.memref_squeeze %dma_wait3A_364 : memref<1x128xi32, #tpu.memory_space<vmem>> -> memref<128xi32, #tpu.memory_space<vmem>>
    %dma_wait3A_366 = arith.constant 0 : i32
    %dma_wait3A_367 = arith.constant 0 : i32
    %dma_wait3A_368 = tpu.memref_slice %arg2[%dma_wait3A_366, %dma_wait3A_367] : memref<524288x16xf32, #tpu.memory_space<hbm>> -> memref<524288x16xf32, #tpu.memory_space<hbm>>
    tpu.wait_indirect_dma semaphore(%arg22 : memref<!tpu.dma_semaphore, #tpu.memory_space<semaphore_mem>>) src(%dma_wait3A_368 : memref<524288x16xf32, #tpu.memory_space<hbm>>) dst(%dma_wait3A_362 : memref<128x16xf32, #tpu.memory_space<vmem>>)
    %dma_wait3A_369 = arith.constant 7 : i32
    %dma_wait3A_370 = arith.constant 384 : i32
    %dma_wait3A_371 = arith.constant 0 : i32
    %dma_wait3A_372 = tpu.memref_slice %arg11[%dma_wait3A_370, %dma_wait3A_371] : memref<512x16xf32, #tpu.memory_space<vmem>> -> memref<128x16xf32, #tpu.memory_space<vmem>>
    %dma_wait3A_373 = arith.constant 0 : i32
    %dma_wait3A_374 = tpu.memref_slice %arg9[%dma_wait3A_369, %dma_wait3A_373] : memref<16x128xi32, #tpu.memory_space<vmem>> -> memref<1x128xi32, #tpu.memory_space<vmem>>
    %dma_wait3A_375 = tpu.memref_squeeze %dma_wait3A_374 : memref<1x128xi32, #tpu.memory_space<vmem>> -> memref<128xi32, #tpu.memory_space<vmem>>
    %dma_wait3A_376 = arith.constant 0 : i32
    %dma_wait3A_377 = arith.constant 0 : i32
    %dma_wait3A_378 = tpu.memref_slice %arg2[%dma_wait3A_376, %dma_wait3A_377] : memref<524288x16xf32, #tpu.memory_space<hbm>> -> memref<524288x16xf32, #tpu.memory_space<hbm>>
    tpu.wait_indirect_dma semaphore(%arg22 : memref<!tpu.dma_semaphore, #tpu.memory_space<semaphore_mem>>) src(%dma_wait3A_378 : memref<524288x16xf32, #tpu.memory_space<hbm>>) dst(%dma_wait3A_372 : memref<128x16xf32, #tpu.memory_space<vmem>>)
    %dma_wait3A_379 = arith.constant 11 : i32
    %dma_wait3A_380 = arith.constant 384 : i32
    %dma_wait3A_381 = arith.constant 0 : i32
    %dma_wait3A_382 = tpu.memref_slice %arg12[%dma_wait3A_380, %dma_wait3A_381] : memref<512x16xf32, #tpu.memory_space<vmem>> -> memref<128x16xf32, #tpu.memory_space<vmem>>
    %dma_wait3A_383 = arith.constant 0 : i32
    %dma_wait3A_384 = tpu.memref_slice %arg9[%dma_wait3A_379, %dma_wait3A_383] : memref<16x128xi32, #tpu.memory_space<vmem>> -> memref<1x128xi32, #tpu.memory_space<vmem>>
    %dma_wait3A_385 = tpu.memref_squeeze %dma_wait3A_384 : memref<1x128xi32, #tpu.memory_space<vmem>> -> memref<128xi32, #tpu.memory_space<vmem>>
    %dma_wait3A_386 = arith.constant 0 : i32
    %dma_wait3A_387 = arith.constant 0 : i32
    %dma_wait3A_388 = tpu.memref_slice %arg2[%dma_wait3A_386, %dma_wait3A_387] : memref<524288x16xf32, #tpu.memory_space<hbm>> -> memref<524288x16xf32, #tpu.memory_space<hbm>>
    tpu.wait_indirect_dma semaphore(%arg22 : memref<!tpu.dma_semaphore, #tpu.memory_space<semaphore_mem>>) src(%dma_wait3A_388 : memref<524288x16xf32, #tpu.memory_space<hbm>>) dst(%dma_wait3A_382 : memref<128x16xf32, #tpu.memory_space<vmem>>)
    %dma_wait3A_389 = arith.constant 15 : i32
    %dma_wait3A_390 = arith.constant 384 : i32
    %dma_wait3A_391 = arith.constant 0 : i32
    %dma_wait3A_392 = tpu.memref_slice %arg13[%dma_wait3A_390, %dma_wait3A_391] : memref<512x16xf32, #tpu.memory_space<vmem>> -> memref<128x16xf32, #tpu.memory_space<vmem>>
    %dma_wait3A_393 = arith.constant 0 : i32
    %dma_wait3A_394 = tpu.memref_slice %arg9[%dma_wait3A_389, %dma_wait3A_393] : memref<16x128xi32, #tpu.memory_space<vmem>> -> memref<1x128xi32, #tpu.memory_space<vmem>>
    %dma_wait3A_395 = tpu.memref_squeeze %dma_wait3A_394 : memref<1x128xi32, #tpu.memory_space<vmem>> -> memref<128xi32, #tpu.memory_space<vmem>>
    %dma_wait3A_396 = arith.constant 0 : i32
    %dma_wait3A_397 = arith.constant 0 : i32
    %dma_wait3A_398 = tpu.memref_slice %arg2[%dma_wait3A_396, %dma_wait3A_397] : memref<524288x16xf32, #tpu.memory_space<hbm>> -> memref<524288x16xf32, #tpu.memory_space<hbm>>
    tpu.wait_indirect_dma semaphore(%arg22 : memref<!tpu.dma_semaphore, #tpu.memory_space<semaphore_mem>>) src(%dma_wait3A_398 : memref<524288x16xf32, #tpu.memory_space<hbm>>) dst(%dma_wait3A_392 : memref<128x16xf32, #tpu.memory_space<vmem>>)
    %scan3A_399 = arith.constant 0 : i32
    %scan3A_400 = arith.constant 8 : i32
    %scan3A_401 = arith.addi %scan3A_399, %scan3A_400 : i32
    %scan3A_402 = arith.constant 1 : i32
    %scan3A_403:2 = scf.for %scan3A_414 = %scan3A_399 to %scan3A_401 step %scan3A_402 iter_args(%scan3A_415 = %scan3A_357#0, %scan3A_416 = %scan3A_357#1) -> (vector<16xf32>, vector<16xf32>)  : i32 {
      %mul3A_417 = arith.constant 16 : i32
      %mul3A_418 = arith.muli %scan3A_414, %mul3A_417 : i32
      %mul3A_419 = arith.constant 16 : i32
      %mul3A_420 = arith.muli %scan3A_414, %mul3A_419 : i32
      %add3A_421 = arith.constant 384 : i32
      %add3A_422 = arith.addi %add3A_421, %mul3A_420 : i32
      %add3A_423 = vector.broadcast %add3A_422 : i32 to vector<16xi32>
      %add3A_424 = arith.addi %add3A_423, %iota3A : vector<16xi32>
      %get3A = arith.constant 3 : i32
      %get3A_425 = arith.index_cast %get3A : i32 to index
      %get3A_426 = arith.index_cast %mul3A_418 : i32 to index
      %get3A_427 = tpu.vector_load %arg8[%get3A_425, %get3A_426] {strides = array<i32>} : memref<4x128xi32, #tpu.memory_space<vmem>>, vector<16xi32>,
      %get3A_428 = arith.constant 3 : i32
      %get3A_429 = arith.index_cast %get3A_428 : i32 to index
      %get3A_430 = arith.index_cast %mul3A_418 : i32 to index
      %get3A_431 = tpu.vector_load %arg7[%get3A_429, %get3A_430] {strides = array<i32>} : memref<4x128xf32, #tpu.memory_space<vmem>>, vector<16xf32>,
      %gather3A = tpu.vector_load_idx %arg10[%add3A_424, %get3A_427] : memref<512x16xf32, #tpu.memory_space<vmem>>[vector<16xi32>, vector<16xi32>], vector<16xf32>,
      %mul3A_432 = arith.mulf %gather3A, %get3A_431 : vector<16xf32>
      %gather3A_433 = tpu.vector_load_idx %arg11[%add3A_424, %get3A_427] : memref<512x16xf32, #tpu.memory_space<vmem>>[vector<16xi32>, vector<16xi32>], vector<16xf32>,
      %mul3A_434 = arith.mulf %gather3A_433, %get3A_431 : vector<16xf32>
      %gather3A_435 = tpu.vector_load_idx %arg12[%add3A_424, %get3A_427] : memref<512x16xf32, #tpu.memory_space<vmem>>[vector<16xi32>, vector<16xi32>], vector<16xf32>,
      %mul3A_436 = arith.mulf %gather3A_435, %get3A_431 : vector<16xf32>
      %gather3A_437 = tpu.vector_load_idx %arg13[%add3A_424, %get3A_427] : memref<512x16xf32, #tpu.memory_space<vmem>>[vector<16xi32>, vector<16xi32>], vector<16xf32>,
      %mul3A_438 = arith.mulf %gather3A_437, %get3A_431 : vector<16xf32>
      %min3A = arith.minimumf %mul3A_432, %mul3A_436 : vector<16xf32>
      %max3A = arith.maximumf %mul3A_432, %mul3A_436 : vector<16xf32>
      %add3A_439 = arith.constant 9.99999997E-7 : f32
      %add3A_440 = vector.broadcast %add3A_439 : f32 to vector<16xf32>
      %add3A_441 = arith.addf %max3A, %add3A_440 : vector<16xf32>
      %div3A = arith.divf %min3A, %add3A_441 : vector<16xf32>
      %min3A_442 = arith.minimumf %mul3A_434, %mul3A_438 : vector<16xf32>
      %max3A_443 = arith.maximumf %mul3A_434, %mul3A_438 : vector<16xf32>
      %add3A_444 = arith.constant 9.99999997E-7 : f32
      %add3A_445 = vector.broadcast %add3A_444 : f32 to vector<16xf32>
      %add3A_446 = arith.addf %max3A_443, %add3A_445 : vector<16xf32>
      %div3A_447 = arith.divf %min3A_442, %add3A_446 : vector<16xf32>
      %add3A_448 = arith.addf %div3A, %div3A_447 : vector<16xf32>
      %bitcast_convert_type3A = tpu.bitcast %add3A_448 : vector<16xf32> -> vector<16xi32>
      %shift_right_logical3A = arith.constant 23 : i32
      %shift_right_logical3A_449 = vector.broadcast %shift_right_logical3A : i32 to vector<16xi32>
      %shift_right_logical3A_450 = arith.shrui %bitcast_convert_type3A, %shift_right_logical3A_449 : vector<16xi32>
      %sub3A = arith.constant 127 : i32
      %sub3A_451 = vector.broadcast %sub3A : i32 to vector<16xi32>
      %sub3A_452 = arith.subi %shift_right_logical3A_450, %sub3A_451 : vector<16xi32>
      %and3A = arith.constant 8388607 : i32
      %and3A_453 = vector.broadcast %and3A : i32 to vector<16xi32>
      %and3A_454 = arith.andi %bitcast_convert_type3A, %and3A_453 : vector<16xi32>
      %or3A = arith.constant 1065353216 : i32
      %or3A_455 = vector.broadcast %or3A : i32 to vector<16xi32>
      %or3A_456 = arith.ori %and3A_454, %or3A_455 : vector<16xi32>
      %bitcast_convert_type3A_457 = tpu.bitcast %or3A_456 : vector<16xi32> -> vector<16xf32>
      %gt3A = arith.constant 1.41421354 : f32
      %gt3A_458 = vector.broadcast %gt3A : f32 to vector<16xf32>
      %gt3A_459 = arith.cmpf ogt, %bitcast_convert_type3A_457, %gt3A_458 : vector<16xf32>
      %mul3A_460 = arith.constant 5.000000e-01 : f32
      %mul3A_461 = vector.broadcast %mul3A_460 : f32 to vector<16xf32>
      %mul3A_462 = arith.mulf %bitcast_convert_type3A_457, %mul3A_461 : vector<16xf32>
      %select_n3A = arith.select %gt3A_459, %mul3A_462, %bitcast_convert_type3A_457 : vector<16xi1>, vector<16xf32>
      %jit3A = arith.constant 1 : i32
      %jit3A_463 = arith.constant 0 : i32
      %broadcast_in_dim3A_464 = vector.broadcast %jit3A : i32 to vector<16xi32>
      %broadcast_in_dim3A_465 = vector.broadcast %jit3A_463 : i32 to vector<16xi32>
      %select_n3A_466 = arith.select %gt3A_459, %broadcast_in_dim3A_464, %broadcast_in_dim3A_465 : vector<16xi1>, vector<16xi32>
      %add3A_467 = arith.addi %sub3A_452, %select_n3A_466 : vector<16xi32>
      %convert_element_type3A_468 = arith.sitofp %add3A_467 : vector<16xi32> to vector<16xf32>
      %sub3A_469 = arith.constant 1.000000e+00 : f32
      %sub3A_470 = vector.broadcast %sub3A_469 : f32 to vector<16xf32>
      %sub3A_471 = arith.subf %select_n3A, %sub3A_470 : vector<16xf32>
      %add3A_472 = arith.constant 1.000000e+00 : f32
      %add3A_473 = vector.broadcast %add3A_472 : f32 to vector<16xf32>
      %add3A_474 = arith.addf %select_n3A, %add3A_473 : vector<16xf32>
      %div3A_475 = arith.divf %sub3A_471, %add3A_474 : vector<16xf32>
      %mul3A_476 = arith.mulf %div3A_475, %div3A_475 : vector<16xf32>
      %mul3A_477 = arith.constant 0.285714298 : f32
      %mul3A_478 = vector.broadcast %mul3A_477 : f32 to vector<16xf32>
      %mul3A_479 = arith.mulf %mul3A_476, %mul3A_478 : vector<16xf32>
      %add3A_480 = arith.constant 4.000000e-01 : f32
      %add3A_481 = vector.broadcast %add3A_480 : f32 to vector<16xf32>
      %add3A_482 = arith.addf %add3A_481, %mul3A_479 : vector<16xf32>
      %mul3A_483 = arith.mulf %mul3A_476, %add3A_482 : vector<16xf32>
      %add3A_484 = arith.constant 0.666666686 : f32
      %add3A_485 = vector.broadcast %add3A_484 : f32 to vector<16xf32>
      %add3A_486 = arith.addf %add3A_485, %mul3A_483 : vector<16xf32>
      %mul3A_487 = arith.mulf %mul3A_476, %add3A_486 : vector<16xf32>
      %add3A_488 = arith.constant 2.000000e+00 : f32
      %add3A_489 = vector.broadcast %add3A_488 : f32 to vector<16xf32>
      %add3A_490 = arith.addf %add3A_489, %mul3A_487 : vector<16xf32>
      %mul3A_491 = arith.mulf %div3A_475, %add3A_490 : vector<16xf32>
      %mul3A_492 = arith.constant 0.693147182 : f32
      %mul3A_493 = vector.broadcast %mul3A_492 : f32 to vector<16xf32>
      %mul3A_494 = arith.mulf %convert_element_type3A_468, %mul3A_493 : vector<16xf32>
      %add3A_495 = arith.addf %mul3A_494, %mul3A_491 : vector<16xf32>
      %neg3A = arith.constant 0.000000e+00 : f32
      %neg3A_496 = vector.broadcast %neg3A : f32 to vector<16xf32>
      %neg3A_497 = arith.subf %neg3A_496, %add3A_495 : vector<16xf32>
      %mul3A_498 = arith.constant 16 : i32
      %mul3A_499 = arith.muli %scan3A_414, %mul3A_498 : i32
      %add3A_500 = arith.constant 384 : i32
      %add3A_501 = arith.addi %add3A_500, %mul3A_499 : i32
      %add3A_502 = vector.broadcast %add3A_501 : i32 to vector<16xi32>
      %add3A_503 = arith.addi %add3A_502, %iota3A : vector<16xi32>
      %lt3A = arith.constant 500 : i32
      %lt3A_504 = vector.broadcast %lt3A : i32 to vector<16xi32>
      %lt3A_505 = arith.cmpi slt, %add3A_503, %lt3A_504 : vector<16xi32>
      %jit3A_506 = arith.constant 0.000000e+00 : f32
      %broadcast_in_dim3A_507 = vector.broadcast %jit3A_506 : f32 to vector<16xf32>
      %select_n3A_508 = arith.select %lt3A_505, %neg3A_497, %broadcast_in_dim3A_507 : vector<16xi1>, vector<16xf32>
      %add3A_509 = arith.addf %scan3A_415, %select_n3A_508 : vector<16xf32>
      %add3A_510 = arith.addf %scan3A_416, %get3A_431 : vector<16xf32>
      scf.yield %add3A_509, %add3A_510 : vector<16xf32>, vector<16xf32>
    }
    %scan3A_404 = arith.constant 8 : i32
    %swap3A = arith.constant 0 : i32
    %swap3A_405 = arith.index_cast %swap3A : i32 to index
    %swap3A_406 = arith.constant 0 : index
    %swap3A_407 = tpu.vector_load %arg14[%swap3A_405, %swap3A_406] {strides = array<i32>} : memref<2x16xf32, #tpu.memory_space<vmem>>, vector<16xf32>,
    tpu.vector_store %arg14[%swap3A_405, %swap3A_406], %scan3A_403#0 {strides = array<i32>} : memref<2x16xf32, #tpu.memory_space<vmem>>, vector<16xf32>,
    %swap3A_408 = arith.constant 1 : i32
    %swap3A_409 = arith.index_cast %swap3A_408 : i32 to index
    %swap3A_410 = arith.constant 0 : index
    %swap3A_411 = tpu.vector_load %arg14[%swap3A_409, %swap3A_410] {strides = array<i32>} : memref<2x16xf32, #tpu.memory_space<vmem>>, vector<16xf32>,
    tpu.vector_store %arg14[%swap3A_409, %swap3A_410], %scan3A_403#1 {strides = array<i32>} : memref<2x16xf32, #tpu.memory_space<vmem>>, vector<16xf32>,
    "tpu.region"() ({
      %run_scoped3A = tpu.sem_alloc : memref<!tpu.dma_semaphore, #tpu.memory_space<semaphore_mem>>
      %dma_start3A_414 = arith.constant 0 : i32
      %dma_start3A_415 = arith.constant 0 : i32
      %dma_start3A_416 = tpu.memref_slice %arg15[%arg1, %dma_start3A_414, %dma_start3A_415] : memref<16x2x16xf32, #tpu.memory_space<vmem_shared>> -> memref<1x2x16xf32, #tpu.memory_space<vmem_shared>>
      %dma_start3A_417 = tpu.memref_squeeze %dma_start3A_416 : memref<1x2x16xf32, #tpu.memory_space<vmem_shared>> -> memref<2x16xf32, #tpu.memory_space<vmem_shared>>
      %dma_start3A_418 = arith.constant 0 : i32
      %dma_start3A_419 = arith.constant 0 : i32
      %dma_start3A_420 = tpu.memref_slice %arg15[%arg1, %dma_start3A_418, %dma_start3A_419] : memref<16x2x16xf32, #tpu.memory_space<vmem_shared>> -> memref<1x2x16xf32, #tpu.memory_space<vmem_shared>>
      %dma_start3A_421 = tpu.memref_squeeze %dma_start3A_420 : memref<1x2x16xf32, #tpu.memory_space<vmem_shared>> -> memref<2x16xf32, #tpu.memory_space<vmem_shared>>
      tpu.enqueue_dma source(%arg14 : memref<2x16xf32, #tpu.memory_space<vmem>>) target(%dma_start3A_421 : memref<2x16xf32, #tpu.memory_space<vmem_shared>>) target_semaphore(%run_scoped3A : memref<!tpu.dma_semaphore, #tpu.memory_space<semaphore_mem>>)
      %dma_wait3A_422 = arith.constant 0 : i32
      %dma_wait3A_423 = arith.constant 0 : i32
      %dma_wait3A_424 = tpu.memref_slice %arg15[%arg1, %dma_wait3A_422, %dma_wait3A_423] : memref<16x2x16xf32, #tpu.memory_space<vmem_shared>> -> memref<1x2x16xf32, #tpu.memory_space<vmem_shared>>
      %dma_wait3A_425 = tpu.memref_squeeze %dma_wait3A_424 : memref<1x2x16xf32, #tpu.memory_space<vmem_shared>> -> memref<2x16xf32, #tpu.memory_space<vmem_shared>>
      %dma_wait3A_426 = arith.constant 0 : i32
      %dma_wait3A_427 = arith.constant 0 : i32
      %dma_wait3A_428 = tpu.memref_slice %arg15[%arg1, %dma_wait3A_426, %dma_wait3A_427] : memref<16x2x16xf32, #tpu.memory_space<vmem_shared>> -> memref<1x2x16xf32, #tpu.memory_space<vmem_shared>>
      %dma_wait3A_429 = tpu.memref_squeeze %dma_wait3A_428 : memref<1x2x16xf32, #tpu.memory_space<vmem_shared>> -> memref<2x16xf32, #tpu.memory_space<vmem_shared>>
      tpu.wait_dma2 semaphore(%run_scoped3A : memref<!tpu.dma_semaphore, #tpu.memory_space<semaphore_mem>>) src(%arg14 : memref<2x16xf32, #tpu.memory_space<vmem>>) dst(%dma_wait3A_429 : memref<2x16xf32, #tpu.memory_space<vmem_shared>>)
      tpu.yield
    }) : () -> ()
    %barrier3A = arith.constant 0 : index
    tpu.barrier barrier_id(%barrier3A)
    %eq3A = arith.constant 0 : i32
    %eq3A_412 = arith.cmpi eq, %arg1, %eq3A : i32
    %convert_element_type3A = arith.extui %eq3A_412 : i1 to i32
    %cond3A = arith.constant 0 : i32
    %cond3A_413 = arith.cmpi ne, %convert_element_type3A, %cond3A : i32
    scf.if %cond3A_413 {
      "tpu.region"() ({
        %run_scoped3A_662 = tpu.sem_alloc : memref<!tpu.dma_semaphore, #tpu.memory_space<semaphore_mem>>
        tpu.enqueue_dma source(%arg15 : memref<16x2x16xf32, #tpu.memory_space<vmem_shared>>) target(%arg16 : memref<16x2x16xf32, #tpu.memory_space<vmem>>) target_semaphore(%run_scoped3A_662 : memref<!tpu.dma_semaphore, #tpu.memory_space<semaphore_mem>>)
        tpu.wait_dma2 semaphore(%run_scoped3A_662 : memref<!tpu.dma_semaphore, #tpu.memory_space<semaphore_mem>>) src(%arg15 : memref<16x2x16xf32, #tpu.memory_space<vmem_shared>>) dst(%arg16 : memref<16x2x16xf32, #tpu.memory_space<vmem>>)
        tpu.yield
      }) : () -> ()
      %broadcast_in_dim3A_414 = arith.constant 0.000000e+00 : f32
      %broadcast_in_dim3A_415 = vector.broadcast %broadcast_in_dim3A_414 : f32 to vector<16xf32>
      %broadcast_in_dim3A_416 = arith.constant 0.000000e+00 : f32
      %broadcast_in_dim3A_417 = vector.broadcast %broadcast_in_dim3A_416 : f32 to vector<16xf32>
      %get3A = arith.constant 0 : i32
      %get3A_418 = arith.constant 0 : i32
      %get3A_419 = arith.index_cast %get3A : i32 to index
      %get3A_420 = arith.index_cast %get3A_418 : i32 to index
      %get3A_421 = arith.constant 0 : index
      %get3A_422 = tpu.vector_load %arg16[%get3A_419, %get3A_420, %get3A_421] {strides = array<i32>} : memref<16x2x16xf32, #tpu.memory_space<vmem>>, vector<16xf32>,
      %add3A_423 = arith.addf %broadcast_in_dim3A_415, %get3A_422 : vector<16xf32>
      %get3A_424 = arith.constant 0 : i32
      %get3A_425 = arith.constant 1 : i32
      %get3A_426 = arith.index_cast %get3A_424 : i32 to index
      %get3A_427 = arith.index_cast %get3A_425 : i32 to index
      %get3A_428 = arith.constant 0 : index
      %get3A_429 = tpu.vector_load %arg16[%get3A_426, %get3A_427, %get3A_428] {strides = array<i32>} : memref<16x2x16xf32, #tpu.memory_space<vmem>>, vector<16xf32>,
      %add3A_430 = arith.addf %broadcast_in_dim3A_417, %get3A_429 : vector<16xf32>
      %get3A_431 = arith.constant 1 : i32
      %get3A_432 = arith.constant 0 : i32
      %get3A_433 = arith.index_cast %get3A_431 : i32 to index
      %get3A_434 = arith.index_cast %get3A_432 : i32 to index
      %get3A_435 = arith.constant 0 : index
      %get3A_436 = tpu.vector_load %arg16[%get3A_433, %get3A_434, %get3A_435] {strides = array<i32>} : memref<16x2x16xf32, #tpu.memory_space<vmem>>, vector<16xf32>,
      %add3A_437 = arith.addf %add3A_423, %get3A_436 : vector<16xf32>
      %get3A_438 = arith.constant 1 : i32
      %get3A_439 = arith.constant 1 : i32
      %get3A_440 = arith.index_cast %get3A_438 : i32 to index
      %get3A_441 = arith.index_cast %get3A_439 : i32 to index
      %get3A_442 = arith.constant 0 : index
      %get3A_443 = tpu.vector_load %arg16[%get3A_440, %get3A_441, %get3A_442] {strides = array<i32>} : memref<16x2x16xf32, #tpu.memory_space<vmem>>, vector<16xf32>,
      %add3A_444 = arith.addf %add3A_430, %get3A_443 : vector<16xf32>
      %get3A_445 = arith.constant 2 : i32
      %get3A_446 = arith.constant 0 : i32
      %get3A_447 = arith.index_cast %get3A_445 : i32 to index
      %get3A_448 = arith.index_cast %get3A_446 : i32 to index
      %get3A_449 = arith.constant 0 : index
      %get3A_450 = tpu.vector_load %arg16[%get3A_447, %get3A_448, %get3A_449] {strides = array<i32>} : memref<16x2x16xf32, #tpu.memory_space<vmem>>, vector<16xf32>,
      %add3A_451 = arith.addf %add3A_437, %get3A_450 : vector<16xf32>
      %get3A_452 = arith.constant 2 : i32
      %get3A_453 = arith.constant 1 : i32
      %get3A_454 = arith.index_cast %get3A_452 : i32 to index
      %get3A_455 = arith.index_cast %get3A_453 : i32 to index
      %get3A_456 = arith.constant 0 : index
      %get3A_457 = tpu.vector_load %arg16[%get3A_454, %get3A_455, %get3A_456] {strides = array<i32>} : memref<16x2x16xf32, #tpu.memory_space<vmem>>, vector<16xf32>,
      %add3A_458 = arith.addf %add3A_444, %get3A_457 : vector<16xf32>
      %get3A_459 = arith.constant 3 : i32
      %get3A_460 = arith.constant 0 : i32
      %get3A_461 = arith.index_cast %get3A_459 : i32 to index
      %get3A_462 = arith.index_cast %get3A_460 : i32 to index
      %get3A_463 = arith.constant 0 : index
      %get3A_464 = tpu.vector_load %arg16[%get3A_461, %get3A_462, %get3A_463] {strides = array<i32>} : memref<16x2x16xf32, #tpu.memory_space<vmem>>, vector<16xf32>,
      %add3A_465 = arith.addf %add3A_451, %get3A_464 : vector<16xf32>
      %get3A_466 = arith.constant 3 : i32
      %get3A_467 = arith.constant 1 : i32
      %get3A_468 = arith.index_cast %get3A_466 : i32 to index
      %get3A_469 = arith.index_cast %get3A_467 : i32 to index
      %get3A_470 = arith.constant 0 : index
      %get3A_471 = tpu.vector_load %arg16[%get3A_468, %get3A_469, %get3A_470] {strides = array<i32>} : memref<16x2x16xf32, #tpu.memory_space<vmem>>, vector<16xf32>,
      %add3A_472 = arith.addf %add3A_458, %get3A_471 : vector<16xf32>
      %get3A_473 = arith.constant 4 : i32
      %get3A_474 = arith.constant 0 : i32
      %get3A_475 = arith.index_cast %get3A_473 : i32 to index
      %get3A_476 = arith.index_cast %get3A_474 : i32 to index
      %get3A_477 = arith.constant 0 : index
      %get3A_478 = tpu.vector_load %arg16[%get3A_475, %get3A_476, %get3A_477] {strides = array<i32>} : memref<16x2x16xf32, #tpu.memory_space<vmem>>, vector<16xf32>,
      %add3A_479 = arith.addf %add3A_465, %get3A_478 : vector<16xf32>
      %get3A_480 = arith.constant 4 : i32
      %get3A_481 = arith.constant 1 : i32
      %get3A_482 = arith.index_cast %get3A_480 : i32 to index
      %get3A_483 = arith.index_cast %get3A_481 : i32 to index
      %get3A_484 = arith.constant 0 : index
      %get3A_485 = tpu.vector_load %arg16[%get3A_482, %get3A_483, %get3A_484] {strides = array<i32>} : memref<16x2x16xf32, #tpu.memory_space<vmem>>, vector<16xf32>,
      %add3A_486 = arith.addf %add3A_472, %get3A_485 : vector<16xf32>
      %get3A_487 = arith.constant 5 : i32
      %get3A_488 = arith.constant 0 : i32
      %get3A_489 = arith.index_cast %get3A_487 : i32 to index
      %get3A_490 = arith.index_cast %get3A_488 : i32 to index
      %get3A_491 = arith.constant 0 : index
      %get3A_492 = tpu.vector_load %arg16[%get3A_489, %get3A_490, %get3A_491] {strides = array<i32>} : memref<16x2x16xf32, #tpu.memory_space<vmem>>, vector<16xf32>,
      %add3A_493 = arith.addf %add3A_479, %get3A_492 : vector<16xf32>
      %get3A_494 = arith.constant 5 : i32
      %get3A_495 = arith.constant 1 : i32
      %get3A_496 = arith.index_cast %get3A_494 : i32 to index
      %get3A_497 = arith.index_cast %get3A_495 : i32 to index
      %get3A_498 = arith.constant 0 : index
      %get3A_499 = tpu.vector_load %arg16[%get3A_496, %get3A_497, %get3A_498] {strides = array<i32>} : memref<16x2x16xf32, #tpu.memory_space<vmem>>, vector<16xf32>,
      %add3A_500 = arith.addf %add3A_486, %get3A_499 : vector<16xf32>
      %get3A_501 = arith.constant 6 : i32
      %get3A_502 = arith.constant 0 : i32
      %get3A_503 = arith.index_cast %get3A_501 : i32 to index
      %get3A_504 = arith.index_cast %get3A_502 : i32 to index
      %get3A_505 = arith.constant 0 : index
      %get3A_506 = tpu.vector_load %arg16[%get3A_503, %get3A_504, %get3A_505] {strides = array<i32>} : memref<16x2x16xf32, #tpu.memory_space<vmem>>, vector<16xf32>,
      %add3A_507 = arith.addf %add3A_493, %get3A_506 : vector<16xf32>
      %get3A_508 = arith.constant 6 : i32
      %get3A_509 = arith.constant 1 : i32
      %get3A_510 = arith.index_cast %get3A_508 : i32 to index
      %get3A_511 = arith.index_cast %get3A_509 : i32 to index
      %get3A_512 = arith.constant 0 : index
      %get3A_513 = tpu.vector_load %arg16[%get3A_510, %get3A_511, %get3A_512] {strides = array<i32>} : memref<16x2x16xf32, #tpu.memory_space<vmem>>, vector<16xf32>,
      %add3A_514 = arith.addf %add3A_500, %get3A_513 : vector<16xf32>
      %get3A_515 = arith.constant 7 : i32
      %get3A_516 = arith.constant 0 : i32
      %get3A_517 = arith.index_cast %get3A_515 : i32 to index
      %get3A_518 = arith.index_cast %get3A_516 : i32 to index
      %get3A_519 = arith.constant 0 : index
      %get3A_520 = tpu.vector_load %arg16[%get3A_517, %get3A_518, %get3A_519] {strides = array<i32>} : memref<16x2x16xf32, #tpu.memory_space<vmem>>, vector<16xf32>,
      %add3A_521 = arith.addf %add3A_507, %get3A_520 : vector<16xf32>
      %get3A_522 = arith.constant 7 : i32
      %get3A_523 = arith.constant 1 : i32
      %get3A_524 = arith.index_cast %get3A_522 : i32 to index
      %get3A_525 = arith.index_cast %get3A_523 : i32 to index
      %get3A_526 = arith.constant 0 : index
      %get3A_527 = tpu.vector_load %arg16[%get3A_524, %get3A_525, %get3A_526] {strides = array<i32>} : memref<16x2x16xf32, #tpu.memory_space<vmem>>, vector<16xf32>,
      %add3A_528 = arith.addf %add3A_514, %get3A_527 : vector<16xf32>
      %get3A_529 = arith.constant 8 : i32
      %get3A_530 = arith.constant 0 : i32
      %get3A_531 = arith.index_cast %get3A_529 : i32 to index
      %get3A_532 = arith.index_cast %get3A_530 : i32 to index
      %get3A_533 = arith.constant 0 : index
      %get3A_534 = tpu.vector_load %arg16[%get3A_531, %get3A_532, %get3A_533] {strides = array<i32>} : memref<16x2x16xf32, #tpu.memory_space<vmem>>, vector<16xf32>,
      %add3A_535 = arith.addf %add3A_521, %get3A_534 : vector<16xf32>
      %get3A_536 = arith.constant 8 : i32
      %get3A_537 = arith.constant 1 : i32
      %get3A_538 = arith.index_cast %get3A_536 : i32 to index
      %get3A_539 = arith.index_cast %get3A_537 : i32 to index
      %get3A_540 = arith.constant 0 : index
      %get3A_541 = tpu.vector_load %arg16[%get3A_538, %get3A_539, %get3A_540] {strides = array<i32>} : memref<16x2x16xf32, #tpu.memory_space<vmem>>, vector<16xf32>,
      %add3A_542 = arith.addf %add3A_528, %get3A_541 : vector<16xf32>
      %get3A_543 = arith.constant 9 : i32
      %get3A_544 = arith.constant 0 : i32
      %get3A_545 = arith.index_cast %get3A_543 : i32 to index
      %get3A_546 = arith.index_cast %get3A_544 : i32 to index
      %get3A_547 = arith.constant 0 : index
      %get3A_548 = tpu.vector_load %arg16[%get3A_545, %get3A_546, %get3A_547] {strides = array<i32>} : memref<16x2x16xf32, #tpu.memory_space<vmem>>, vector<16xf32>,
      %add3A_549 = arith.addf %add3A_535, %get3A_548 : vector<16xf32>
      %get3A_550 = arith.constant 9 : i32
      %get3A_551 = arith.constant 1 : i32
      %get3A_552 = arith.index_cast %get3A_550 : i32 to index
      %get3A_553 = arith.index_cast %get3A_551 : i32 to index
      %get3A_554 = arith.constant 0 : index
      %get3A_555 = tpu.vector_load %arg16[%get3A_552, %get3A_553, %get3A_554] {strides = array<i32>} : memref<16x2x16xf32, #tpu.memory_space<vmem>>, vector<16xf32>,
      %add3A_556 = arith.addf %add3A_542, %get3A_555 : vector<16xf32>
      %get3A_557 = arith.constant 10 : i32
      %get3A_558 = arith.constant 0 : i32
      %get3A_559 = arith.index_cast %get3A_557 : i32 to index
      %get3A_560 = arith.index_cast %get3A_558 : i32 to index
      %get3A_561 = arith.constant 0 : index
      %get3A_562 = tpu.vector_load %arg16[%get3A_559, %get3A_560, %get3A_561] {strides = array<i32>} : memref<16x2x16xf32, #tpu.memory_space<vmem>>, vector<16xf32>,
      %add3A_563 = arith.addf %add3A_549, %get3A_562 : vector<16xf32>
      %get3A_564 = arith.constant 10 : i32
      %get3A_565 = arith.constant 1 : i32
      %get3A_566 = arith.index_cast %get3A_564 : i32 to index
      %get3A_567 = arith.index_cast %get3A_565 : i32 to index
      %get3A_568 = arith.constant 0 : index
      %get3A_569 = tpu.vector_load %arg16[%get3A_566, %get3A_567, %get3A_568] {strides = array<i32>} : memref<16x2x16xf32, #tpu.memory_space<vmem>>, vector<16xf32>,
      %add3A_570 = arith.addf %add3A_556, %get3A_569 : vector<16xf32>
      %get3A_571 = arith.constant 11 : i32
      %get3A_572 = arith.constant 0 : i32
      %get3A_573 = arith.index_cast %get3A_571 : i32 to index
      %get3A_574 = arith.index_cast %get3A_572 : i32 to index
      %get3A_575 = arith.constant 0 : index
      %get3A_576 = tpu.vector_load %arg16[%get3A_573, %get3A_574, %get3A_575] {strides = array<i32>} : memref<16x2x16xf32, #tpu.memory_space<vmem>>, vector<16xf32>,
      %add3A_577 = arith.addf %add3A_563, %get3A_576 : vector<16xf32>
      %get3A_578 = arith.constant 11 : i32
      %get3A_579 = arith.constant 1 : i32
      %get3A_580 = arith.index_cast %get3A_578 : i32 to index
      %get3A_581 = arith.index_cast %get3A_579 : i32 to index
      %get3A_582 = arith.constant 0 : index
      %get3A_583 = tpu.vector_load %arg16[%get3A_580, %get3A_581, %get3A_582] {strides = array<i32>} : memref<16x2x16xf32, #tpu.memory_space<vmem>>, vector<16xf32>,
      %add3A_584 = arith.addf %add3A_570, %get3A_583 : vector<16xf32>
      %get3A_585 = arith.constant 12 : i32
      %get3A_586 = arith.constant 0 : i32
      %get3A_587 = arith.index_cast %get3A_585 : i32 to index
      %get3A_588 = arith.index_cast %get3A_586 : i32 to index
      %get3A_589 = arith.constant 0 : index
      %get3A_590 = tpu.vector_load %arg16[%get3A_587, %get3A_588, %get3A_589] {strides = array<i32>} : memref<16x2x16xf32, #tpu.memory_space<vmem>>, vector<16xf32>,
      %add3A_591 = arith.addf %add3A_577, %get3A_590 : vector<16xf32>
      %get3A_592 = arith.constant 12 : i32
      %get3A_593 = arith.constant 1 : i32
      %get3A_594 = arith.index_cast %get3A_592 : i32 to index
      %get3A_595 = arith.index_cast %get3A_593 : i32 to index
      %get3A_596 = arith.constant 0 : index
      %get3A_597 = tpu.vector_load %arg16[%get3A_594, %get3A_595, %get3A_596] {strides = array<i32>} : memref<16x2x16xf32, #tpu.memory_space<vmem>>, vector<16xf32>,
      %add3A_598 = arith.addf %add3A_584, %get3A_597 : vector<16xf32>
      %get3A_599 = arith.constant 13 : i32
      %get3A_600 = arith.constant 0 : i32
      %get3A_601 = arith.index_cast %get3A_599 : i32 to index
      %get3A_602 = arith.index_cast %get3A_600 : i32 to index
      %get3A_603 = arith.constant 0 : index
      %get3A_604 = tpu.vector_load %arg16[%get3A_601, %get3A_602, %get3A_603] {strides = array<i32>} : memref<16x2x16xf32, #tpu.memory_space<vmem>>, vector<16xf32>,
      %add3A_605 = arith.addf %add3A_591, %get3A_604 : vector<16xf32>
      %get3A_606 = arith.constant 13 : i32
      %get3A_607 = arith.constant 1 : i32
      %get3A_608 = arith.index_cast %get3A_606 : i32 to index
      %get3A_609 = arith.index_cast %get3A_607 : i32 to index
      %get3A_610 = arith.constant 0 : index
      %get3A_611 = tpu.vector_load %arg16[%get3A_608, %get3A_609, %get3A_610] {strides = array<i32>} : memref<16x2x16xf32, #tpu.memory_space<vmem>>, vector<16xf32>,
      %add3A_612 = arith.addf %add3A_598, %get3A_611 : vector<16xf32>
      %get3A_613 = arith.constant 14 : i32
      %get3A_614 = arith.constant 0 : i32
      %get3A_615 = arith.index_cast %get3A_613 : i32 to index
      %get3A_616 = arith.index_cast %get3A_614 : i32 to index
      %get3A_617 = arith.constant 0 : index
      %get3A_618 = tpu.vector_load %arg16[%get3A_615, %get3A_616, %get3A_617] {strides = array<i32>} : memref<16x2x16xf32, #tpu.memory_space<vmem>>, vector<16xf32>,
      %add3A_619 = arith.addf %add3A_605, %get3A_618 : vector<16xf32>
      %get3A_620 = arith.constant 14 : i32
      %get3A_621 = arith.constant 1 : i32
      %get3A_622 = arith.index_cast %get3A_620 : i32 to index
      %get3A_623 = arith.index_cast %get3A_621 : i32 to index
      %get3A_624 = arith.constant 0 : index
      %get3A_625 = tpu.vector_load %arg16[%get3A_622, %get3A_623, %get3A_624] {strides = array<i32>} : memref<16x2x16xf32, #tpu.memory_space<vmem>>, vector<16xf32>,
      %add3A_626 = arith.addf %add3A_612, %get3A_625 : vector<16xf32>
      %get3A_627 = arith.constant 15 : i32
      %get3A_628 = arith.constant 0 : i32
      %get3A_629 = arith.index_cast %get3A_627 : i32 to index
      %get3A_630 = arith.index_cast %get3A_628 : i32 to index
      %get3A_631 = arith.constant 0 : index
      %get3A_632 = tpu.vector_load %arg16[%get3A_629, %get3A_630, %get3A_631] {strides = array<i32>} : memref<16x2x16xf32, #tpu.memory_space<vmem>>, vector<16xf32>,
      %add3A_633 = arith.addf %add3A_619, %get3A_632 : vector<16xf32>
      %get3A_634 = arith.constant 15 : i32
      %get3A_635 = arith.constant 1 : i32
      %get3A_636 = arith.index_cast %get3A_634 : i32 to index
      %get3A_637 = arith.index_cast %get3A_635 : i32 to index
      %get3A_638 = arith.constant 0 : index
      %get3A_639 = tpu.vector_load %arg16[%get3A_636, %get3A_637, %get3A_638] {strides = array<i32>} : memref<16x2x16xf32, #tpu.memory_space<vmem>>, vector<16xf32>,
      %add3A_640 = arith.addf %add3A_626, %get3A_639 : vector<16xf32>
      %reduce_sum3A = arith.constant true
      %reduce_sum3A_641 = vector.broadcast %reduce_sum3A : i1 to vector<16xi1>
      %reduce_sum3A_642 = tpu.scan <sum>, %add3A_633 masked %reduce_sum3A_641 : vector<16xf32>, vector<16xi1> -> vector<16xf32>
      %reduce_sum3A_643 = vector.extract %reduce_sum3A_642[15] : f32 from vector<16xf32>
      %broadcast_in_dim3A_644 = vector.broadcast %reduce_sum3A_643 : f32 to vector<16xf32>
      %reduce_sum3A_645 = arith.constant true
      %reduce_sum3A_646 = vector.broadcast %reduce_sum3A_645 : i1 to vector<16xi1>
      %reduce_sum3A_647 = tpu.scan <sum>, %add3A_640 masked %reduce_sum3A_646 : vector<16xf32>, vector<16xi1> -> vector<16xf32>
      %reduce_sum3A_648 = vector.extract %reduce_sum3A_647[15] : f32 from vector<16xf32>
      %broadcast_in_dim3A_649 = vector.broadcast %reduce_sum3A_648 : f32 to vector<16xf32>
      %eq3A_650 = arith.constant 0 : i32
      %eq3A_651 = vector.broadcast %eq3A_650 : i32 to vector<16xi32>
      %eq3A_652 = arith.cmpi eq, %iota3A, %eq3A_651 : vector<16xi32>
      %eq3A_653 = arith.constant 1 : i32
      %eq3A_654 = vector.broadcast %eq3A_653 : i32 to vector<16xi32>
      %eq3A_655 = arith.cmpi eq, %iota3A, %eq3A_654 : vector<16xi32>
      %jit3A = arith.constant 0.000000e+00 : f32
      %broadcast_in_dim3A_656 = vector.broadcast %jit3A : f32 to vector<16xf32>
      %select_n3A = arith.select %eq3A_655, %broadcast_in_dim3A_649, %broadcast_in_dim3A_656 : vector<16xi1>, vector<16xf32>
      %select_n3A_657 = arith.select %eq3A_652, %broadcast_in_dim3A_644, %select_n3A : vector<16xi1>, vector<16xf32>
      %swap3A_658 = arith.constant 0 : i32
      %swap3A_659 = arith.index_cast %swap3A_658 : i32 to index
      %swap3A_660 = arith.constant 0 : index
      %swap3A_661 = tpu.vector_load %arg17[%swap3A_659, %swap3A_660] {strides = array<i32>} : memref<2x16xf32, #tpu.memory_space<vmem>>, vector<16xf32>,
      tpu.vector_store %arg17[%swap3A_659, %swap3A_660], %select_n3A_657 {strides = array<i32>} : memref<2x16xf32, #tpu.memory_space<vmem>>, vector<16xf32>,
      %run_scoped3A = arith.constant 0 : i32
      "tpu.region"() ({
        %run_scoped3A_662 = tpu.sem_alloc : memref<!tpu.dma_semaphore, #tpu.memory_space<semaphore_mem>>
        %dma_start3A_663 = arith.constant 0 : i32
        %dma_start3A_664 = tpu.memref_slice %arg17[%run_scoped3A, %dma_start3A_663] : memref<2x16xf32, #tpu.memory_space<vmem>> -> memref<1x16xf32, #tpu.memory_space<vmem>>
        %dma_start3A_665 = tpu.memref_squeeze %dma_start3A_664 : memref<1x16xf32, #tpu.memory_space<vmem>> -> memref<16xf32, #tpu.memory_space<vmem>>
        %dma_start3A_666 = arith.constant 0 : i32
        %dma_start3A_667 = tpu.memref_slice %arg5[%arg0, %dma_start3A_666] : memref<2x16xf32, #tpu.memory_space<hbm>> -> memref<1x16xf32, #tpu.memory_space<hbm>>
        %dma_start3A_668 = tpu.memref_squeeze %dma_start3A_667 : memref<1x16xf32, #tpu.memory_space<hbm>> -> memref<16xf32, #tpu.memory_space<hbm>>
        %dma_start3A_669 = arith.constant 0 : i32
        %dma_start3A_670 = tpu.memref_slice %arg5[%arg0, %dma_start3A_669] : memref<2x16xf32, #tpu.memory_space<hbm>> -> memref<1x16xf32, #tpu.memory_space<hbm>>
        %dma_start3A_671 = tpu.memref_squeeze %dma_start3A_670 : memref<1x16xf32, #tpu.memory_space<hbm>> -> memref<16xf32, #tpu.memory_space<hbm>>
        %dma_start3A_672 = arith.constant 0 : i32
        %dma_start3A_673 = tpu.memref_slice %arg17[%run_scoped3A, %dma_start3A_672] : memref<2x16xf32, #tpu.memory_space<vmem>> -> memref<1x16xf32, #tpu.memory_space<vmem>>
        %dma_start3A_674 = tpu.memref_squeeze %dma_start3A_673 : memref<1x16xf32, #tpu.memory_space<vmem>> -> memref<16xf32, #tpu.memory_space<vmem>>
        tpu.enqueue_dma source(%dma_start3A_674 : memref<16xf32, #tpu.memory_space<vmem>>) target(%dma_start3A_671 : memref<16xf32, #tpu.memory_space<hbm>>) target_semaphore(%run_scoped3A_662 : memref<!tpu.dma_semaphore, #tpu.memory_space<semaphore_mem>>)
        %dma_wait3A_675 = arith.constant 0 : i32
        %dma_wait3A_676 = tpu.memref_slice %arg17[%run_scoped3A, %dma_wait3A_675] : memref<2x16xf32, #tpu.memory_space<vmem>> -> memref<1x16xf32, #tpu.memory_space<vmem>>
        %dma_wait3A_677 = tpu.memref_squeeze %dma_wait3A_676 : memref<1x16xf32, #tpu.memory_space<vmem>> -> memref<16xf32, #tpu.memory_space<vmem>>
        %dma_wait3A_678 = arith.constant 0 : i32
        %dma_wait3A_679 = tpu.memref_slice %arg5[%arg0, %dma_wait3A_678] : memref<2x16xf32, #tpu.memory_space<hbm>> -> memref<1x16xf32, #tpu.memory_space<hbm>>
        %dma_wait3A_680 = tpu.memref_squeeze %dma_wait3A_679 : memref<1x16xf32, #tpu.memory_space<hbm>> -> memref<16xf32, #tpu.memory_space<hbm>>
        %dma_wait3A_681 = arith.constant 0 : i32
        %dma_wait3A_682 = tpu.memref_slice %arg5[%arg0, %dma_wait3A_681] : memref<2x16xf32, #tpu.memory_space<hbm>> -> memref<1x16xf32, #tpu.memory_space<hbm>>
        %dma_wait3A_683 = tpu.memref_squeeze %dma_wait3A_682 : memref<1x16xf32, #tpu.memory_space<hbm>> -> memref<16xf32, #tpu.memory_space<hbm>>
        %dma_wait3A_684 = arith.constant 0 : i32
        %dma_wait3A_685 = tpu.memref_slice %arg17[%run_scoped3A, %dma_wait3A_684] : memref<2x16xf32, #tpu.memory_space<vmem>> -> memref<1x16xf32, #tpu.memory_space<vmem>>
        %dma_wait3A_686 = tpu.memref_squeeze %dma_wait3A_685 : memref<1x16xf32, #tpu.memory_space<vmem>> -> memref<16xf32, #tpu.memory_space<vmem>>
        tpu.wait_dma2 semaphore(%run_scoped3A_662 : memref<!tpu.dma_semaphore, #tpu.memory_space<semaphore_mem>>) src(%dma_wait3A_686 : memref<16xf32, #tpu.memory_space<vmem>>) dst(%dma_wait3A_683 : memref<16xf32, #tpu.memory_space<hbm>>)
        tpu.yield
      }) : () -> ()
    } else {
    }
    return
  }
}

</mosaic_0001>

<sc_bundles>
// kernel: kernel.3.cloned.1.call-start
scs
__scs_entry_jumppad:
0x0: {  	(pc) =	sbr.rel $0x88, $3  }
0x1: {  	(tag) =	ssettag $0x0;
	lr =	simm.s32 $0x1  }
0x2: {  	[smem:$0x3F9E] =	sst lr;
	_ =	strace $0xD0000000  }
0x3: {  	_ = 	snop  }
0x4: {  	_ = 	snop  }
0x5: {  	_ = 	snop  }
0x6: {  	_ = 	snop  }
0x7: {  	_ = 	snop  }
__scs_overlays_trampoline_lowered:
0x8: {  	[smem:$0x3FAD] =	sst s0  }
0x9: {  	[smem:$0x3FAE] =	sst s1  }
0xa: {  	[smem:$0x3FAF] =	sst s2  }
0xb: {  	[smem:$0x3FB0] =	sst s3  }
0xc: {  	[smem:$0x3FB1] =	sst s4  }
0xd: {  	[smem:$0x3FB2] =	sst s5  }
0xe: {  	[smem:$0x3FB3] =	sst s6  }
0xf: {  	[smem:$0x3FB4] =	sst s7  }
0x10: {  	[smem:$0x3FB5] =	sst s8  }
0x11: {  	[smem:$0x3FB6] =	sst s9;
	s0 =	simm.s32 @!p0 $0x0  }
0x12: {  	s1 =	sld [smem:$0x3F9C];
	s0 =	simm.s32 @p0 $0x1  }
0x13: {  	[smem:$0x3FB7] =	sst s0;
	s0 =	simm.s32 @!p1 $0x0  }
0x14: {  	s2 =	sld [smem:$0x3F9B];
	s0 =	simm.s32 @p1 $0x1  }
0x15: {  	[smem:$0x3FB8] =	sst s0;
	s0 =	simm.s32 @!p2 $0x0  }
0x16: {  	s3 =	sld [smem:$0x3FDB];
	s0 =	simm.s32 @p2 $0x1  }
0x17: {  	s4 =	simm.s32 $0x1BF5;
	[smem:$0x3FBA] =	sst s0  }
0x18: {  	s0 =	sld [smem:$0x3F9D];
	_ =	swait.ge [sflag:s4], $0x0  }
0x19: {  	s7 =	sld [smem:$0x3F9E]  }
0x1a: {  	s8 =	sadd.s32 $0xFFFFE003, lr  }
0x1b: {  	s9 =	sadd.s32 $0xFFFFFEF7, lr;
	s5 =	simm.s32 $0xFFFFFFFF;
	p2 =	slt.u32 s8, $0xFFFFF086  }
0x1c: {  	p1 =	slt.u32 s9, $0xF7A;
	s5 =	simm.s32 @!p2 $0x0  }
0x1d: {  	s5 =	simm.s32 @p1 $0x1;
	p0 =	seq.s32 s7, s2  }
0x1e: {  	s7 =	smul.u32 @!p0 $0xF7A, s2;
	p2 =	seq.s32 @!p0 s5, $0x0  }
0x1f: {  	s9 =	smul.u32 $0xF7A, s1;
	s8 =	simm.s32 @!p0 $0x1BF5;
	p2 =	por !p2, p0  }
0x20: {  	[sflag:s8] =	ssyncset.s32 @!p0 $0xFFFFF086;
	s6 =	sadd.s32 @!p0 s3, s7;
	s7 =	simm.s32 @!p0 $0x108  }
0x21: {  	s3 =	sadd.s32 s3, s9;
	s6 =	sadd.s32 @!p0 $0x88, s6;
	s7 =	simm.s32 @p2 $0x1082  }
0x22: {  	[simem:s7], [sflag:s8] =	dma.local @!p0 [hbm:s6], $0xF7A  }
0x23: {  	s9 =	sor.u32 $0xD0000000, s2;
	s6 =	simm.s32 $0x108;
	_ =	swait.ge @!p0 [sflag:s8], $0x0  }
0x24: {  	s3 =	sadd.s32 $0x88, s3;
	s6 =	simm.s32 @!p1 $0x1082;
	[sflag:s4] =	ssyncset.s32 $0xFFFFF086  }
0x25: {  	[simem:s6], [sflag:s4] =	dma.local [hbm:s3], $0xF7A  }
0x26: {  	[smem:$0x3F9E] =	sst s1;
	(tag) =	ssettag s2;
	_ =	strace s9  }
0x27: {  	s1 =	sld [smem:$0x3FAE]  }
0x28: {  	s2 =	sld [smem:$0x3FAF]  }
0x29: {  	s4 =	sld [smem:$0x3FB1]  }
0x2a: {  	p0 =	seq.s32 s5, $0x0;
	s5 =	sld [smem:$0x3FB2]  }
0x2b: {  	s6 =	sld [smem:$0x3FB3]  }
0x2c: {  	s7 =	sld [smem:$0x3FB4]  }
0x2d: {  	s3 =	simm.s32 $0x108;
	s8 =	sld [smem:$0x3FB5]  }
0x2e: {  	s3 =	simm.s32 @!p0 $0x1082;
	s9 =	sld [smem:$0x3FB6]  }
0x2f: {  	lr =	sadd.s32 s0, s3;
	s0 =	sld [smem:$0x3FAD]  }
0x30: {  	s3 =	sld [smem:$0x3FB0]  }
0x31: {  	[smem:$0x3FB9] =	sst s10  }
0x32: {  	s10 =	sld [smem:$0x3FB7];
	_ =	sdelay $0x3  }
0x33: {  	p0 =	seq.s32 s10, $0x1;
	s10 =	sld [smem:$0x3FB9];
	_ =	sdelay $0x3  }
0x34: {  	[smem:$0x3FB9] =	sst s10  }
0x35: {  	s10 =	sld [smem:$0x3FB8];
	_ =	sdelay $0x3  }
0x36: {  	p1 =	seq.s32 s10, $0x1;
	s10 =	sld [smem:$0x3FB9];
	_ =	sdelay $0x3  }
0x37: {  	[smem:$0x3FB9] =	sst s10  }
0x38: {  	s10 =	sld [smem:$0x3FBA]  }
0x39: {  	_ = 	snop;
	(pc) =	sbr.ind lr, $3  }
0x3a: {  	_ = 	snop  }
0x3b: {  	_ = 	snop  }
0x3c: {  	p2 =	seq.s32 s10, $0x1;
	s10 =	sld [smem:$0x3FB9]  }
0x3d: {  	_ =	shalt  }
0x3e: {  	_ =	shalt  }
0x3f: {  	_ =	shalt  }
0x40: {  	_ =	shalt  }
0x41: {  	_ =	shalt  }
0x42: {  	_ =	shalt  }
0x43: {  	_ =	shalt  }
0x44: {  	_ =	shalt  }
0x45: {  	_ =	shalt  }
0x46: {  	_ =	shalt  }
0x47: {  	_ =	shalt  }
0x48: {  	_ =	shalt  }
0x49: {  	_ =	shalt  }
0x4a: {  	_ =	shalt  }
0x4b: {  	_ =	shalt  }
0x4c: {  	_ =	shalt  }
0x4d: {  	_ =	shalt  }
0x4e: {  	_ =	shalt  }
0x4f: {  	_ =	shalt  }
0x50: {  	_ =	shalt  }
0x51: {  	_ =	shalt  }
0x52: {  	_ =	shalt  }
0x53: {  	_ =	shalt  }
0x54: {  	_ =	shalt  }
0x55: {  	_ =	shalt  }
0x56: {  	_ =	shalt  }
0x57: {  	_ =	shalt  }
0x58: {  	_ =	shalt  }
0x59: {  	_ =	shalt  }
0x5a: {  	_ =	shalt  }
0x5b: {  	_ =	shalt  }
0x5c: {  	_ =	shalt  }
0x5d: {  	_ =	shalt  }
0x5e: {  	_ =	shalt  }
0x5f: {  	_ =	shalt  }
0x60: {  	_ =	shalt  }
0x61: {  	_ =	shalt  }
0x62: {  	_ =	shalt  }
0x63: {  	_ =	shalt  }
0x64: {  	_ =	shalt  }
0x65: {  	_ =	shalt  }
0x66: {  	_ =	shalt  }
0x67: {  	_ =	shalt  }
0x68: {  	_ =	shalt  }
0x69: {  	_ =	shalt  }
0x6a: {  	_ =	shalt  }
0x6b: {  	_ =	shalt  }
0x6c: {  	_ =	shalt  }
0x6d: {  	_ =	shalt  }
0x6e: {  	_ =	shalt  }
0x6f: {  	_ =	shalt  }
0x70: {  	_ =	shalt  }
0x71: {  	_ =	shalt  }
0x72: {  	_ =	shalt  }
0x73: {  	_ =	shalt  }
0x74: {  	_ =	shalt  }
0x75: {  	_ =	shalt  }
0x76: {  	_ =	shalt  }
0x77: {  	_ =	shalt  }
0x78: {  	_ =	shalt  }
0x79: {  	_ =	shalt  }
0x7a: {  	_ =	shalt  }
0x7b: {  	_ =	shalt  }
0x7c: {  	_ =	shalt  }
0x7d: {  	_ =	shalt  }
0x7e: {  	_ =	shalt  }
0x7f: {  	_ =	shalt  }
0x80: {  	_ =	shalt  }
0x81: {  	_ =	shalt  }
0x82: {  	_ =	shalt  }
0x83: {  	_ =	shalt  }
0x84: {  	_ =	shalt  }
0x85: {  	_ =	shalt  }
0x86: {  	_ =	shalt  }
0x87: {  	_ =	shalt  }
.Lfunc_end0:
.L_simem_size_0:
called_computation_lowered:
.L_overlay_start_0:
0x88: {  	s2 =	sld [smem:$0x3FD9]  }
0x89: {  	s3 =	sld [smem:$0x3FFE];
	_ =	sdelay $0x1  }
0x8a: {  	s1 =	srdreg.scid  }
0x8b: {  	s0 =	sand.u32 $0x1, s1  }
0x8c: {  	s17 =	sshll.u32 s0, $0xA;
	s2 =	sadd.s32 s3, s2  }
0x8d: {  	s2 =	sadd.s32 s2, s17  }
0x8e: {  	[smem:$0x3FC5] =	sst s2  }
0x8f: {  	_ = 	snop  }
0x90: {  	s2 =	sld [smem:$0x3FC9]  }
0x91: {  	s18 =	sld [smem:$0x3FD0];
	(tm) =	ssettm $0x1  }
0x92: {  	s4 =	sld [smem:$0x3FFB];
	_ =	sdelay $0x3  }
0x93: {  	_ =	strace s4  }
0x94: {  	s4 =	sld [smem:$0x3FFC];
	_ =	sdelay $0x3  }
0x95: {  	_ =	strace s4  }
0x96: {  	s4 =	sld [smem:$0x3FFD];
	_ =	sdelay $0x3  }
0x97: {  	_ =	strace s4  }
0x98: {  	_ =	strace $0x8FFFFFFF  }
0x99: {  	s19 =	sld [smem:$0x3FDB];
	_ =	sdelay $0x1  }
0x9a: {  	s5 =	simm.s32 $_scs_section_size  }
0x9b: {  	s6 =	simm.s32 $_size__tile_overlayer_lowered;
	s7 =	simm.s32 $_tile_overlayer_lowered  }
0x9c: {  	s22 =	simm.s32 $0x1BFF;
	s21 =	sshll.u32 s7, $0x1;
	s4 =	sadd.s32 s5, s19  }
0x9d: {  	s8 =	simm.s32 $0x0;
	s20 =	sshll.u32 s6, $0x1;
	s6 =	sadd.s32 s21, s4  }
0x9e: {  	[timem:s8], [sflag:s22] =	dma.local [hbm:s6], s20  }
0x9f: {  	_ =	swait.ge [sflag:s22], s20  }
0xa0: {  	s5 =	ssub.s32 $0x0, s20;
	[sflag:s22] =	ssyncset.done $0x0  }
0xa1: {  	[sflag:s22] =	ssyncadd.s32 s5;
	_ =	sdelay $0x1  }
0xa2: {  	s23 =	simm.s32 $0x1B8B  }
0xa3: {  	_ =	swait.ge [sflag:s23], $0x1  }
0xa4: {  	[sflag:s23] =	ssyncset.done $0x0  }
0xa5: {  	s25 =	simm.s32 $0x1B8E;
	s24 =	sld [smem:$0x3FFE];
	[sflag:s23] =	ssyncadd.s32 $0xFFFFFFFF  }
0xa6: {  	s26 =	simm.s32 $execute0_lowered;
	[smem:$0x3FD2] =	sst s25  }
0xa7: {  	s6 =	sshll.u32 s26, $0x1;
	_ =	strace $0x80000046;
	[dreg:$0x1] =	wrdreg $0xFFFFFFFF  }
0xa8: {  	s28 =	simm.s32 $_size_execute0_lowered;
	s4 =	sadd.s32 s4, s6;
	[dreg:$0x0] =	wrdreg $0x0  }
0xa9: {  	s6 =	sshll.u32 s28, $0x1;
	[dreg:$0x2] =	wrdreg s4  }
0xaa: {  	[dreg:$0x3] =	wrdreg s6  }
0xab: {  	[dreg:$0x4] =	wrdreg $0xC0  }
0xac: {  	_ =	task [dreg:s8], $0x5FFFF  }
0xad: {  	[dreg:$0x1] =	wrdreg $0xFFFFFFFF  }
0xae: {  	[dreg:$0x0] =	wrdreg $0x60  }
0xaf: {  	[dreg:$0x2] =	wrdreg s2  }
0xb0: {  	[dreg:$0x3] =	wrdreg s24  }
0xb1: {  	[dreg:$0x4] =	wrdreg s18  }
0xb2: {  	[dreg:$0x5] =	wrdreg $0x8E200  }
0xb3: {  	[dreg:$0x6] =	wrdreg $0x9  }
0xb4: {  	_ =	task.clear_ibuf [dreg:s8], $0x7FFFF;
	_ =	strace $0x90000046  }
0xb5: {  	s29 =	simm.s32 $0x9;
	_ =	strace $0x80000048  }
0xb6: {  	_ =	swait.ge [sflag:s29], $0x1  }
0xb7: {  	[sflag:s29] =	ssyncadd.s32 $0xFFFFFFFF  }
0xb8: {  	_ =	strace $0x90000048  }
0xb9: {  	_ =	sfence  }
0xba: {  	s30 =	sld [smem:$0x0];
	_ =	sdelay $0x2  }
0xbb: {  	s31 =	sshll.u32 s1, $0xD;
	s1 =	sshrl.u32 s1, $0x2  }
0xbc: {  	s3 =	sand.u32 $0x4000, s31;
	s1 =	sadd.s32 s1, s30  }
0xbd: {  	s0 =	sor.u32 s3, s0;
	s1 =	sshll.u32 s1, $0x11  }
0xbe: {  	s0 =	sor.u32 s1, s0  }
0xbf: {  	s0 =	sadd.s32 $0x8F2B, s0  }
0xc0: {  	[sflag:s0] =	ssyncadd.remote.s32 $0x1  }
0xc1: {  	_ =	sfence.sel $0xFFFF  }
0xc2: {  	[dreg:$0x0] =	wrdreg $0xFFFFFFFF;
	(pc) =	sbr.abs _section_cstart, $3  }
0xc3: {  	[dreg:$0x1] =	wrdreg $0xFFFFFFFF  }
0xc4: {  	_ =	task.clear_ibuf [dreg:s8], $0x2FFFF;
	_ =	strace $0x9FFFFFFF  }
0xc5: {  	(tm) =	ssettm $0x7FFFFFFF  }
tec
execute0_lowered:
.L_overlay_start_1:
0x0: {  	(tag) =	ssettag $0x1  }
0x1: {  	s1 =	rddreg [dreg:$0x0]  }
0x2: {  	s0 =	rddreg [dreg:$0x1]  }
0x3: {  	s2 =	rddreg [dreg:$0x2]  }
0x4: {  	s11 =	rddreg [dreg:$0x3];
	s4 =	srdreg.scid  }
0x5: {  	s7 =	stileid.u32;
	s3 =	simm.s32 $0x0;
	s12 =	simm.s32 $0xE00  }
0x6: {  	s14 =	simm.s32 $0x2E00;
	s16 =	simm.s32 $0x4E00;
	s18 =	simm.s32 $0x6E00  }
0x7: {  	s13 =	simm.s32 $0x780;
	s15 =	simm.s32 $0x2600;
	s17 =	simm.s32 $0x980  }
0x8: {  	s19 =	simm.s32 $0x4600;
	s20 =	simm.s32 $0xB80;
	s21 =	simm.s32 $0x6600  }
0x9: {  	s30 =	simm.s32 $0x6;
	s31 =	simm.s32 $0x0;
	s6 =	sand.u32 $0x1, s4  }
0xa: {  	s22 =	sshll.u32 s7, $0x1;
	[smem:$0x7FF] =	sst s3;
	s26 =	sshll.u32 s7, $0x5  }
0xb: {  	p0 =	sne.s32 s7, $0x0;
	s4 =	sor.u32 s6, s22;
	s5 =	ssub.s32 $0x2, s6  }
0xc: {  	_ =	strace $0x80000047;
	s10 =	sshll.u32 s6, $0x1;
	s6 =	sadd.s32 s26, s11  }
0xd: {  	s11 =	simm.s32 $0x7E00;
	s22 =	simm.s32 $0xD80;
	s26 =	simm.s32 $0x4  }
0xe: {  	s8 =	sshll.u32 s4, $0x6;
	s9 =	sshrl.u32 s5, $0x1;
	s24 =	sshll.u32 s4, $0xE  }
0xf: {  	s2 =	sadd.s32 s2, s10;
	s10 =	simm.s32 $0x80;
	s0 =	sadd.s32 s8, s0  }
.Ltmp0:
0x10: {  	s23 =	ssub.s32 s5, s9;
	s25 =	sor.u32 $0x1000, s24;
	(pc) =	sbr.rel .LBB2_1-.Ltmp0, $4  }
0x11: {  	s28 =	sor.u32 $0x2000, s24;
	s29 =	sor.u32 $0x3000, s24;
	[dreg:$0x5] =	wrdreg s2  }
0x12: {  	v4 =	vlaneseq.u32;
	s9 =	simm.s32 $0x1;
	v0 =	vmov s24;
	s24 =	simm.s32 $0x2;
	s4 =	sadd.s32 $0x200, s0  }
0x13: {  	v5 =	vimm.s32 $0x0;
	vm0 =	vcmask $0x704;
	vm1 =	vcmask $0x3F04;
	s5 =	sadd.s32 $0xA00, s0;
	s8 =	smax.u32 s23, $0x1;
	s23 =	simm.s32 $0x8600  }
0x14: {  	v1 =	vmov s25;
	s25 =	simm.s32 $0x3;
	v2 =	vmov s28;
	v3 =	vmov s29;
	s28 =	simm.s32 $0x5;
	s29 =	simm.s32 $0x8E00  }
.LBB2_11:
0x15: {  	s31 =	sadd.s32 $0x1, s31  }
0x16: {  	p1 =	sne.s32 s31, s8  }
.Ltmp1:
0x17: {  	_ = 	snop;
	(pc) =	sbr.rel @!p1 .LBB2_12-.Ltmp1, $1  }
0x18: {  	_ =	sdelay $0x3  }
.LBB2_1:
0x19: {  	[tilespmem:s3], [sflag:$0x1] =	stream.linear.gather [hbm4b:s4+s3], $0x200, $0x38;
	[tilespmem:$0x9060] =	vst v63  }
0x1a: {  	s0 =	simm.s32 $0x200  }
0x1b: {  	[tilespmem:s0], [sflag:$0x1] =	stream.linear.gather [hbm4b:s5+s3], $0x200, $0x38;
	[tilespmem:$0x9060] =	vst v63  }
0x1c: {  	_ =	swait.ge [sflag:s9], $0x200  }
0x1d: {  	[sflag:s9] =	ssyncset.done $0x0  }
0x1e: {  	[sflag:s9] =	ssyncadd.s32 $0xFFFFFE00  }
0x1f: {  	_ =	swait.ge [sflag:s9], $0x200  }
0x20: {  	[sflag:s9] =	ssyncset.done $0x0  }
0x21: {  	[sflag:s9] =	ssyncadd.s32 $0xFFFFFE00  }
0x22: {  	v6 =	vld [tilespmem:$0x0];
	_ =	sdelay $0x4  }
0x23: {  	v8 =	vld [tilespmem:$0x10];
	v7 =	vshll.u32 v6, $0x3  }
0x24: {  	v9 =	vshrl.u32 v6, $0x1;
	v10 =	vand.u32 $0xFFFFF870, v6;
	v7 =	vand.u32 $0x400, v7  }
0x25: {  	v9 =	vand.u32 $0x380, v9;
	v7 =	vor.u32 v7, v10  }
0x26: {  	v7 =	vor.u32 v9, v7  }
0x27: {  	v6 =	vand.u32 $0xF, v6;
	v7 =	vshrl.u32 v7, $0x4  }
0x28: {  	v11 =	vld [tilespmem:$0x20];
	v12 =	vand.u32 $0xFFFFF870, v8;
	[tilespmem:$0x400] =	vst v6;
	v10 =	vshll.u32 v8, $0x3;
	v6 =	vadd.s32 v0, v7  }
0x29: {  	v9 =	vadd.s32 v1, v7;
	[tilespmem:$0x600] =	vst v6;
	v6 =	vand.u32 $0x400, v10;
	v10 =	vshrl.u32 v8, $0x1  }
0x2a: {  	[tilespmem:$0x800] =	vst v9;
	v9 =	vadd.s32 v2, v7;
	v10 =	vand.u32 $0x380, v10;
	v6 =	vor.u32 v6, v12  }
0x2b: {  	v7 =	vadd.s32 v3, v7;
	[tilespmem:$0xA00] =	vst v9;
	v6 =	vor.u32 v10, v6  }
0x2c: {  	[tilespmem:$0xC00] =	vst v7;
	v7 =	vand.u32 $0xF, v8;
	v6 =	vshrl.u32 v6, $0x4  }
0x2d: {  	v9 =	vshll.u32 v11, $0x3;
	v12 =	vand.u32 $0xFFFFF870, v11;
	[tilespmem:$0x410] =	vst v7;
	v10 =	vld [tilespmem:$0x30];
	v7 =	vadd.s32 v0, v6  }
0x2e: {  	v8 =	vadd.s32 v1, v6;
	[tilespmem:$0x610] =	vst v7;
	v7 =	vand.u32 $0x400, v9;
	v9 =	vshrl.u32 v11, $0x1  }
0x2f: {  	[tilespmem:$0x810] =	vst v8;
	v8 =	vadd.s32 v2, v6;
	v9 =	vand.u32 $0x380, v9;
	v7 =	vor.u32 v7, v12  }
0x30: {  	v6 =	vadd.s32 v3, v6;
	[tilespmem:$0xA10] =	vst v8;
	v7 =	vor.u32 v9, v7  }
0x31: {  	[tilespmem:$0xC10] =	vst v6;
	v6 =	vshrl.u32 v7, $0x4;
	v7 =	vand.u32 $0xF, v11  }
0x32: {  	v9 =	vshll.u32 v10, $0x3;
	v12 =	vand.u32 $0xFFFFF870, v10;
	v11 =	vld [tilespmem:$0x40];
	[tilespmem:$0x420] =	vst v7;
	v7 =	vadd.s32 v0, v6  }
0x33: {  	v8 =	vadd.s32 v1, v6;
	[tilespmem:$0x620] =	vst v7;
	v7 =	vand.u32 $0x400, v9;
	v9 =	vshrl.u32 v10, $0x1  }
0x34: {  	[tilespmem:$0x820] =	vst v8;
	v8 =	vadd.s32 v2, v6;
	v9 =	vand.u32 $0x380, v9;
	v7 =	vor.u32 v7, v12  }
0x35: {  	v6 =	vadd.s32 v3, v6;
	[tilespmem:$0xA20] =	vst v8;
	v7 =	vor.u32 v9, v7  }
0x36: {  	[tilespmem:$0xC20] =	vst v6;
	v6 =	vshrl.u32 v7, $0x4;
	v7 =	vand.u32 $0xF, v10  }
0x37: {  	v9 =	vshll.u32 v11, $0x3;
	v10 =	vld [tilespmem:$0x50];
	v12 =	vand.u32 $0xFFFFF870, v11;
	[tilespmem:$0x430] =	vst v7;
	v7 =	vadd.s32 v0, v6  }
0x38: {  	v8 =	vadd.s32 v1, v6;
	[tilespmem:$0x630] =	vst v7;
	v7 =	vand.u32 $0x400, v9;
	v9 =	vshrl.u32 v11, $0x1  }
0x39: {  	[tilespmem:$0x830] =	vst v8;
	v8 =	vadd.s32 v2, v6;
	v9 =	vand.u32 $0x380, v9;
	v7 =	vor.u32 v7, v12  }
0x3a: {  	v6 =	vadd.s32 v3, v6;
	[tilespmem:$0xA30] =	vst v8;
	v7 =	vor.u32 v9, v7  }
0x3b: {  	[tilespmem:$0xC30] =	vst v6;
	v6 =	vshrl.u32 v7, $0x4;
	v7 =	vand.u32 $0xF, v11  }
0x3c: {  	v9 =	vshll.u32 v10, $0x3;
	v11 =	vld [tilespmem:$0x60];
	v12 =	vand.u32 $0xFFFFF870, v10;
	[tilespmem:$0x440] =	vst v7;
	v7 =	vadd.s32 v0, v6  }
0x3d: {  	v8 =	vadd.s32 v1, v6;
	[tilespmem:$0x640] =	vst v7;
	v7 =	vand.u32 $0x400, v9;
	v9 =	vshrl.u32 v10, $0x1  }
0x3e: {  	[tilespmem:$0x840] =	vst v8;
	v8 =	vadd.s32 v2, v6;
	v9 =	vand.u32 $0x380, v9;
	v7 =	vor.u32 v7, v12  }
0x3f: {  	v6 =	vadd.s32 v3, v6;
	[tilespmem:$0xA40] =	vst v8;
	v7 =	vor.u32 v9, v7  }
0x40: {  	[tilespmem:$0xC40] =	vst v6;
	v6 =	vshrl.u32 v7, $0x4;
	v7 =	vand.u32 $0xF, v10  }
0x41: {  	v9 =	vshll.u32 v11, $0x3;
	v10 =	vld [tilespmem:$0x70];
	v12 =	vand.u32 $0xFFFFF870, v11;
	[tilespmem:$0x450] =	vst v7;
	v7 =	vadd.s32 v0, v6  }
0x42: {  	v8 =	vadd.s32 v1, v6;
	[tilespmem:$0x650] =	vst v7;
	v7 =	vand.u32 $0x400, v9;
	v9 =	vshrl.u32 v11, $0x1  }
0x43: {  	[tilespmem:$0x850] =	vst v8;
	v8 =	vadd.s32 v2, v6;
	v9 =	vand.u32 $0x380, v9;
	v7 =	vor.u32 v7, v12  }
0x44: {  	v6 =	vadd.s32 v3, v6;
	[tilespmem:$0xA50] =	vst v8;
	v7 =	vor.u32 v9, v7  }
0x45: {  	[tilespmem:$0xC50] =	vst v6;
	v6 =	vshrl.u32 v7, $0x4;
	v7 =	vand.u32 $0xF, v11  }
0x46: {  	v9 =	vshll.u32 v10, $0x3;
	v11 =	vand.u32 $0xFFFFF870, v10;
	[tilespmem:$0x460] =	vst v7;
	v7 =	vadd.s32 v0, v6  }
0x47: {  	v8 =	vadd.s32 v1, v6;
	[tilespmem:$0x660] =	vst v7;
	v7 =	vand.u32 $0x400, v9;
	v9 =	vshrl.u32 v10, $0x1  }
0x48: {  	[tilespmem:$0x860] =	vst v8;
	v8 =	vadd.s32 v2, v6;
	v9 =	vand.u32 $0x380, v9;
	v7 =	vor.u32 v7, v11  }
0x49: {  	v6 =	vadd.s32 v3, v6;
	[tilespmem:$0xA60] =	vst v8;
	v7 =	vor.u32 v9, v7  }
0x4a: {  	[tilespmem:$0xC60] =	vst v6;
	v6 =	vshrl.u32 v7, $0x4;
	v7 =	vand.u32 $0xF, v10  }
0x4b: {  	[tilespmem:$0x470] =	vst v7;
	v7 =	vadd.s32 v0, v6  }
0x4c: {  	[tilespmem:$0x670] =	vst v7;
	v7 =	vadd.s32 v1, v6  }
0x4d: {  	[tilespmem:$0x870] =	vst v7;
	v7 =	vadd.s32 v2, v6  }
0x4e: {  	v6 =	vadd.s32 v3, v6;
	[tilespmem:$0xA70] =	vst v7  }
0x4f: {  	s2 =	simm.s32 $0x600;
	[tilespmem:$0xC70] =	vst v6  }
0x50: {  	[tilespmem:s12], [sflag:$0x2] =	stream.indirect.gather [hbm4b:s1+s10], $0x10, s2, s10, $0xb8;
	[tilespmem:$0x9060] =	vst v63  }
0x51: {  	s7 =	simm.s32 $0x800  }
0x52: {  	[tilespmem:s14], [sflag:$0x2] =	stream.indirect.gather [hbm4b:s1+s10], $0x10, s7, s10, $0xb8;
	[tilespmem:$0x9060] =	vst v63  }
0x53: {  	s7 =	simm.s32 $0xA00  }
0x54: {  	[tilespmem:s16], [sflag:$0x2] =	stream.indirect.gather [hbm4b:s1+s10], $0x10, s7, s10, $0xb8;
	[tilespmem:$0x9060] =	vst v63  }
0x55: {  	s7 =	simm.s32 $0xC00  }
0x56: {  	[tilespmem:s18], [sflag:$0x2] =	stream.indirect.gather [hbm4b:s1+s10], $0x10, s7, s10, $0xb8;
	[tilespmem:$0x9060] =	vst v63  }
0x57: {  	v6 =	vld [tilespmem:$0x80];
	_ =	sdelay $0x4  }
0x58: {  	v8 =	vld [tilespmem:$0x90];
	v7 =	vshll.u32 v6, $0x3  }
0x59: {  	v9 =	vshrl.u32 v6, $0x1;
	v10 =	vand.u32 $0xFFFFF870, v6;
	v7 =	vand.u32 $0x400, v7  }
0x5a: {  	v9 =	vand.u32 $0x380, v9;
	v7 =	vor.u32 v7, v10  }
0x5b: {  	v7 =	vor.u32 v9, v7  }
0x5c: {  	v6 =	vand.u32 $0xF, v6;
	v7 =	vshrl.u32 v7, $0x4  }
0x5d: {  	v11 =	vld [tilespmem:$0xA0];
	v12 =	vand.u32 $0xFFFFF870, v8;
	[tilespmem:$0x480] =	vst v6;
	v10 =	vshll.u32 v8, $0x3;
	v6 =	vadd.s32 v0, v7  }
0x5e: {  	v9 =	vadd.s32 v1, v7;
	[tilespmem:$0x680] =	vst v6;
	v6 =	vand.u32 $0x400, v10;
	v10 =	vshrl.u32 v8, $0x1  }
0x5f: {  	[tilespmem:$0x880] =	vst v9;
	v9 =	vadd.s32 v2, v7;
	v10 =	vand.u32 $0x380, v10;
	v6 =	vor.u32 v6, v12  }
0x60: {  	v7 =	vadd.s32 v3, v7;
	[tilespmem:$0xA80] =	vst v9;
	v6 =	vor.u32 v10, v6  }
0x61: {  	[tilespmem:$0xC80] =	vst v7;
	v7 =	vand.u32 $0xF, v8;
	v6 =	vshrl.u32 v6, $0x4  }
0x62: {  	v9 =	vshll.u32 v11, $0x3;
	v12 =	vand.u32 $0xFFFFF870, v11;
	[tilespmem:$0x490] =	vst v7;
	v10 =	vld [tilespmem:$0xB0];
	v7 =	vadd.s32 v0, v6  }
0x63: {  	v8 =	vadd.s32 v1, v6;
	[tilespmem:$0x690] =	vst v7;
	v7 =	vand.u32 $0x400, v9;
	v9 =	vshrl.u32 v11, $0x1  }
0x64: {  	[tilespmem:$0x890] =	vst v8;
	v8 =	vadd.s32 v2, v6;
	v9 =	vand.u32 $0x380, v9;
	v7 =	vor.u32 v7, v12  }
0x65: {  	v6 =	vadd.s32 v3, v6;
	[tilespmem:$0xA90] =	vst v8;
	v7 =	vor.u32 v9, v7  }
0x66: {  	[tilespmem:$0xC90] =	vst v6;
	v6 =	vshrl.u32 v7, $0x4;
	v7 =	vand.u32 $0xF, v11  }
0x67: {  	v9 =	vshll.u32 v10, $0x3;
	v12 =	vand.u32 $0xFFFFF870, v10;
	v11 =	vld [tilespmem:$0xC0];
	[tilespmem:$0x4A0] =	vst v7;
	v7 =	vadd.s32 v0, v6  }
0x68: {  	v8 =	vadd.s32 v1, v6;
	[tilespmem:$0x6A0] =	vst v7;
	v7 =	vand.u32 $0x400, v9;
	v9 =	vshrl.u32 v10, $0x1  }
0x69: {  	[tilespmem:$0x8A0] =	vst v8;
	v8 =	vadd.s32 v2, v6;
	v9 =	vand.u32 $0x380, v9;
	v7 =	vor.u32 v7, v12  }
0x6a: {  	v6 =	vadd.s32 v3, v6;
	[tilespmem:$0xAA0] =	vst v8;
	v7 =	vor.u32 v9, v7  }
0x6b: {  	[tilespmem:$0xCA0] =	vst v6;
	v6 =	vshrl.u32 v7, $0x4;
	v7 =	vand.u32 $0xF, v10  }
0x6c: {  	v9 =	vshll.u32 v11, $0x3;
	v10 =	vld [tilespmem:$0xD0];
	v12 =	vand.u32 $0xFFFFF870, v11;
	[tilespmem:$0x4B0] =	vst v7;
	v7 =	vadd.s32 v0, v6  }
0x6d: {  	v8 =	vadd.s32 v1, v6;
	[tilespmem:$0x6B0] =	vst v7;
	v7 =	vand.u32 $0x400, v9;
	v9 =	vshrl.u32 v11, $0x1  }
0x6e: {  	[tilespmem:$0x8B0] =	vst v8;
	v8 =	vadd.s32 v2, v6;
	v9 =	vand.u32 $0x380, v9;
	v7 =	vor.u32 v7, v12  }
0x6f: {  	v6 =	vadd.s32 v3, v6;
	[tilespmem:$0xAB0] =	vst v8;
	v7 =	vor.u32 v9, v7  }
0x70: {  	[tilespmem:$0xCB0] =	vst v6;
	v6 =	vshrl.u32 v7, $0x4;
	v7 =	vand.u32 $0xF, v11  }
0x71: {  	v9 =	vshll.u32 v10, $0x3;
	v11 =	vld [tilespmem:$0xE0];
	v12 =	vand.u32 $0xFFFFF870, v10;
	[tilespmem:$0x4C0] =	vst v7;
	v7 =	vadd.s32 v0, v6  }
0x72: {  	v8 =	vadd.s32 v1, v6;
	[tilespmem:$0x6C0] =	vst v7;
	v7 =	vand.u32 $0x400, v9;
	v9 =	vshrl.u32 v10, $0x1  }
0x73: {  	[tilespmem:$0x8C0] =	vst v8;
	v8 =	vadd.s32 v2, v6;
	v9 =	vand.u32 $0x380, v9;
	v7 =	vor.u32 v7, v12  }
0x74: {  	v6 =	vadd.s32 v3, v6;
	[tilespmem:$0xAC0] =	vst v8;
	v7 =	vor.u32 v9, v7  }
0x75: {  	[tilespmem:$0xCC0] =	vst v6;
	v6 =	vshrl.u32 v7, $0x4;
	v7 =	vand.u32 $0xF, v10  }
0x76: {  	v9 =	vshll.u32 v11, $0x3;
	v10 =	vld [tilespmem:$0xF0];
	v12 =	vand.u32 $0xFFFFF870, v11;
	[tilespmem:$0x4D0] =	vst v7;
	v7 =	vadd.s32 v0, v6  }
0x77: {  	v8 =	vadd.s32 v1, v6;
	[tilespmem:$0x6D0] =	vst v7;
	v7 =	vand.u32 $0x400, v9;
	v9 =	vshrl.u32 v11, $0x1  }
0x78: {  	[tilespmem:$0x8D0] =	vst v8;
	v8 =	vadd.s32 v2, v6;
	v9 =	vand.u32 $0x380, v9;
	v7 =	vor.u32 v7, v12  }
0x79: {  	v6 =	vadd.s32 v3, v6;
	[tilespmem:$0xAD0] =	vst v8;
	v7 =	vor.u32 v9, v7  }
0x7a: {  	[tilespmem:$0xCD0] =	vst v6;
	v6 =	vshrl.u32 v7, $0x4;
	v7 =	vand.u32 $0xF, v11  }
0x7b: {  	v9 =	vshll.u32 v10, $0x3;
	v11 =	vand.u32 $0xFFFFF870, v10;
	[tilespmem:$0x4E0] =	vst v7;
	v7 =	vadd.s32 v0, v6  }
0x7c: {  	v8 =	vadd.s32 v1, v6;
	[tilespmem:$0x6E0] =	vst v7;
	v7 =	vand.u32 $0x400, v9;
	v9 =	vshrl.u32 v10, $0x1  }
0x7d: {  	[tilespmem:$0x8E0] =	vst v8;
	v8 =	vadd.s32 v2, v6;
	v9 =	vand.u32 $0x380, v9;
	v7 =	vor.u32 v7, v11  }
0x7e: {  	v6 =	vadd.s32 v3, v6;
	[tilespmem:$0xAE0] =	vst v8;
	v7 =	vor.u32 v9, v7  }
0x7f: {  	[tilespmem:$0xCE0] =	vst v6;
	v6 =	vshrl.u32 v7, $0x4;
	v7 =	vand.u32 $0xF, v10  }
0x80: {  	[tilespmem:$0x4F0] =	vst v7;
	v7 =	vadd.s32 v0, v6  }
0x81: {  	[tilespmem:$0x6F0] =	vst v7;
	v7 =	vadd.s32 v1, v6  }
0x82: {  	[tilespmem:$0x8F0] =	vst v7;
	v7 =	vadd.s32 v2, v6  }
0x83: {  	v6 =	vadd.s32 v3, v6;
	[tilespmem:$0xAF0] =	vst v7  }
0x84: {  	s2 =	simm.s32 $0x680;
	s7 =	simm.s32 $0x1600;
	[tilespmem:$0xCF0] =	vst v6  }
0x85: {  	[tilespmem:s7], [sflag:$0x3] =	stream.indirect.gather [hbm4b:s1+s10], $0x10, s2, s10, $0xb8;
	[tilespmem:$0x9060] =	vst v63  }
0x86: {  	s2 =	simm.s32 $0x880;
	s7 =	simm.s32 $0x3600  }
0x87: {  	[tilespmem:s7], [sflag:$0x3] =	stream.indirect.gather [hbm4b:s1+s10], $0x10, s2, s10, $0xb8;
	[tilespmem:$0x9060] =	vst v63  }
0x88: {  	s2 =	simm.s32 $0xA80;
	s7 =	simm.s32 $0x5600  }
0x89: {  	[tilespmem:s7], [sflag:$0x3] =	stream.indirect.gather [hbm4b:s1+s10], $0x10, s2, s10, $0xb8;
	[tilespmem:$0x9060] =	vst v63  }
0x8a: {  	s2 =	simm.s32 $0xC80;
	s7 =	simm.s32 $0x7600  }
0x8b: {  	[tilespmem:s7], [sflag:$0x3] =	stream.indirect.gather [hbm4b:s1+s10], $0x10, s2, s10, $0xb8;
	[tilespmem:$0x9060] =	vst v63  }
0x8c: {  	v6 =	vld [tilespmem:$0x100];
	_ =	sdelay $0x4  }
0x8d: {  	v8 =	vld [tilespmem:$0x110];
	v7 =	vshll.u32 v6, $0x3  }
0x8e: {  	v9 =	vshrl.u32 v6, $0x1;
	v10 =	vand.u32 $0xFFFFF870, v6;
	v7 =	vand.u32 $0x400, v7  }
0x8f: {  	v9 =	vand.u32 $0x380, v9;
	v7 =	vor.u32 v7, v10  }
0x90: {  	v7 =	vor.u32 v9, v7  }
0x91: {  	v6 =	vand.u32 $0xF, v6;
	v7 =	vshrl.u32 v7, $0x4  }
0x92: {  	v11 =	vld [tilespmem:$0x120];
	v12 =	vand.u32 $0xFFFFF870, v8;
	[tilespmem:$0x500] =	vst v6;
	v10 =	vshll.u32 v8, $0x3;
	v6 =	vadd.s32 v0, v7  }
0x93: {  	v9 =	vadd.s32 v1, v7;
	[tilespmem:$0x700] =	vst v6;
	v6 =	vand.u32 $0x400, v10;
	v10 =	vshrl.u32 v8, $0x1  }
0x94: {  	[tilespmem:$0x900] =	vst v9;
	v9 =	vadd.s32 v2, v7;
	v10 =	vand.u32 $0x380, v10;
	v6 =	vor.u32 v6, v12  }
0x95: {  	v7 =	vadd.s32 v3, v7;
	[tilespmem:$0xB00] =	vst v9;
	v6 =	vor.u32 v10, v6  }
0x96: {  	[tilespmem:$0xD00] =	vst v7;
	v7 =	vand.u32 $0xF, v8;
	v6 =	vshrl.u32 v6, $0x4  }
0x97: {  	v9 =	vshll.u32 v11, $0x3;
	v12 =	vand.u32 $0xFFFFF870, v11;
	[tilespmem:$0x510] =	vst v7;
	v10 =	vld [tilespmem:$0x130];
	v7 =	vadd.s32 v0, v6  }
0x98: {  	v8 =	vadd.s32 v1, v6;
	[tilespmem:$0x710] =	vst v7;
	v7 =	vand.u32 $0x400, v9;
	v9 =	vshrl.u32 v11, $0x1  }
0x99: {  	[tilespmem:$0x910] =	vst v8;
	v8 =	vadd.s32 v2, v6;
	v9 =	vand.u32 $0x380, v9;
	v7 =	vor.u32 v7, v12  }
0x9a: {  	v6 =	vadd.s32 v3, v6;
	[tilespmem:$0xB10] =	vst v8;
	v7 =	vor.u32 v9, v7  }
0x9b: {  	[tilespmem:$0xD10] =	vst v6;
	v6 =	vshrl.u32 v7, $0x4;
	v7 =	vand.u32 $0xF, v11  }
0x9c: {  	v9 =	vshll.u32 v10, $0x3;
	v12 =	vand.u32 $0xFFFFF870, v10;
	v11 =	vld [tilespmem:$0x140];
	[tilespmem:$0x520] =	vst v7;
	v7 =	vadd.s32 v0, v6  }
0x9d: {  	v8 =	vadd.s32 v1, v6;
	[tilespmem:$0x720] =	vst v7;
	v7 =	vand.u32 $0x400, v9;
	v9 =	vshrl.u32 v10, $0x1  }
0x9e: {  	[tilespmem:$0x920] =	vst v8;
	v8 =	vadd.s32 v2, v6;
	v9 =	vand.u32 $0x380, v9;
	v7 =	vor.u32 v7, v12  }
0x9f: {  	v6 =	vadd.s32 v3, v6;
	[tilespmem:$0xB20] =	vst v8;
	v7 =	vor.u32 v9, v7  }
0xa0: {  	[tilespmem:$0xD20] =	vst v6;
	v6 =	vshrl.u32 v7, $0x4;
	v7 =	vand.u32 $0xF, v10  }
0xa1: {  	v9 =	vshll.u32 v11, $0x3;
	v10 =	vld [tilespmem:$0x150];
	v12 =	vand.u32 $0xFFFFF870, v11;
	[tilespmem:$0x530] =	vst v7;
	v7 =	vadd.s32 v0, v6  }
0xa2: {  	v8 =	vadd.s32 v1, v6;
	[tilespmem:$0x730] =	vst v7;
	v7 =	vand.u32 $0x400, v9;
	v9 =	vshrl.u32 v11, $0x1  }
0xa3: {  	[tilespmem:$0x930] =	vst v8;
	v8 =	vadd.s32 v2, v6;
	v9 =	vand.u32 $0x380, v9;
	v7 =	vor.u32 v7, v12  }
0xa4: {  	v6 =	vadd.s32 v3, v6;
	[tilespmem:$0xB30] =	vst v8;
	v7 =	vor.u32 v9, v7  }
0xa5: {  	[tilespmem:$0xD30] =	vst v6;
	v6 =	vshrl.u32 v7, $0x4;
	v7 =	vand.u32 $0xF, v11  }
0xa6: {  	v9 =	vshll.u32 v10, $0x3;
	v11 =	vld [tilespmem:$0x160];
	v12 =	vand.u32 $0xFFFFF870, v10;
	[tilespmem:$0x540] =	vst v7;
	v7 =	vadd.s32 v0, v6  }
0xa7: {  	v8 =	vadd.s32 v1, v6;
	[tilespmem:$0x740] =	vst v7;
	v7 =	vand.u32 $0x400, v9;
	v9 =	vshrl.u32 v10, $0x1  }
0xa8: {  	[tilespmem:$0x940] =	vst v8;
	v8 =	vadd.s32 v2, v6;
	v9 =	vand.u32 $0x380, v9;
	v7 =	vor.u32 v7, v12  }
0xa9: {  	v6 =	vadd.s32 v3, v6;
	[tilespmem:$0xB40] =	vst v8;
	v7 =	vor.u32 v9, v7  }
0xaa: {  	[tilespmem:$0xD40] =	vst v6;
	v6 =	vshrl.u32 v7, $0x4;
	v7 =	vand.u32 $0xF, v10  }
0xab: {  	v9 =	vshll.u32 v11, $0x3;
	v10 =	vld [tilespmem:$0x170];
	v12 =	vand.u32 $0xFFFFF870, v11;
	[tilespmem:$0x550] =	vst v7;
	v7 =	vadd.s32 v0, v6  }
0xac: {  	v8 =	vadd.s32 v1, v6;
	[tilespmem:$0x750] =	vst v7;
	v7 =	vand.u32 $0x400, v9;
	v9 =	vshrl.u32 v11, $0x1  }
0xad: {  	[tilespmem:$0x950] =	vst v8;
	v8 =	vadd.s32 v2, v6;
	v9 =	vand.u32 $0x380, v9;
	v7 =	vor.u32 v7, v12  }
0xae: {  	v6 =	vadd.s32 v3, v6;
	[tilespmem:$0xB50] =	vst v8;
	v7 =	vor.u32 v9, v7  }
0xaf: {  	[tilespmem:$0xD50] =	vst v6;
	v6 =	vshrl.u32 v7, $0x4;
	v7 =	vand.u32 $0xF, v11  }
0xb0: {  	v9 =	vshll.u32 v10, $0x3;
	v11 =	vand.u32 $0xFFFFF870, v10;
	[tilespmem:$0x560] =	vst v7;
	v7 =	vadd.s32 v0, v6  }
0xb1: {  	v8 =	vadd.s32 v1, v6;
	[tilespmem:$0x760] =	vst v7;
	v7 =	vand.u32 $0x400, v9;
	v9 =	vshrl.u32 v10, $0x1  }
0xb2: {  	[tilespmem:$0x960] =	vst v8;
	v8 =	vadd.s32 v2, v6;
	v9 =	vand.u32 $0x380, v9;
	v7 =	vor.u32 v7, v11  }
0xb3: {  	v6 =	vadd.s32 v3, v6;
	[tilespmem:$0xB60] =	vst v8;
	v7 =	vor.u32 v9, v7  }
0xb4: {  	[tilespmem:$0xD60] =	vst v6;
	v6 =	vshrl.u32 v7, $0x4;
	v7 =	vand.u32 $0xF, v10  }
0xb5: {  	[tilespmem:$0x570] =	vst v7;
	v7 =	vadd.s32 v0, v6  }
0xb6: {  	[tilespmem:$0x770] =	vst v7;
	v7 =	vadd.s32 v1, v6  }
0xb7: {  	[tilespmem:$0x970] =	vst v7;
	v7 =	vadd.s32 v2, v6  }
0xb8: {  	v6 =	vadd.s32 v3, v6;
	[tilespmem:$0xB70] =	vst v7  }
0xb9: {  	s2 =	simm.s32 $0x700;
	s7 =	simm.s32 $0x1E00;
	[tilespmem:$0xD70] =	vst v6  }
0xba: {  	[tilespmem:s7], [sflag:$0x4] =	stream.indirect.gather [hbm4b:s1+s10], $0x10, s2, s10, $0xb8;
	[tilespmem:$0x9060] =	vst v63  }
0xbb: {  	s2 =	simm.s32 $0x900;
	s7 =	simm.s32 $0x3E00  }
0xbc: {  	[tilespmem:s7], [sflag:$0x4] =	stream.indirect.gather [hbm4b:s1+s10], $0x10, s2, s10, $0xb8;
	[tilespmem:$0x9060] =	vst v63  }
0xbd: {  	s2 =	simm.s32 $0xB00;
	s7 =	simm.s32 $0x5E00  }
0xbe: {  	[tilespmem:s7], [sflag:$0x4] =	stream.indirect.gather [hbm4b:s1+s10], $0x10, s2, s10, $0xb8;
	[tilespmem:$0x9060] =	vst v63  }
0xbf: {  	s7 =	simm.s32 $0xD00  }
0xc0: {  	[tilespmem:s11], [sflag:$0x4] =	stream.indirect.gather [hbm4b:s1+s10], $0x10, s7, s10, $0xb8;
	[tilespmem:$0x9060] =	vst v63  }
0xc1: {  	v6 =	vld [tilespmem:$0x180];
	_ =	sdelay $0x4  }
0xc2: {  	v8 =	vld [tilespmem:$0x190];
	v7 =	vshll.u32 v6, $0x3  }
0xc3: {  	v9 =	vshrl.u32 v6, $0x1;
	v10 =	vand.u32 $0xFFFFF870, v6;
	v7 =	vand.u32 $0x400, v7  }
0xc4: {  	v9 =	vand.u32 $0x380, v9;
	v7 =	vor.u32 v7, v10  }
0xc5: {  	v7 =	vor.u32 v9, v7  }
0xc6: {  	v6 =	vand.u32 $0xF, v6;
	v7 =	vshrl.u32 v7, $0x4  }
0xc7: {  	v11 =	vld [tilespmem:$0x1A0];
	v12 =	vand.u32 $0xFFFFF870, v8;
	[tilespmem:$0x580] =	vst v6;
	v10 =	vshll.u32 v8, $0x3;
	v6 =	vadd.s32 v0, v7  }
0xc8: {  	v9 =	vadd.s32 v1, v7;
	[tilespmem:$0x780] =	vst v6;
	v6 =	vand.u32 $0x400, v10;
	v10 =	vshrl.u32 v8, $0x1  }
0xc9: {  	[tilespmem:$0x980] =	vst v9;
	v9 =	vadd.s32 v2, v7;
	v10 =	vand.u32 $0x380, v10;
	v6 =	vor.u32 v6, v12  }
0xca: {  	v7 =	vadd.s32 v3, v7;
	[tilespmem:$0xB80] =	vst v9;
	v6 =	vor.u32 v10, v6  }
0xcb: {  	[tilespmem:$0xD80] =	vst v7;
	v7 =	vand.u32 $0xF, v8;
	v6 =	vshrl.u32 v6, $0x4  }
0xcc: {  	v9 =	vshll.u32 v11, $0x3;
	v12 =	vand.u32 $0xFFFFF870, v11;
	[tilespmem:$0x590] =	vst v7;
	v10 =	vld [tilespmem:$0x1B0];
	v7 =	vadd.s32 v0, v6  }
0xcd: {  	v8 =	vadd.s32 v1, v6;
	[tilespmem:$0x790] =	vst v7;
	v7 =	vand.u32 $0x400, v9;
	v9 =	vshrl.u32 v11, $0x1  }
0xce: {  	[tilespmem:$0x990] =	vst v8;
	v8 =	vadd.s32 v2, v6;
	v9 =	vand.u32 $0x380, v9;
	v7 =	vor.u32 v7, v12  }
0xcf: {  	v6 =	vadd.s32 v3, v6;
	[tilespmem:$0xB90] =	vst v8;
	v7 =	vor.u32 v9, v7  }
0xd0: {  	[tilespmem:$0xD90] =	vst v6;
	v6 =	vshrl.u32 v7, $0x4;
	v7 =	vand.u32 $0xF, v11  }
0xd1: {  	v9 =	vshll.u32 v10, $0x3;
	v12 =	vand.u32 $0xFFFFF870, v10;
	v11 =	vld [tilespmem:$0x1C0];
	[tilespmem:$0x5A0] =	vst v7;
	v7 =	vadd.s32 v0, v6  }
0xd2: {  	v8 =	vadd.s32 v1, v6;
	[tilespmem:$0x7A0] =	vst v7;
	v7 =	vand.u32 $0x400, v9;
	v9 =	vshrl.u32 v10, $0x1  }
0xd3: {  	[tilespmem:$0x9A0] =	vst v8;
	v8 =	vadd.s32 v2, v6;
	v9 =	vand.u32 $0x380, v9;
	v7 =	vor.u32 v7, v12  }
0xd4: {  	v6 =	vadd.s32 v3, v6;
	[tilespmem:$0xBA0] =	vst v8;
	v7 =	vor.u32 v9, v7  }
0xd5: {  	[tilespmem:$0xDA0] =	vst v6;
	v6 =	vshrl.u32 v7, $0x4;
	v7 =	vand.u32 $0xF, v10  }
0xd6: {  	v9 =	vshll.u32 v11, $0x3;
	v10 =	vld [tilespmem:$0x1D0];
	v12 =	vand.u32 $0xFFFFF870, v11;
	[tilespmem:$0x5B0] =	vst v7;
	v7 =	vadd.s32 v0, v6  }
0xd7: {  	v8 =	vadd.s32 v1, v6;
	[tilespmem:$0x7B0] =	vst v7;
	v7 =	vand.u32 $0x400, v9;
	v9 =	vshrl.u32 v11, $0x1  }
0xd8: {  	[tilespmem:$0x9B0] =	vst v8;
	v8 =	vadd.s32 v2, v6;
	v9 =	vand.u32 $0x380, v9;
	v7 =	vor.u32 v7, v12  }
0xd9: {  	v6 =	vadd.s32 v3, v6;
	[tilespmem:$0xBB0] =	vst v8;
	v7 =	vor.u32 v9, v7  }
0xda: {  	[tilespmem:$0xDB0] =	vst v6;
	v6 =	vshrl.u32 v7, $0x4;
	v7 =	vand.u32 $0xF, v11  }
0xdb: {  	v9 =	vshll.u32 v10, $0x3;
	v11 =	vld [tilespmem:$0x1E0];
	v12 =	vand.u32 $0xFFFFF870, v10;
	[tilespmem:$0x5C0] =	vst v7;
	v7 =	vadd.s32 v0, v6  }
0xdc: {  	v8 =	vadd.s32 v1, v6;
	[tilespmem:$0x7C0] =	vst v7;
	v7 =	vand.u32 $0x400, v9;
	v9 =	vshrl.u32 v10, $0x1  }
0xdd: {  	[tilespmem:$0x9C0] =	vst v8;
	v8 =	vadd.s32 v2, v6;
	v9 =	vand.u32 $0x380, v9;
	v7 =	vor.u32 v7, v12  }
0xde: {  	v6 =	vadd.s32 v3, v6;
	[tilespmem:$0xBC0] =	vst v8;
	v7 =	vor.u32 v9, v7  }
0xdf: {  	[tilespmem:$0xDC0] =	vst v6;
	v6 =	vshrl.u32 v7, $0x4;
	v7 =	vand.u32 $0xF, v10  }
0xe0: {  	v9 =	vshll.u32 v11, $0x3;
	v10 =	vld [tilespmem:$0x1F0];
	v12 =	vand.u32 $0xFFFFF870, v11;
	[tilespmem:$0x5D0] =	vst v7;
	v7 =	vadd.s32 v0, v6  }
0xe1: {  	v8 =	vadd.s32 v1, v6;
	[tilespmem:$0x7D0] =	vst v7;
	v7 =	vand.u32 $0x400, v9;
	v9 =	vshrl.u32 v11, $0x1  }
0xe2: {  	[tilespmem:$0x9D0] =	vst v8;
	v8 =	vadd.s32 v2, v6;
	v9 =	vand.u32 $0x380, v9;
	v7 =	vor.u32 v7, v12  }
0xe3: {  	v6 =	vadd.s32 v3, v6;
	[tilespmem:$0xBD0] =	vst v8;
	v7 =	vor.u32 v9, v7  }
0xe4: {  	[tilespmem:$0xDD0] =	vst v6;
	v6 =	vshrl.u32 v7, $0x4;
	v7 =	vand.u32 $0xF, v11  }
0xe5: {  	v9 =	vshll.u32 v10, $0x3;
	v11 =	vand.u32 $0xFFFFF870, v10;
	[tilespmem:$0x5E0] =	vst v7;
	v7 =	vadd.s32 v0, v6  }
0xe6: {  	v8 =	vadd.s32 v1, v6;
	[tilespmem:$0x7E0] =	vst v7;
	v7 =	vand.u32 $0x400, v9;
	v9 =	vshrl.u32 v10, $0x1  }
0xe7: {  	[tilespmem:$0x9E0] =	vst v8;
	v8 =	vadd.s32 v2, v6;
	v9 =	vand.u32 $0x380, v9;
	v7 =	vor.u32 v7, v11  }
0xe8: {  	v6 =	vadd.s32 v3, v6;
	[tilespmem:$0xBE0] =	vst v8;
	v7 =	vor.u32 v9, v7  }
0xe9: {  	[tilespmem:$0xDE0] =	vst v6;
	v6 =	vshrl.u32 v7, $0x4;
	v7 =	vand.u32 $0xF, v10  }
0xea: {  	[tilespmem:$0x5F0] =	vst v7;
	v7 =	vadd.s32 v0, v6  }
0xeb: {  	[tilespmem:$0x7F0] =	vst v7;
	v7 =	vadd.s32 v1, v6  }
0xec: {  	[tilespmem:$0x9F0] =	vst v7;
	v7 =	vadd.s32 v2, v6  }
0xed: {  	v6 =	vadd.s32 v3, v6;
	[tilespmem:$0xBF0] =	vst v7  }
0xee: {  	[tilespmem:$0xDF0] =	vst v6  }
0xef: {  	[tilespmem:s15], [sflag:$0x5] =	stream.indirect.gather [hbm4b:s1+s10], $0x10, s13, s10, $0xb8;
	[tilespmem:$0x9060] =	vst v63  }
0xf0: {  	_ = 	snop  }
0xf1: {  	[tilespmem:s19], [sflag:$0x5] =	stream.indirect.gather [hbm4b:s1+s10], $0x10, s17, s10, $0xb8;
	[tilespmem:$0x9060] =	vst v63  }
0xf2: {  	_ = 	snop  }
0xf3: {  	[tilespmem:s21], [sflag:$0x5] =	stream.indirect.gather [hbm4b:s1+s10], $0x10, s20, s10, $0xb8;
	[tilespmem:$0x9060] =	vst v63  }
0xf4: {  	_ = 	snop  }
0xf5: {  	[tilespmem:s23], [sflag:$0x5] =	stream.indirect.gather [hbm4b:s1+s10], $0x10, s22, s10, $0xb8;
	[tilespmem:$0x9060] =	vst v63  }
0xf6: {  	_ =	swait.ge [sflag:s24], $0x800  }
0xf7: {  	[sflag:s24] =	ssyncset.done $0x0  }
0xf8: {  	[sflag:s24] =	ssyncadd.s32 $0xFFFFF800  }
0xf9: {  	_ =	swait.ge [sflag:s24], $0x800  }
0xfa: {  	[sflag:s24] =	ssyncset.done $0x0  }
0xfb: {  	[sflag:s24] =	ssyncadd.s32 $0xFFFFF800  }
0xfc: {  	_ =	swait.ge [sflag:s24], $0x800  }
0xfd: {  	[sflag:s24] =	ssyncset.done $0x0  }
0xfe: {  	[sflag:s24] =	ssyncadd.s32 $0xFFFFF800  }
0xff: {  	_ =	swait.ge [sflag:s24], $0x800  }
0x100: {  	[sflag:s24] =	ssyncset.done $0x0  }
0x101: {  	s7 =	simm.s32 $0x400;
	[sflag:s24] =	ssyncadd.s32 $0xFFFFF800  }
0x102: {  	v7 =	vld [tilespmem:s7+$0x0];
	_ =	sdelay $0x3  }
0x103: {  	v6 =	vor.u32 s3, v4  }
0x104: {  	v9 =	vshll.u32 v6, $0x4;
	v8 =	vand.u32 $0xFFFFFFF8, v7  }
0x105: {  	v7 =	vand.u32 $0x7, v7;
	v8 =	vadd.s32 v9, v8  }
0x106: {  	v7 =	vor.u32 v7, v8;
	_ =	sdelay $0x2  }
0x107: {  	s2 =	simm.s32 $0x410;
	v11 =	vld [tilespmem:s0+$0x0]  }
0x108: {  	v12 =	vld [tilespmem:s2+$0x0]  }
0x109: {  	v8 =	vld.idx.msk [tilespmem:v7+s12+$0x0], $0xffff  }
0x10a: {  	v9 =	vld.idx.msk [tilespmem:v7+s14+$0x0], $0xffff  }
0x10b: {  	v10 =	vld.idx.msk [tilespmem:v7+s16+$0x0], $0xffff  }
0x10c: {  	v7 =	vld.idx.msk [tilespmem:v7+s18+$0x0], $0xffff;
	_ =	sdelay $0x2  }
0x10d: {  	v13 =	vmul.f32 v8, v11  }
0x10e: {  	s7 =	simm.s32 $0x10;
	v14 =	vmul.f32 v10, v11;
	v9 =	vmul.f32 v9, v11  }
0x10f: {  	v7 =	vmul.f32 v7, v11;
	v8 =	vor.u32 s7, v4;
	v10 =	vand.u32 $0xFFFFFFF8, v12  }
0x110: {  	v12 =	vand.u32 $0x7, v12;
	v16 =	vshll.u32 v8, $0x4;
	v15 =	vmax.f32 v13, v14  }
0x111: {  	v17 =	vmax.f32 v9, v7;
	v10 =	vadd.s32 v16, v10;
	v15 =	vadd.f32 $9.999999970e-07, v15  }
0x112: {  	v16 =	vadd.f32 $9.999999970e-07, v17;
	v10 =	vor.u32 v12, v10  }
0x113: {  	(erf) = vrcp.f32 v15  }
0x114: {  	(erf) = vrcp.f32 v16  }
0x115: {  	s2 =	simm.s32 $0x210  }
0x116: {  	v12 =	vld [tilespmem:s2+$0x0]  }
0x117: {  	v16 =	vld.idx.msk [tilespmem:v10+s12+$0x0], $0xffff  }
0x118: {  	v18 =	vld.idx.msk [tilespmem:v10+s16+$0x0], $0xffff  }
0x119: {  	v17 =	vld.idx.msk [tilespmem:v10+s14+$0x0], $0xffff  }
0x11a: {  	s7 =	simm.s32 $0x420;
	v19 =	vld.idx.msk [tilespmem:v10+s18+$0x0], $0xffff  }
0x11b: {  	v15 =	vld [tilespmem:s7+$0x0]  }
0x11c: {  	v13 =	vmin.f32 v13, v14;
	v20 =	vpop (erf)  }
0x11d: {  	v7 =	vmin.f32 v9, v7;
	v16 =	vmul.f32 v16, v12;
	v18 =	vmul.f32 v18, v12;
	v9 =	vpop (erf)  }
0x11e: {  	s2 =	simm.s32 $0x20;
	v13 =	vmul.f32 v20, v13;
	v7 =	vmul.f32 v9, v7  }
0x11f: {  	v10 =	vor.u32 s2, v4;
	v17 =	vmul.f32 v17, v12;
	v19 =	vmul.f32 v19, v12  }
0x120: {  	v14 =	vand.u32 $0xFFFFFFF8, v15;
	v9 =	vshll.u32 v10, $0x4;
	v22 =	vadd.f32 v7, v13  }
0x121: {  	v9 =	vadd.s32 v9, v14;
	v14 =	vmax.f32 v17, v19;
	v13 =	vmax.f32 v16, v18  }
0x122: {  	v7 =	vand.u32 $0x7, v15;
	v13 =	vadd.f32 $9.999999970e-07, v13;
	v15 =	vand.u32 $0x7FFFFF, v22  }
0x123: {  	v7 =	vor.u32 v7, v9;
	v9 =	vadd.f32 $9.999999970e-07, v14;
	v14 =	vor.u32 $0x3F800000, v15  }
0x124: {  	(erf) = vrcp.f32 v13;
	v13 =	vmul.f32 $5.000000000e-01, v14  }
0x125: {  	(erf) = vrcp.f32 v9;
	vm3 =	vgt.f32 v14, $1.414213540e+00  }
0x126: {  	s7 =	simm.s32 $0x220;
	v15 =	vsel vm3, v13, v14  }
0x127: {  	v20 =	vld [tilespmem:s7+$0x0];
	v9 =	vadd.f32 $1.000000000e+00, v15  }
0x128: {  	s2 =	simm.s32 $0x430;
	v21 =	vld.idx.msk [tilespmem:v7+s12+$0x0], $0xffff  }
0x129: {  	v14 =	vld [tilespmem:s2+$0x0];
	(erf) = vrcp.f32 v9  }
0x12a: {  	v23 =	vld.idx.msk [tilespmem:v7+s16+$0x0], $0xffff  }
0x12b: {  	s7 =	simm.s32 $0x30;
	v24 =	vld.idx.msk [tilespmem:v7+s14+$0x0], $0xffff  }
0x12c: {  	v17 =	vmin.f32 v17, v19;
	v16 =	vmin.f32 v16, v18;
	v7 =	vld.idx.msk [tilespmem:v7+s18+$0x0], $0xffff;
	v9 =	vor.u32 s7, v4  }
0x12d: {  	v13 =	vimm.f32 $0.0e+00;
	v26 =	vshll.u32 v9, $0x4;
	v27 =	vmul.f32 v21, v20;
	v21 =	vpop (erf)  }
0x12e: {  	v25 =	vand.u32 $0xFFFFFFF8, v14;
	v14 =	vand.u32 $0x7, v14;
	v18 =	vpop (erf);
	v16 =	vmul.f32 v21, v16  }
0x12f: {  	v28 =	vmul.f32 v23, v20;
	v19 =	vadd.s32 v26, v25;
	v17 =	vmul.f32 v18, v17  }
0x130: {  	v15 =	vadd.f32 $-1.000000000e+00, v15;
	v18 =	vor.u32 v14, v19;
	v19 =	vmul.f32 v24, v20  }
0x131: {  	v24 =	vmul.f32 v7, v20;
	v7 =	vmax.f32 v27, v28;
	v14 =	vadd.f32 v17, v16  }
0x132: {  	s0 =	simm.s32 $0x230;
	v11 =	vadd.f32 v11, v13;
	v7 =	vadd.f32 $9.999999970e-07, v7;
	v16 =	vpop (erf)  }
0x133: {  	s2 =	simm.s32 $0x440;
	v25 =	vld [tilespmem:s0+$0x0];
	v17 =	vmax.f32 v19, v24;
	v21 =	vand.u32 $0x7FFFFF, v14;
	v15 =	vmul.f32 v16, v15  }
0x134: {  	v17 =	vadd.f32 $9.999999970e-07, v17;
	(erf) = vrcp.f32 v7;
	v16 =	vld [tilespmem:s2+$0x0];
	v7 =	vor.u32 $0x3F800000, v21  }
0x135: {  	v11 =	vadd.f32 v12, v11;
	v21 =	vld.idx.msk [tilespmem:v18+s12+$0x0], $0xffff;
	v12 =	vmul.f32 $5.000000000e-01, v7;
	v26 =	vmul.f32 v15, v15  }
0x136: {  	v29 =	vld.idx.msk [tilespmem:v18+s14+$0x0], $0xffff;
	(erf) = vrcp.f32 v17;
	vm2 =	vgt.f32 v7, $1.414213540e+00  }
0x137: {  	v11 =	vadd.f32 v20, v11;
	v20 =	vld.idx.msk [tilespmem:v18+s16+$0x0], $0xffff;
	v7 =	vsel vm2, v12, v7;
	v17 =	vmul.f32 $2.857142980e-01, v26  }
0x138: {  	vm3 =	vmmov vm3;
	s7 =	simm.s32 $0x40;
	v30 =	vld.idx.msk [tilespmem:v18+s18+$0x0], $0xffff;
	v18 =	vadd.f32 $1.000000000e+00, v7  }
0x139: {  	v12 =	vadd.f32 v25, v11;
	v11 =	vor.u32 s7, v4;
	v17 =	vadd.f32 $4.000000060e-01, v17  }
0x13a: {  	v31 =	vshll.u32 v11, $0x4;
	v23 =	vand.u32 $0xFFFFFFF8, v16;
	(erf) = vrcp.f32 v18  }
0x13b: {  	v16 =	vand.u32 $0x7, v16;
	v18 =	vadd.s32 v31, v23;
	v61 =	vmul.f32 v17, v26  }
0x13c: {  	v22 =	vshrl.u32 v22, $0x17;
	v62 =	vsel vm3, $0x1, v5;
	v23 =	vor.u32 v16, v18  }
0x13d: {  	v18 =	vmul.f32 v29, v25;
	v17 =	vmul.f32 v21, v25;
	v16 =	vadd.f32 $6.666666860e-01, v61  }
0x13e: {  	v22 =	vadd.s32 v62, v22;
	v21 =	vmul.f32 v20, v25;
	v20 =	vmul.f32 v30, v25;
	v25 =	vpop (erf)  }
0x13f: {  	v27 =	vmin.f32 v27, v28;
	v19 =	vmin.f32 v19, v24;
	v63 =	vpop (erf);
	v16 =	vmul.f32 v16, v26  }
0x140: {  	v24 =	vmul.f32 v25, v27;
	v26 =	vmul.f32 v63, v19;
	v19 =	vadd.s32 $0xFFFFFF81, v22  }
0x141: {  	s7 =	simm.s32 $0x50;
	v25 =	vmax.f32 v17, v21;
	v19 =	vcvt.s32.f32 v19;
	v22 =	vadd.f32 $2.000000000e+00, v16  }
.LBB2_2:
0x142: {  	p1 =	sne.s32 s7, $0x70;
	v16 =	vmax.f32 v18, v20;
	s0 =	sadd.s32 $0x10, s0;
	v24 =	vadd.f32 v26, v24;
	v7 =	vadd.f32 $-1.000000000e+00, v7  }
0x143: {  	s2 =	sadd.s32 $0x10, s2;
	v25 =	vadd.f32 $9.999999970e-07, v25;
	v26 =	vld [tilespmem:s0+$0x0];
	v27 =	vpop (erf);
	v22 =	vmul.f32 v22, v15;
	v19 =	vmul.f32 $6.931471820e-01, v19  }
0x144: {  	v16 =	vadd.f32 $9.999999970e-07, v16;
	v28 =	vld [tilespmem:s2+$0x0];
	v29 =	vand.u32 $0x7FFFFF, v24;
	v15 =	vmul.f32 v27, v7  }
0x145: {  	v27 =	vld.idx.msk [tilespmem:v23+s12+$0x0], $0xffff;
	(erf) = vrcp.f32 v25;
	v7 =	vor.u32 $0x3F800000, v29;
	v19 =	vadd.f32 v22, v19  }
0x146: {  	vm3 =	vmmov vm2;
	v22 =	vld.idx.msk [tilespmem:v23+s14+$0x0], $0xffff;
	v25 =	vmul.f32 $5.000000000e-01, v7;
	v29 =	vmul.f32 v15, v15  }
0x147: {  	vm2 =	vgt.f32 v7, $1.414213540e+00;
	v30 =	vld.idx.msk [tilespmem:v23+s16+$0x0], $0xffff;
	(erf) = vrcp.f32 v16;
	v16 =	vsub.f32 $0.0e+00, v19  }
0x148: {  	vm4 =	vlt.u32 v6, $0x1F4;
	v6 =	vmovc v8;
	v8 =	vmovc v10;
	v19 =	vld.idx.msk [tilespmem:v23+s18+$0x0], $0xffff;
	v7 =	vsel vm2, v25, v7;
	v23 =	vmul.f32 $2.857142980e-01, v29  }
0x149: {  	v10 =	vmovc v9;
	v9 =	vmovc v11;
	v12 =	vadd.f32 v26, v12;
	v25 =	vadd.f32 $1.000000000e+00, v7;
	v16 =	vnsel vm4, $0x0, v16  }
0x14a: {  	v11 =	vor.u32 s7, v4;
	v23 =	vadd.f32 $4.000000060e-01, v23;
	v13 =	vadd.f32 v16, v13  }
0x14b: {  	v31 =	vshll.u32 v11, $0x4;
	v16 =	vand.u32 $0xFFFFFFF8, v28;
	(erf) = vrcp.f32 v25  }
0x14c: {  	v25 =	vand.u32 $0x7, v28;
	v16 =	vadd.s32 v31, v16;
	v28 =	vmul.f32 v23, v29  }
0x14d: {  	v22 =	vmul.f32 v22, v26;
	v23 =	vor.u32 v25, v16;
	v16 =	vmul.f32 v27, v26  }
.Ltmp2:
0x14e: {  	v25 =	vmul.f32 v30, v26;
	v27 =	vmul.f32 v19, v26;
	v19 =	vpop (erf);
	v26 =	vadd.f32 $6.666666860e-01, v28;
	(pc) =	sbr.rel @p1 .LBB2_2-.Ltmp2, $4  }
0x14f: {  	v31 =	vmin.f32 v17, v21;
	v30 =	vsel vm3, $0x1, v5;
	v28 =	vshrl.u32 v14, $0x17;
	v14 =	vmovc v24;
	v17 =	vmovc v16  }
0x150: {  	v16 =	vmin.f32 v18, v20;
	v30 =	vadd.s32 v30, v28;
	v18 =	vpop (erf);
	v28 =	vmul.f32 v26, v29  }
0x151: {  	v21 =	vmovc v25;
	v24 =	vmul.f32 v19, v31;
	v26 =	vmul.f32 v18, v16;
	v16 =	vadd.s32 $0xFFFFFF81, v30;
	v18 =	vmovc v22  }
0x152: {  	s7 =	sadd.s32 $0x10, s7;
	v25 =	vmax.f32 v17, v21;
	v20 =	vmovc v27;
	v19 =	vcvt.s32.f32 v16;
	v22 =	vadd.f32 $2.000000000e+00, v28  }
0x153: {  	_ =	sdelay $0x3  }
0x154: {  	v27 =	vld.idx.msk [tilespmem:v23+s12+$0x0], $0xffff  }
0x155: {  	v28 =	vld.idx.msk [tilespmem:v23+s14+$0x0], $0xffff  }
0x156: {  	s0 =	sadd.s32 $0x10, s0;
	v24 =	vadd.f32 v26, v24;
	v26 =	vld.idx.msk [tilespmem:v23+s16+$0x0], $0xffff  }
0x157: {  	v16 =	vld [tilespmem:s0+$0x0]  }
0x158: {  	v23 =	vld.idx.msk [tilespmem:v23+s18+$0x0], $0xffff  }
0x159: {  	v29 =	vand.u32 $0x7FFFFF, v24  }
0x15a: {  	v30 =	vmax.f32 v18, v20;
	v29 =	vor.u32 $0x3F800000, v29  }
0x15b: {  	v25 =	vadd.f32 $9.999999970e-07, v25;
	v30 =	vadd.f32 $9.999999970e-07, v30;
	v31 =	vmul.f32 $5.000000000e-01, v29  }
0x15c: {  	vm4 =	vgt.f32 v29, $1.414213540e+00;
	v27 =	vmul.f32 v27, v16;
	v26 =	vmul.f32 v26, v16  }
0x15d: {  	v29 =	vsel vm4, v31, v29;
	v28 =	vmul.f32 v28, v16;
	v23 =	vmul.f32 v23, v16  }
0x15e: {  	(erf) = vrcp.f32 v25;
	v25 =	vadd.f32 $1.000000000e+00, v29;
	v53 =	vmax.f32 v27, v26  }
0x15f: {  	(erf) = vrcp.f32 v30;
	v54 =	vmax.f32 v28, v23;
	v31 =	vadd.f32 $9.999999970e-07, v53  }
0x160: {  	(erf) = vrcp.f32 v25;
	v25 =	vadd.f32 $9.999999970e-07, v54  }
0x161: {  	(erf) = vrcp.f32 v31  }
0x162: {  	(erf) = vrcp.f32 v25;
	_ =	sdelay $0x3  }
0x163: {  	v25 =	vpop (erf)  }
0x164: {  	v55 =	vpop (erf)  }
0x165: {  	v56 =	vpop (erf)  }
0x166: {  	v17 =	vmin.f32 v17, v21;
	v21 =	vpop (erf)  }
0x167: {  	v18 =	vmin.f32 v18, v20;
	v26 =	vmin.f32 v27, v26;
	v20 =	vpop (erf)  }
0x168: {  	v23 =	vmin.f32 v28, v23;
	v17 =	vmul.f32 v55, v17;
	v18 =	vmul.f32 v56, v18;
	v27 =	vpop (erf)  }
0x169: {  	v20 =	vmul.f32 v20, v26;
	v23 =	vmul.f32 v27, v23  }
0x16a: {  	v26 =	vadd.f32 v18, v17  }
0x16b: {  	v18 =	vadd.f32 v23, v20  }
0x16c: {  	v17 =	vand.u32 $0x7FFFFF, v26  }
0x16d: {  	v17 =	vor.u32 $0x3F800000, v17;
	v20 =	vand.u32 $0x7FFFFF, v18  }
0x16e: {  	v23 =	vmul.f32 $5.000000000e-01, v17;
	v20 =	vor.u32 $0x3F800000, v20  }
0x16f: {  	vm5 =	vgt.f32 v17, $1.414213540e+00;
	v27 =	vmul.f32 $5.000000000e-01, v20  }
0x170: {  	v17 =	vsel vm5, v23, v17;
	vm3 =	vgt.f32 v20, $1.414213540e+00  }
0x171: {  	v23 =	vadd.f32 $1.000000000e+00, v17;
	v20 =	vsel vm3, v27, v20  }
0x172: {  	v27 =	vadd.f32 $1.000000000e+00, v20  }
0x173: {  	(erf) = vrcp.f32 v23  }
0x174: {  	(erf) = vrcp.f32 v27;
	_ =	sdelay $0x7  }
0x175: {  	v23 =	vpop (erf)  }
0x176: {  	v27 =	vpop (erf)  }
0x177: {  	_ =	swait.ge [sflag:s25], $0x800  }
0x178: {  	[sflag:s25] =	ssyncset.done $0x0  }
0x179: {  	[sflag:s25] =	ssyncadd.s32 $0xFFFFF800  }
0x17a: {  	_ =	swait.ge [sflag:s25], $0x800  }
0x17b: {  	v7 =	vadd.f32 $-1.000000000e+00, v7;
	[sflag:s25] =	ssyncset.done $0x0  }
0x17c: {  	[sflag:s25] =	ssyncadd.s32 $0xFFFFF800  }
0x17d: {  	v25 =	vmul.f32 v25, v7;
	_ =	swait.ge [sflag:s25], $0x800  }
0x17e: {  	[sflag:s25] =	ssyncset.done $0x0  }
0x17f: {  	v57 =	vmul.f32 v25, v25;
	[sflag:s25] =	ssyncadd.s32 $0xFFFFF800  }
0x180: {  	_ =	swait.ge [sflag:s25], $0x800  }
0x181: {  	v7 =	vmul.f32 $2.857142980e-01, v57;
	[sflag:s25] =	ssyncset.done $0x0  }
0x182: {  	s7 =	simm.s32 $0x480;
	[sflag:s25] =	ssyncadd.s32 $0xFFFFF800  }
0x183: {  	v7 =	vadd.f32 $4.000000060e-01, v7;
	v58 =	vld [tilespmem:s7+$0x0]  }
0x184: {  	v29 =	vadd.f32 $-1.000000000e+00, v29  }
0x185: {  	v7 =	vmul.f32 v7, v57  }
0x186: {  	vm2 =	vmmov vm2;
	s2 =	simm.s32 $0x80;
	v14 =	vshrl.u32 v14, $0x17;
	v21 =	vmul.f32 v21, v29  }
0x187: {  	v59 =	vadd.f32 $6.666666860e-01, v7;
	v7 =	vor.u32 s2, v4;
	v17 =	vadd.f32 $-1.000000000e+00, v17  }
0x188: {  	v62 =	vmul.f32 v21, v21;
	v32 =	vshll.u32 v7, $0x4;
	v60 =	vand.u32 $0xFFFFFFF8, v58  }
0x189: {  	v23 =	vmul.f32 v23, v17;
	v17 =	vand.u32 $0x7, v58;
	v29 =	vadd.s32 v32, v60  }
0x18a: {  	v15 =	vmul.f32 v22, v15;
	v36 =	vmul.f32 $2.857142980e-01, v62;
	v29 =	vor.u32 v17, v29  }
0x18b: {  	v61 =	vsel vm2, $0x1, v5;
	v19 =	vmul.f32 $6.931471820e-01, v19;
	v63 =	vmul.f32 v23, v23  }
0x18c: {  	v14 =	vadd.s32 v61, v14;
	s2 =	simm.s32 $0x490;
	v22 =	vadd.f32 $4.000000060e-01, v36;
	v17 =	vmul.f32 v59, v57  }
0x18d: {  	v14 =	vadd.s32 $0xFFFFFF81, v14;
	v15 =	vadd.f32 v15, v19;
	v33 =	vmul.f32 $2.857142980e-01, v63;
	s7 =	simm.s32 $0x280;
	v37 =	vld [tilespmem:s2+$0x0]  }
0x18e: {  	v14 =	vcvt.s32.f32 v14;
	v22 =	vmul.f32 v22, v62;
	v31 =	vadd.f32 $2.000000000e+00, v17;
	v17 =	vld [tilespmem:s7+$0x0]  }
0x18f: {  	vm2 =	vmmov vm4;
	v15 =	vsub.f32 $0.0e+00, v15;
	v38 =	vadd.f32 $4.000000060e-01, v33;
	v39 =	vld.idx.msk [tilespmem:v29+s12+$0x0], $0xffff  }
0x190: {  	v14 =	vmul.f32 $6.931471820e-01, v14;
	v22 =	vadd.f32 $6.666666860e-01, v22;
	v25 =	vmul.f32 v31, v25;
	v34 =	vld.idx.msk [tilespmem:v29+s14+$0x0], $0xffff  }
0x191: {  	v26 =	vshrl.u32 v26, $0x17;
	vm3 =	vmmov vm3;
	v19 =	vmul.f32 v38, v63;
	v40 =	vld.idx.msk [tilespmem:v29+s16+$0x0], $0xffff  }
0x192: {  	v22 =	vmul.f32 v22, v62;
	v29 =	vld.idx.msk [tilespmem:v29+s18+$0x0], $0xffff;
	v14 =	vadd.f32 v25, v14;
	v25 =	vsel vm2, $0x1, v5  }
0x193: {  	vm2 =	vlt.u32 v6, $0x1F4;
	v6 =	vadd.f32 $6.666666860e-01, v19;
	v19 =	vadd.f32 $-1.000000000e+00, v20  }
0x194: {  	v22 =	vadd.f32 $2.000000000e+00, v22;
	v41 =	vand.u32 $0xFFFFFFF8, v37;
	v20 =	vshrl.u32 v24, $0x17  }
0x195: {  	v30 =	vand.u32 $0x7, v37;
	v20 =	vadd.s32 v25, v20;
	v19 =	vmul.f32 v27, v19  }
0x196: {  	v15 =	vnsel vm2, $0x0, v15;
	v25 =	vmul.f32 v39, v17;
	v27 =	vmul.f32 v40, v17  }
0x197: {  	s7 =	simm.s32 $0x90;
	vm2 =	vmmov vm5;
	v42 =	vmul.f32 v34, v17;
	v29 =	vmul.f32 v29, v17  }
0x198: {  	v24 =	vmul.f32 v6, v63;
	v6 =	vor.u32 s7, v4;
	v33 =	vmax.f32 v25, v27  }
0x199: {  	v43 =	vshll.u32 v6, $0x4;
	v44 =	vmax.f32 v42, v29;
	v33 =	vadd.f32 $9.999999970e-07, v33  }
0x19a: {  	v20 =	vadd.s32 $0xFFFFFF81, v20;
	v28 =	vadd.s32 v43, v41;
	v45 =	vadd.f32 $9.999999970e-07, v44  }
0x19b: {  	v46 =	vmul.f32 v19, v19;
	v28 =	vor.u32 v30, v28;
	(erf) = vrcp.f32 v33  }
0x19c: {  	v47 =	vsel vm2, $0x1, v5;
	v20 =	vcvt.s32.f32 v20;
	(erf) = vrcp.f32 v45  }
0x19d: {  	v21 =	vmul.f32 v22, v21;
	s2 =	simm.s32 $0x290;
	v22 =	vadd.s32 v47, v26;
	v26 =	vmul.f32 $2.857142980e-01, v46  }
0x19e: {  	v48 =	vld [tilespmem:s2+$0x0];
	s7 =	simm.s32 $0x4A0;
	v22 =	vadd.s32 $0xFFFFFF81, v22;
	v24 =	vadd.f32 $2.000000000e+00, v24;
	v20 =	vmul.f32 $6.931471820e-01, v20  }
0x19f: {  	v13 =	vadd.f32 v15, v13;
	v15 =	vcvt.s32.f32 v22;
	v22 =	vadd.f32 $4.000000060e-01, v26;
	v26 =	vld [tilespmem:s7+$0x0]  }
0x1a0: {  	v14 =	vsub.f32 $0.0e+00, v14;
	v20 =	vadd.f32 v21, v20;
	v21 =	vmul.f32 v24, v23;
	v23 =	vld.idx.msk [tilespmem:v28+s12+$0x0], $0xffff  }
0x1a1: {  	vm2 =	vlt.u32 v8, $0x1F4;
	v8 =	vmul.f32 $6.931471820e-01, v15;
	v15 =	vmul.f32 v22, v46;
	v22 =	vld.idx.msk [tilespmem:v28+s14+$0x0], $0xffff  }
0x1a2: {  	v18 =	vshrl.u32 v18, $0x17;
	v54 =	vsel vm3, $0x1, v5;
	v24 =	vld.idx.msk [tilespmem:v28+s16+$0x0], $0xffff  }
0x1a3: {  	v18 =	vadd.s32 v54, v18;
	s2 =	simm.s32 $0xA0;
	v14 =	vnsel vm2, $0x0, v14;
	v8 =	vadd.f32 v21, v8;
	v21 =	vld.idx.msk [tilespmem:v28+s18+$0x0], $0xffff  }
0x1a4: {  	vm2 =	vlt.u32 v10, $0x1F4;
	v10 =	vor.u32 s2, v4;
	v25 =	vmin.f32 v25, v27;
	v27 =	vpop (erf)  }
0x1a5: {  	v51 =	vshll.u32 v10, $0x4;
	v49 =	vmin.f32 v42, v29;
	v25 =	vmul.f32 v27, v25;
	v27 =	vpop (erf)  }
0x1a6: {  	v15 =	vadd.f32 $6.666666860e-01, v15;
	v50 =	vand.u32 $0xFFFFFFF8, v26;
	v27 =	vmul.f32 v27, v49  }
0x1a7: {  	v26 =	vand.u32 $0x7, v26;
	v23 =	vmul.f32 v23, v48;
	v24 =	vmul.f32 v24, v48  }
0x1a8: {  	v22 =	vmul.f32 v22, v48;
	v21 =	vmul.f32 v21, v48;
	v25 =	vadd.f32 v27, v25  }
0x1a9: {  	v28 =	vadd.s32 v51, v50;
	v15 =	vmul.f32 v15, v46;
	v27 =	vmax.f32 v23, v24  }
0x1aa: {  	v52 =	vmax.f32 v22, v21;
	v27 =	vadd.f32 $9.999999970e-07, v27;
	v53 =	vand.u32 $0x7FFFFF, v25  }
0x1ab: {  	v26 =	vor.u32 v26, v28;
	v28 =	vadd.f32 $9.999999970e-07, v52;
	v29 =	vor.u32 $0x3F800000, v53  }
0x1ac: {  	v18 =	vadd.s32 $0xFFFFFF81, v18;
	(erf) = vrcp.f32 v27;
	v27 =	vmul.f32 $5.000000000e-01, v29  }
0x1ad: {  	s7 =	simm.s32 $0x2A0;
	v20 =	vsub.f32 $0.0e+00, v20;
	(erf) = vrcp.f32 v28;
	vm3 =	vgt.f32 v29, $1.414213540e+00  }
0x1ae: {  	v18 =	vcvt.s32.f32 v18;
	s2 =	simm.s32 $0x4B0;
	v55 =	vld [tilespmem:s7+$0x0];
	v15 =	vadd.f32 $2.000000000e+00, v15;
	v27 =	vsel vm3, v27, v29  }
0x1af: {  	v13 =	vadd.f32 v14, v13;
	v14 =	vnsel vm2, $0x0, v20;
	v20 =	vld [tilespmem:s2+$0x0];
	v29 =	vadd.f32 $1.000000000e+00, v27  }
0x1b0: {  	v18 =	vmul.f32 $6.931471820e-01, v18;
	v8 =	vsub.f32 $0.0e+00, v8;
	v15 =	vmul.f32 v15, v19;
	v19 =	vld.idx.msk [tilespmem:v26+s12+$0x0], $0xffff  }
0x1b1: {  	vm2 =	vlt.u32 v9, $0x1F4;
	v13 =	vadd.f32 v14, v13;
	v14 =	vld.idx.msk [tilespmem:v26+s16+$0x0], $0xffff;
	(erf) = vrcp.f32 v29  }
0x1b2: {  	v8 =	vnsel vm2, $0x0, v8;
	v9 =	vadd.f32 v15, v18  }
0x1b3: {  	v12 =	vadd.f32 v16, v12;
	s7 =	simm.s32 $0xB0;
	v13 =	vadd.f32 v8, v13;
	v8 =	vld.idx.msk [tilespmem:v26+s18+$0x0], $0xffff  }
0x1b4: {  	v21 =	vmin.f32 v22, v21;
	v15 =	vld.idx.msk [tilespmem:v26+s14+$0x0], $0xffff;
	v16 =	vsub.f32 $0.0e+00, v9;
	v9 =	vor.u32 s7, v4  }
0x1b5: {  	v18 =	vand.u32 $0xFFFFFFF8, v20;
	v20 =	vand.u32 $0x7, v20;
	v26 =	vshll.u32 v9, $0x4;
	v56 =	vpop (erf)  }
0x1b6: {  	v19 =	vmul.f32 v19, v55;
	v57 =	vmul.f32 v14, v55;
	v14 =	vmin.f32 v23, v24;
	v22 =	vpop (erf)  }
0x1b7: {  	v18 =	vadd.s32 v26, v18;
	v14 =	vmul.f32 v56, v14;
	v21 =	vmul.f32 v22, v21  }
0x1b8: {  	v18 =	vor.u32 v20, v18;
	v24 =	vmul.f32 v8, v55;
	v8 =	vmax.f32 v19, v57  }
0x1b9: {  	v22 =	vmul.f32 v15, v55;
	v15 =	vadd.f32 $-1.000000000e+00, v27;
	v14 =	vadd.f32 v21, v14  }
0x1ba: {  	s0 =	simm.s32 $0x2B0;
	vm2 =	vlt.u32 v11, $0x1F4;
	v11 =	vadd.f32 v17, v12;
	v8 =	vadd.f32 $9.999999970e-07, v8;
	v12 =	vpop (erf)  }
0x1bb: {  	s2 =	simm.s32 $0x4C0;
	v20 =	vld [tilespmem:s0+$0x0];
	v17 =	vmax.f32 v22, v24;
	v21 =	vand.u32 $0x7FFFFF, v14;
	v15 =	vmul.f32 v12, v15  }
0x1bc: {  	v23 =	vld [tilespmem:s2+$0x0];
	(erf) = vrcp.f32 v8;
	v12 =	vadd.f32 $9.999999970e-07, v17;
	v8 =	vor.u32 $0x3F800000, v21  }
0x1bd: {  	v11 =	vadd.f32 v48, v11;
	v58 =	vld.idx.msk [tilespmem:v18+s16+$0x0], $0xffff;
	v21 =	vmul.f32 $5.000000000e-01, v8;
	v26 =	vmul.f32 v15, v15  }
0x1be: {  	v16 =	vnsel vm2, $0x0, v16;
	v27 =	vld.idx.msk [tilespmem:v18+s14+$0x0], $0xffff;
	vm2 =	vgt.f32 v8, $1.414213540e+00;
	(erf) = vrcp.f32 v12  }
0x1bf: {  	v11 =	vadd.f32 v55, v11;
	v17 =	vld.idx.msk [tilespmem:v18+s12+$0x0], $0xffff;
	v8 =	vsel vm2, v21, v8;
	v21 =	vmul.f32 $2.857142980e-01, v26  }
0x1c0: {  	s7 =	simm.s32 $0xC0;
	v13 =	vadd.f32 v16, v13;
	vm3 =	vmmov vm3;
	v16 =	vld.idx.msk [tilespmem:v18+s18+$0x0], $0xffff;
	v18 =	vadd.f32 $1.000000000e+00, v8  }
0x1c1: {  	v12 =	vadd.f32 v20, v11;
	v11 =	vor.u32 s7, v4;
	v21 =	vadd.f32 $4.000000060e-01, v21  }
0x1c2: {  	v59 =	vand.u32 $0xFFFFFFF8, v23;
	v60 =	vshll.u32 v11, $0x4;
	(erf) = vrcp.f32 v18  }
0x1c3: {  	v18 =	vand.u32 $0x7, v23;
	v23 =	vadd.s32 v60, v59;
	v61 =	vmul.f32 v21, v26  }
0x1c4: {  	v17 =	vmul.f32 v17, v20;
	v23 =	vor.u32 v18, v23;
	v18 =	vmul.f32 v27, v20  }
0x1c5: {  	v21 =	vmul.f32 v58, v20;
	v20 =	vmul.f32 v16, v20;
	v16 =	vadd.f32 $6.666666860e-01, v61  }
0x1c6: {  	v25 =	vshrl.u32 v25, $0x17;
	v19 =	vmin.f32 v19, v57;
	v62 =	vsel vm3, $0x1, v5;
	v27 =	vpop (erf)  }
0x1c7: {  	v25 =	vadd.s32 v62, v25;
	v22 =	vmin.f32 v22, v24;
	v63 =	vpop (erf);
	v16 =	vmul.f32 v16, v26  }
0x1c8: {  	v24 =	vmul.f32 v27, v19;
	v19 =	vadd.s32 $0xFFFFFF81, v25;
	v26 =	vmul.f32 v63, v22  }
0x1c9: {  	s7 =	simm.s32 $0xD0;
	v19 =	vcvt.s32.f32 v19;
	v25 =	vmax.f32 v17, v21;
	v22 =	vadd.f32 $2.000000000e+00, v16  }
.LBB2_4:
0x1ca: {  	p1 =	sne.s32 s7, $0xF0;
	v16 =	vmax.f32 v18, v20;
	s0 =	sadd.s32 $0x10, s0;
	v24 =	vadd.f32 v26, v24;
	v8 =	vadd.f32 $-1.000000000e+00, v8  }
0x1cb: {  	s2 =	sadd.s32 $0x10, s2;
	v25 =	vadd.f32 $9.999999970e-07, v25;
	v26 =	vld [tilespmem:s0+$0x0];
	v27 =	vpop (erf);
	v22 =	vmul.f32 v22, v15;
	v19 =	vmul.f32 $6.931471820e-01, v19  }
0x1cc: {  	v16 =	vadd.f32 $9.999999970e-07, v16;
	v28 =	vld [tilespmem:s2+$0x0];
	v29 =	vand.u32 $0x7FFFFF, v24;
	v15 =	vmul.f32 v27, v8  }
0x1cd: {  	v27 =	vld.idx.msk [tilespmem:v23+s12+$0x0], $0xffff;
	(erf) = vrcp.f32 v25;
	v8 =	vor.u32 $0x3F800000, v29;
	v19 =	vadd.f32 v22, v19  }
0x1ce: {  	vm3 =	vmmov vm2;
	v22 =	vld.idx.msk [tilespmem:v23+s14+$0x0], $0xffff;
	v25 =	vmul.f32 $5.000000000e-01, v8;
	v29 =	vmul.f32 v15, v15  }
0x1cf: {  	vm2 =	vgt.f32 v8, $1.414213540e+00;
	v30 =	vld.idx.msk [tilespmem:v23+s16+$0x0], $0xffff;
	(erf) = vrcp.f32 v16;
	v16 =	vsub.f32 $0.0e+00, v19  }
0x1d0: {  	vm4 =	vlt.u32 v7, $0x1F4;
	v7 =	vmovc v6;
	v6 =	vmovc v10;
	v19 =	vld.idx.msk [tilespmem:v23+s18+$0x0], $0xffff;
	v8 =	vsel vm2, v25, v8;
	v23 =	vmul.f32 $2.857142980e-01, v29  }
0x1d1: {  	v10 =	vmovc v9;
	v9 =	vmovc v11;
	v12 =	vadd.f32 v26, v12;
	v25 =	vadd.f32 $1.000000000e+00, v8;
	v16 =	vnsel vm4, $0x0, v16  }
0x1d2: {  	v11 =	vor.u32 s7, v4;
	v23 =	vadd.f32 $4.000000060e-01, v23;
	v13 =	vadd.f32 v16, v13  }
0x1d3: {  	v31 =	vshll.u32 v11, $0x4;
	v16 =	vand.u32 $0xFFFFFFF8, v28;
	(erf) = vrcp.f32 v25  }
0x1d4: {  	v25 =	vand.u32 $0x7, v28;
	v16 =	vadd.s32 v31, v16;
	v28 =	vmul.f32 v23, v29  }
0x1d5: {  	v22 =	vmul.f32 v22, v26;
	v23 =	vor.u32 v25, v16;
	v16 =	vmul.f32 v27, v26  }
.Ltmp3:
0x1d6: {  	v25 =	vmul.f32 v30, v26;
	v27 =	vmul.f32 v19, v26;
	v19 =	vpop (erf);
	v26 =	vadd.f32 $6.666666860e-01, v28;
	(pc) =	sbr.rel @p1 .LBB2_4-.Ltmp3, $4  }
0x1d7: {  	v31 =	vmin.f32 v17, v21;
	v30 =	vsel vm3, $0x1, v5;
	v28 =	vshrl.u32 v14, $0x17;
	v14 =	vmovc v24;
	v17 =	vmovc v16  }
0x1d8: {  	v16 =	vmin.f32 v18, v20;
	v30 =	vadd.s32 v30, v28;
	v18 =	vpop (erf);
	v28 =	vmul.f32 v26, v29  }
0x1d9: {  	v21 =	vmovc v25;
	v24 =	vmul.f32 v19, v31;
	v26 =	vmul.f32 v18, v16;
	v16 =	vadd.s32 $0xFFFFFF81, v30;
	v18 =	vmovc v22  }
0x1da: {  	s7 =	sadd.s32 $0x10, s7;
	v25 =	vmax.f32 v17, v21;
	v20 =	vmovc v27;
	v19 =	vcvt.s32.f32 v16;
	v22 =	vadd.f32 $2.000000000e+00, v28  }
0x1db: {  	_ =	sdelay $0x3  }
0x1dc: {  	v27 =	vld.idx.msk [tilespmem:v23+s12+$0x0], $0xffff  }
0x1dd: {  	v28 =	vld.idx.msk [tilespmem:v23+s14+$0x0], $0xffff  }
0x1de: {  	s0 =	sadd.s32 $0x10, s0;
	v24 =	vadd.f32 v26, v24;
	v26 =	vld.idx.msk [tilespmem:v23+s16+$0x0], $0xffff  }
0x1df: {  	v16 =	vld [tilespmem:s0+$0x0]  }
0x1e0: {  	v23 =	vld.idx.msk [tilespmem:v23+s18+$0x0], $0xffff  }
0x1e1: {  	v29 =	vand.u32 $0x7FFFFF, v24  }
0x1e2: {  	v30 =	vmax.f32 v18, v20;
	v29 =	vor.u32 $0x3F800000, v29  }
0x1e3: {  	v25 =	vadd.f32 $9.999999970e-07, v25;
	v30 =	vadd.f32 $9.999999970e-07, v30;
	v31 =	vmul.f32 $5.000000000e-01, v29  }
0x1e4: {  	vm4 =	vgt.f32 v29, $1.414213540e+00;
	v27 =	vmul.f32 v27, v16;
	v26 =	vmul.f32 v26, v16  }
0x1e5: {  	v29 =	vsel vm4, v31, v29;
	v28 =	vmul.f32 v28, v16;
	v23 =	vmul.f32 v23, v16  }
0x1e6: {  	(erf) = vrcp.f32 v25;
	v25 =	vadd.f32 $1.000000000e+00, v29;
	v53 =	vmax.f32 v27, v26  }
0x1e7: {  	(erf) = vrcp.f32 v30;
	v54 =	vmax.f32 v28, v23;
	v31 =	vadd.f32 $9.999999970e-07, v53  }
0x1e8: {  	(erf) = vrcp.f32 v25;
	v25 =	vadd.f32 $9.999999970e-07, v54  }
0x1e9: {  	(erf) = vrcp.f32 v31  }
0x1ea: {  	(erf) = vrcp.f32 v25;
	_ =	sdelay $0x3  }
0x1eb: {  	v25 =	vpop (erf)  }
0x1ec: {  	v55 =	vpop (erf)  }
0x1ed: {  	v56 =	vpop (erf)  }
0x1ee: {  	v17 =	vmin.f32 v17, v21;
	v21 =	vpop (erf)  }
0x1ef: {  	v18 =	vmin.f32 v18, v20;
	v26 =	vmin.f32 v27, v26;
	v20 =	vpop (erf)  }
0x1f0: {  	v23 =	vmin.f32 v28, v23;
	v17 =	vmul.f32 v55, v17;
	v18 =	vmul.f32 v56, v18;
	v27 =	vpop (erf)  }
0x1f1: {  	v20 =	vmul.f32 v20, v26;
	v23 =	vmul.f32 v27, v23  }
0x1f2: {  	v26 =	vadd.f32 v18, v17  }
0x1f3: {  	v18 =	vadd.f32 v23, v20  }
0x1f4: {  	v17 =	vand.u32 $0x7FFFFF, v26  }
0x1f5: {  	v17 =	vor.u32 $0x3F800000, v17;
	v20 =	vand.u32 $0x7FFFFF, v18  }
0x1f6: {  	v23 =	vmul.f32 $5.000000000e-01, v17;
	v20 =	vor.u32 $0x3F800000, v20  }
0x1f7: {  	vm5 =	vgt.f32 v17, $1.414213540e+00;
	v27 =	vmul.f32 $5.000000000e-01, v20  }
0x1f8: {  	v17 =	vsel vm5, v23, v17;
	vm3 =	vgt.f32 v20, $1.414213540e+00  }
0x1f9: {  	v23 =	vadd.f32 $1.000000000e+00, v17;
	v20 =	vsel vm3, v27, v20  }
0x1fa: {  	v27 =	vadd.f32 $1.000000000e+00, v20  }
0x1fb: {  	(erf) = vrcp.f32 v23  }
0x1fc: {  	(erf) = vrcp.f32 v27;
	_ =	sdelay $0x7  }
0x1fd: {  	v23 =	vpop (erf)  }
0x1fe: {  	v27 =	vpop (erf)  }
0x1ff: {  	_ =	swait.ge [sflag:s26], $0x800  }
0x200: {  	[sflag:s26] =	ssyncset.done $0x0  }
0x201: {  	[sflag:s26] =	ssyncadd.s32 $0xFFFFF800  }
0x202: {  	_ =	swait.ge [sflag:s26], $0x800  }
0x203: {  	v8 =	vadd.f32 $-1.000000000e+00, v8;
	[sflag:s26] =	ssyncset.done $0x0  }
0x204: {  	[sflag:s26] =	ssyncadd.s32 $0xFFFFF800  }
0x205: {  	v25 =	vmul.f32 v25, v8;
	_ =	swait.ge [sflag:s26], $0x800  }
0x206: {  	[sflag:s26] =	ssyncset.done $0x0  }
0x207: {  	v57 =	vmul.f32 v25, v25;
	[sflag:s26] =	ssyncadd.s32 $0xFFFFF800  }
0x208: {  	_ =	swait.ge [sflag:s26], $0x800  }
0x209: {  	v8 =	vmul.f32 $2.857142980e-01, v57;
	[sflag:s26] =	ssyncset.done $0x0  }
0x20a: {  	s7 =	simm.s32 $0x500;
	[sflag:s26] =	ssyncadd.s32 $0xFFFFF800  }
0x20b: {  	v8 =	vadd.f32 $4.000000060e-01, v8;
	v58 =	vld [tilespmem:s7+$0x0]  }
0x20c: {  	v29 =	vadd.f32 $-1.000000000e+00, v29  }
0x20d: {  	v8 =	vmul.f32 v8, v57  }
0x20e: {  	vm2 =	vmmov vm2;
	s2 =	simm.s32 $0x100;
	v14 =	vshrl.u32 v14, $0x17;
	v21 =	vmul.f32 v21, v29  }
0x20f: {  	v59 =	vadd.f32 $6.666666860e-01, v8;
	v8 =	vor.u32 s2, v4;
	v17 =	vadd.f32 $-1.000000000e+00, v17  }
0x210: {  	v62 =	vmul.f32 v21, v21;
	v32 =	vshll.u32 v8, $0x4;
	v60 =	vand.u32 $0xFFFFFFF8, v58  }
0x211: {  	v23 =	vmul.f32 v23, v17;
	v17 =	vand.u32 $0x7, v58;
	v29 =	vadd.s32 v32, v60  }
0x212: {  	v15 =	vmul.f32 v22, v15;
	v36 =	vmul.f32 $2.857142980e-01, v62;
	v29 =	vor.u32 v17, v29  }
0x213: {  	v61 =	vsel vm2, $0x1, v5;
	v19 =	vmul.f32 $6.931471820e-01, v19;
	v63 =	vmul.f32 v23, v23  }
0x214: {  	v14 =	vadd.s32 v61, v14;
	s2 =	simm.s32 $0x510;
	v22 =	vadd.f32 $4.000000060e-01, v36;
	v17 =	vmul.f32 v59, v57  }
0x215: {  	v14 =	vadd.s32 $0xFFFFFF81, v14;
	v15 =	vadd.f32 v15, v19;
	v33 =	vmul.f32 $2.857142980e-01, v63;
	s7 =	simm.s32 $0x300;
	v37 =	vld [tilespmem:s2+$0x0]  }
0x216: {  	v14 =	vcvt.s32.f32 v14;
	v22 =	vmul.f32 v22, v62;
	v31 =	vadd.f32 $2.000000000e+00, v17;
	v17 =	vld [tilespmem:s7+$0x0]  }
0x217: {  	vm2 =	vmmov vm4;
	v15 =	vsub.f32 $0.0e+00, v15;
	v38 =	vadd.f32 $4.000000060e-01, v33;
	v39 =	vld.idx.msk [tilespmem:v29+s12+$0x0], $0xffff  }
0x218: {  	v14 =	vmul.f32 $6.931471820e-01, v14;
	v22 =	vadd.f32 $6.666666860e-01, v22;
	v25 =	vmul.f32 v31, v25;
	v34 =	vld.idx.msk [tilespmem:v29+s14+$0x0], $0xffff  }
0x219: {  	v26 =	vshrl.u32 v26, $0x17;
	vm3 =	vmmov vm3;
	v19 =	vmul.f32 v38, v63;
	v40 =	vld.idx.msk [tilespmem:v29+s16+$0x0], $0xffff  }
0x21a: {  	v22 =	vmul.f32 v22, v62;
	v29 =	vld.idx.msk [tilespmem:v29+s18+$0x0], $0xffff;
	v14 =	vadd.f32 v25, v14;
	v25 =	vsel vm2, $0x1, v5  }
0x21b: {  	vm2 =	vlt.u32 v7, $0x1F4;
	v7 =	vadd.f32 $6.666666860e-01, v19;
	v19 =	vadd.f32 $-1.000000000e+00, v20  }
0x21c: {  	v22 =	vadd.f32 $2.000000000e+00, v22;
	v41 =	vand.u32 $0xFFFFFFF8, v37;
	v20 =	vshrl.u32 v24, $0x17  }
0x21d: {  	v30 =	vand.u32 $0x7, v37;
	v20 =	vadd.s32 v25, v20;
	v19 =	vmul.f32 v27, v19  }
0x21e: {  	v15 =	vnsel vm2, $0x0, v15;
	v25 =	vmul.f32 v39, v17;
	v27 =	vmul.f32 v40, v17  }
0x21f: {  	s7 =	simm.s32 $0x110;
	vm2 =	vmmov vm5;
	v42 =	vmul.f32 v34, v17;
	v29 =	vmul.f32 v29, v17  }
0x220: {  	v24 =	vmul.f32 v7, v63;
	v7 =	vor.u32 s7, v4;
	v33 =	vmax.f32 v25, v27  }
0x221: {  	v43 =	vshll.u32 v7, $0x4;
	v44 =	vmax.f32 v42, v29;
	v33 =	vadd.f32 $9.999999970e-07, v33  }
0x222: {  	v20 =	vadd.s32 $0xFFFFFF81, v20;
	v28 =	vadd.s32 v43, v41;
	v45 =	vadd.f32 $9.999999970e-07, v44  }
0x223: {  	v46 =	vmul.f32 v19, v19;
	v28 =	vor.u32 v30, v28;
	(erf) = vrcp.f32 v33  }
0x224: {  	v47 =	vsel vm2, $0x1, v5;
	v20 =	vcvt.s32.f32 v20;
	(erf) = vrcp.f32 v45  }
0x225: {  	v21 =	vmul.f32 v22, v21;
	s2 =	simm.s32 $0x310;
	v22 =	vadd.s32 v47, v26;
	v26 =	vmul.f32 $2.857142980e-01, v46  }
0x226: {  	v48 =	vld [tilespmem:s2+$0x0];
	s7 =	simm.s32 $0x520;
	v22 =	vadd.s32 $0xFFFFFF81, v22;
	v24 =	vadd.f32 $2.000000000e+00, v24;
	v20 =	vmul.f32 $6.931471820e-01, v20  }
0x227: {  	v13 =	vadd.f32 v15, v13;
	v15 =	vcvt.s32.f32 v22;
	v22 =	vadd.f32 $4.000000060e-01, v26;
	v26 =	vld [tilespmem:s7+$0x0]  }
0x228: {  	v14 =	vsub.f32 $0.0e+00, v14;
	v20 =	vadd.f32 v21, v20;
	v21 =	vmul.f32 v24, v23;
	v23 =	vld.idx.msk [tilespmem:v28+s12+$0x0], $0xffff  }
0x229: {  	vm2 =	vlt.u32 v6, $0x1F4;
	v6 =	vmul.f32 $6.931471820e-01, v15;
	v15 =	vmul.f32 v22, v46;
	v22 =	vld.idx.msk [tilespmem:v28+s14+$0x0], $0xffff  }
0x22a: {  	v18 =	vshrl.u32 v18, $0x17;
	v54 =	vsel vm3, $0x1, v5;
	v24 =	vld.idx.msk [tilespmem:v28+s16+$0x0], $0xffff  }
0x22b: {  	v18 =	vadd.s32 v54, v18;
	s2 =	simm.s32 $0x120;
	v14 =	vnsel vm2, $0x0, v14;
	v6 =	vadd.f32 v21, v6;
	v21 =	vld.idx.msk [tilespmem:v28+s18+$0x0], $0xffff  }
0x22c: {  	vm2 =	vlt.u32 v10, $0x1F4;
	v10 =	vor.u32 s2, v4;
	v25 =	vmin.f32 v25, v27;
	v27 =	vpop (erf)  }
0x22d: {  	v51 =	vshll.u32 v10, $0x4;
	v49 =	vmin.f32 v42, v29;
	v25 =	vmul.f32 v27, v25;
	v27 =	vpop (erf)  }
0x22e: {  	v15 =	vadd.f32 $6.666666860e-01, v15;
	v50 =	vand.u32 $0xFFFFFFF8, v26;
	v27 =	vmul.f32 v27, v49  }
0x22f: {  	v26 =	vand.u32 $0x7, v26;
	v23 =	vmul.f32 v23, v48;
	v24 =	vmul.f32 v24, v48  }
0x230: {  	v22 =	vmul.f32 v22, v48;
	v21 =	vmul.f32 v21, v48;
	v25 =	vadd.f32 v27, v25  }
0x231: {  	v28 =	vadd.s32 v51, v50;
	v15 =	vmul.f32 v15, v46;
	v27 =	vmax.f32 v23, v24  }
0x232: {  	v52 =	vmax.f32 v22, v21;
	v27 =	vadd.f32 $9.999999970e-07, v27;
	v53 =	vand.u32 $0x7FFFFF, v25  }
0x233: {  	v26 =	vor.u32 v26, v28;
	v28 =	vadd.f32 $9.999999970e-07, v52;
	v29 =	vor.u32 $0x3F800000, v53  }
0x234: {  	v18 =	vadd.s32 $0xFFFFFF81, v18;
	(erf) = vrcp.f32 v27;
	v27 =	vmul.f32 $5.000000000e-01, v29  }
0x235: {  	s7 =	simm.s32 $0x320;
	v20 =	vsub.f32 $0.0e+00, v20;
	(erf) = vrcp.f32 v28;
	vm3 =	vgt.f32 v29, $1.414213540e+00  }
0x236: {  	v18 =	vcvt.s32.f32 v18;
	s2 =	simm.s32 $0x530;
	v55 =	vld [tilespmem:s7+$0x0];
	v15 =	vadd.f32 $2.000000000e+00, v15;
	v27 =	vsel vm3, v27, v29  }
0x237: {  	v13 =	vadd.f32 v14, v13;
	v14 =	vnsel vm2, $0x0, v20;
	v20 =	vld [tilespmem:s2+$0x0];
	v29 =	vadd.f32 $1.000000000e+00, v27  }
0x238: {  	v18 =	vmul.f32 $6.931471820e-01, v18;
	v6 =	vsub.f32 $0.0e+00, v6;
	v15 =	vmul.f32 v15, v19;
	v19 =	vld.idx.msk [tilespmem:v26+s12+$0x0], $0xffff  }
0x239: {  	vm2 =	vlt.u32 v9, $0x1F4;
	v13 =	vadd.f32 v14, v13;
	v14 =	vld.idx.msk [tilespmem:v26+s16+$0x0], $0xffff;
	(erf) = vrcp.f32 v29  }
0x23a: {  	v6 =	vnsel vm2, $0x0, v6;
	v9 =	vadd.f32 v15, v18  }
0x23b: {  	v12 =	vadd.f32 v16, v12;
	s7 =	simm.s32 $0x130;
	v13 =	vadd.f32 v6, v13;
	v6 =	vld.idx.msk [tilespmem:v26+s18+$0x0], $0xffff  }
0x23c: {  	v21 =	vmin.f32 v22, v21;
	v15 =	vld.idx.msk [tilespmem:v26+s14+$0x0], $0xffff;
	v16 =	vsub.f32 $0.0e+00, v9;
	v9 =	vor.u32 s7, v4  }
0x23d: {  	v18 =	vand.u32 $0xFFFFFFF8, v20;
	v20 =	vand.u32 $0x7, v20;
	v26 =	vshll.u32 v9, $0x4;
	v56 =	vpop (erf)  }
0x23e: {  	v19 =	vmul.f32 v19, v55;
	v57 =	vmul.f32 v14, v55;
	v14 =	vmin.f32 v23, v24;
	v22 =	vpop (erf)  }
0x23f: {  	v18 =	vadd.s32 v26, v18;
	v14 =	vmul.f32 v56, v14;
	v21 =	vmul.f32 v22, v21  }
0x240: {  	v18 =	vor.u32 v20, v18;
	v24 =	vmul.f32 v6, v55;
	v6 =	vmax.f32 v19, v57  }
0x241: {  	v22 =	vmul.f32 v15, v55;
	v15 =	vadd.f32 $-1.000000000e+00, v27;
	v14 =	vadd.f32 v21, v14  }
0x242: {  	s0 =	simm.s32 $0x330;
	vm2 =	vlt.u32 v11, $0x1F4;
	v11 =	vadd.f32 v17, v12;
	v6 =	vadd.f32 $9.999999970e-07, v6;
	v12 =	vpop (erf)  }
0x243: {  	s2 =	simm.s32 $0x540;
	v20 =	vld [tilespmem:s0+$0x0];
	v17 =	vmax.f32 v22, v24;
	v21 =	vand.u32 $0x7FFFFF, v14;
	v15 =	vmul.f32 v12, v15  }
0x244: {  	v23 =	vld [tilespmem:s2+$0x0];
	(erf) = vrcp.f32 v6;
	v12 =	vadd.f32 $9.999999970e-07, v17;
	v6 =	vor.u32 $0x3F800000, v21  }
0x245: {  	v11 =	vadd.f32 v48, v11;
	v58 =	vld.idx.msk [tilespmem:v18+s16+$0x0], $0xffff;
	v21 =	vmul.f32 $5.000000000e-01, v6;
	v26 =	vmul.f32 v15, v15  }
0x246: {  	v16 =	vnsel vm2, $0x0, v16;
	v27 =	vld.idx.msk [tilespmem:v18+s14+$0x0], $0xffff;
	vm2 =	vgt.f32 v6, $1.414213540e+00;
	(erf) = vrcp.f32 v12  }
0x247: {  	v11 =	vadd.f32 v55, v11;
	v17 =	vld.idx.msk [tilespmem:v18+s12+$0x0], $0xffff;
	v6 =	vsel vm2, v21, v6;
	v21 =	vmul.f32 $2.857142980e-01, v26  }
0x248: {  	s7 =	simm.s32 $0x140;
	v13 =	vadd.f32 v16, v13;
	vm3 =	vmmov vm3;
	v16 =	vld.idx.msk [tilespmem:v18+s18+$0x0], $0xffff;
	v18 =	vadd.f32 $1.000000000e+00, v6  }
0x249: {  	v12 =	vadd.f32 v20, v11;
	v11 =	vor.u32 s7, v4;
	v21 =	vadd.f32 $4.000000060e-01, v21  }
0x24a: {  	v59 =	vand.u32 $0xFFFFFFF8, v23;
	v60 =	vshll.u32 v11, $0x4;
	(erf) = vrcp.f32 v18  }
0x24b: {  	v18 =	vand.u32 $0x7, v23;
	v23 =	vadd.s32 v60, v59;
	v61 =	vmul.f32 v21, v26  }
0x24c: {  	v17 =	vmul.f32 v17, v20;
	v23 =	vor.u32 v18, v23;
	v18 =	vmul.f32 v27, v20  }
0x24d: {  	v21 =	vmul.f32 v58, v20;
	v20 =	vmul.f32 v16, v20;
	v16 =	vadd.f32 $6.666666860e-01, v61  }
0x24e: {  	v25 =	vshrl.u32 v25, $0x17;
	v19 =	vmin.f32 v19, v57;
	v62 =	vsel vm3, $0x1, v5;
	v27 =	vpop (erf)  }
0x24f: {  	v25 =	vadd.s32 v62, v25;
	v22 =	vmin.f32 v22, v24;
	v63 =	vpop (erf);
	v16 =	vmul.f32 v16, v26  }
0x250: {  	v24 =	vmul.f32 v27, v19;
	v19 =	vadd.s32 $0xFFFFFF81, v25;
	v26 =	vmul.f32 v63, v22  }
0x251: {  	s7 =	simm.s32 $0x150;
	v19 =	vcvt.s32.f32 v19;
	v25 =	vmax.f32 v17, v21;
	v22 =	vadd.f32 $2.000000000e+00, v16  }
.LBB2_6:
0x252: {  	p1 =	sne.s32 s7, $0x170;
	v16 =	vmax.f32 v18, v20;
	s0 =	sadd.s32 $0x10, s0;
	v24 =	vadd.f32 v26, v24;
	v6 =	vadd.f32 $-1.000000000e+00, v6  }
0x253: {  	s2 =	sadd.s32 $0x10, s2;
	v25 =	vadd.f32 $9.999999970e-07, v25;
	v26 =	vld [tilespmem:s0+$0x0];
	v27 =	vpop (erf);
	v22 =	vmul.f32 v22, v15;
	v19 =	vmul.f32 $6.931471820e-01, v19  }
0x254: {  	v16 =	vadd.f32 $9.999999970e-07, v16;
	v28 =	vld [tilespmem:s2+$0x0];
	v29 =	vand.u32 $0x7FFFFF, v24;
	v15 =	vmul.f32 v27, v6  }
0x255: {  	v27 =	vld.idx.msk [tilespmem:v23+s12+$0x0], $0xffff;
	(erf) = vrcp.f32 v25;
	v6 =	vor.u32 $0x3F800000, v29;
	v19 =	vadd.f32 v22, v19  }
0x256: {  	vm3 =	vmmov vm2;
	v22 =	vld.idx.msk [tilespmem:v23+s14+$0x0], $0xffff;
	v25 =	vmul.f32 $5.000000000e-01, v6;
	v29 =	vmul.f32 v15, v15  }
0x257: {  	vm2 =	vgt.f32 v6, $1.414213540e+00;
	v30 =	vld.idx.msk [tilespmem:v23+s16+$0x0], $0xffff;
	(erf) = vrcp.f32 v16;
	v16 =	vsub.f32 $0.0e+00, v19  }
0x258: {  	vm4 =	vlt.u32 v8, $0x1F4;
	v8 =	vmovc v7;
	v7 =	vmovc v10;
	v19 =	vld.idx.msk [tilespmem:v23+s18+$0x0], $0xffff;
	v6 =	vsel vm2, v25, v6;
	v23 =	vmul.f32 $2.857142980e-01, v29  }
0x259: {  	v10 =	vmovc v9;
	v9 =	vmovc v11;
	v12 =	vadd.f32 v26, v12;
	v25 =	vadd.f32 $1.000000000e+00, v6;
	v16 =	vnsel vm4, $0x0, v16  }
0x25a: {  	v11 =	vor.u32 s7, v4;
	v23 =	vadd.f32 $4.000000060e-01, v23;
	v13 =	vadd.f32 v16, v13  }
0x25b: {  	v31 =	vshll.u32 v11, $0x4;
	v16 =	vand.u32 $0xFFFFFFF8, v28;
	(erf) = vrcp.f32 v25  }
0x25c: {  	v25 =	vand.u32 $0x7, v28;
	v16 =	vadd.s32 v31, v16;
	v28 =	vmul.f32 v23, v29  }
0x25d: {  	v22 =	vmul.f32 v22, v26;
	v23 =	vor.u32 v25, v16;
	v16 =	vmul.f32 v27, v26  }
.Ltmp4:
0x25e: {  	v25 =	vmul.f32 v30, v26;
	v27 =	vmul.f32 v19, v26;
	v19 =	vpop (erf);
	v26 =	vadd.f32 $6.666666860e-01, v28;
	(pc) =	sbr.rel @p1 .LBB2_6-.Ltmp4, $4  }
0x25f: {  	v31 =	vmin.f32 v17, v21;
	v30 =	vsel vm3, $0x1, v5;
	v28 =	vshrl.u32 v14, $0x17;
	v14 =	vmovc v24;
	v17 =	vmovc v16  }
0x260: {  	v16 =	vmin.f32 v18, v20;
	v30 =	vadd.s32 v30, v28;
	v18 =	vpop (erf);
	v28 =	vmul.f32 v26, v29  }
0x261: {  	v21 =	vmovc v25;
	v24 =	vmul.f32 v19, v31;
	v26 =	vmul.f32 v18, v16;
	v16 =	vadd.s32 $0xFFFFFF81, v30;
	v18 =	vmovc v22  }
0x262: {  	s7 =	sadd.s32 $0x10, s7;
	v25 =	vmax.f32 v17, v21;
	v20 =	vmovc v27;
	v19 =	vcvt.s32.f32 v16;
	v22 =	vadd.f32 $2.000000000e+00, v28  }
0x263: {  	_ =	sdelay $0x3  }
0x264: {  	v27 =	vld.idx.msk [tilespmem:v23+s12+$0x0], $0xffff  }
0x265: {  	v28 =	vld.idx.msk [tilespmem:v23+s14+$0x0], $0xffff  }
0x266: {  	s0 =	sadd.s32 $0x10, s0;
	v24 =	vadd.f32 v26, v24;
	v26 =	vld.idx.msk [tilespmem:v23+s16+$0x0], $0xffff  }
0x267: {  	v16 =	vld [tilespmem:s0+$0x0]  }
0x268: {  	v23 =	vld.idx.msk [tilespmem:v23+s18+$0x0], $0xffff  }
0x269: {  	v29 =	vand.u32 $0x7FFFFF, v24  }
0x26a: {  	v30 =	vmax.f32 v18, v20;
	v29 =	vor.u32 $0x3F800000, v29  }
0x26b: {  	v25 =	vadd.f32 $9.999999970e-07, v25;
	v30 =	vadd.f32 $9.999999970e-07, v30;
	v31 =	vmul.f32 $5.000000000e-01, v29  }
0x26c: {  	vm4 =	vgt.f32 v29, $1.414213540e+00;
	v27 =	vmul.f32 v27, v16;
	v26 =	vmul.f32 v26, v16  }
0x26d: {  	v29 =	vsel vm4, v31, v29;
	v28 =	vmul.f32 v28, v16;
	v23 =	vmul.f32 v23, v16  }
0x26e: {  	(erf) = vrcp.f32 v25;
	v25 =	vadd.f32 $1.000000000e+00, v29;
	v52 =	vmax.f32 v27, v26  }
0x26f: {  	(erf) = vrcp.f32 v30;
	v53 =	vmax.f32 v28, v23;
	v31 =	vadd.f32 $9.999999970e-07, v52  }
0x270: {  	(erf) = vrcp.f32 v25;
	v25 =	vadd.f32 $9.999999970e-07, v53  }
0x271: {  	(erf) = vrcp.f32 v31  }
0x272: {  	(erf) = vrcp.f32 v25;
	_ =	sdelay $0x3  }
0x273: {  	v25 =	vpop (erf)  }
0x274: {  	v54 =	vpop (erf)  }
0x275: {  	v55 =	vpop (erf)  }
0x276: {  	v17 =	vmin.f32 v17, v21;
	v21 =	vpop (erf)  }
0x277: {  	v18 =	vmin.f32 v18, v20;
	v26 =	vmin.f32 v27, v26;
	v20 =	vpop (erf)  }
0x278: {  	v23 =	vmin.f32 v28, v23;
	v17 =	vmul.f32 v54, v17;
	v18 =	vmul.f32 v55, v18;
	v27 =	vpop (erf)  }
0x279: {  	v20 =	vmul.f32 v20, v26;
	v23 =	vmul.f32 v27, v23  }
0x27a: {  	v18 =	vadd.f32 v18, v17  }
0x27b: {  	v17 =	vadd.f32 v23, v20  }
0x27c: {  	v20 =	vand.u32 $0x7FFFFF, v18  }
0x27d: {  	v20 =	vor.u32 $0x3F800000, v20;
	v23 =	vand.u32 $0x7FFFFF, v17  }
0x27e: {  	v26 =	vmul.f32 $5.000000000e-01, v20;
	v23 =	vor.u32 $0x3F800000, v23  }
0x27f: {  	vm5 =	vgt.f32 v20, $1.414213540e+00;
	v27 =	vmul.f32 $5.000000000e-01, v23  }
0x280: {  	v20 =	vsel vm5, v26, v20;
	vm3 =	vgt.f32 v23, $1.414213540e+00  }
0x281: {  	v26 =	vadd.f32 $1.000000000e+00, v20;
	v23 =	vsel vm3, v27, v23  }
0x282: {  	v27 =	vadd.f32 $1.000000000e+00, v23  }
0x283: {  	(erf) = vrcp.f32 v26  }
0x284: {  	(erf) = vrcp.f32 v27;
	_ =	sdelay $0x7  }
0x285: {  	v26 =	vpop (erf)  }
0x286: {  	v27 =	vpop (erf)  }
0x287: {  	_ =	swait.ge [sflag:s28], $0x800  }
0x288: {  	[sflag:s28] =	ssyncset.done $0x0  }
0x289: {  	[sflag:s28] =	ssyncadd.s32 $0xFFFFF800  }
0x28a: {  	_ =	swait.ge [sflag:s28], $0x800  }
0x28b: {  	v6 =	vadd.f32 $-1.000000000e+00, v6;
	[sflag:s28] =	ssyncset.done $0x0  }
0x28c: {  	[sflag:s28] =	ssyncadd.s32 $0xFFFFF800  }
0x28d: {  	v25 =	vmul.f32 v25, v6;
	_ =	swait.ge [sflag:s28], $0x800  }
0x28e: {  	[sflag:s28] =	ssyncset.done $0x0  }
0x28f: {  	v56 =	vmul.f32 v25, v25;
	[sflag:s28] =	ssyncadd.s32 $0xFFFFF800  }
0x290: {  	_ =	swait.ge [sflag:s28], $0x800  }
0x291: {  	v6 =	vmul.f32 $2.857142980e-01, v56;
	[sflag:s28] =	ssyncset.done $0x0  }
0x292: {  	s7 =	simm.s32 $0x580;
	[sflag:s28] =	ssyncadd.s32 $0xFFFFF800  }
0x293: {  	v6 =	vadd.f32 $4.000000060e-01, v6;
	v57 =	vld [tilespmem:s7+$0x0];
	_ =	sdelay $0x1  }
0x294: {  	vm2 =	vmmov vm2;
	v14 =	vshrl.u32 v14, $0x17;
	v6 =	vmul.f32 v6, v56  }
0x295: {  	s2 =	simm.s32 $0x180;
	v15 =	vmul.f32 v22, v15;
	v19 =	vmul.f32 $6.931471820e-01, v19;
	v29 =	vadd.f32 $-1.000000000e+00, v29  }
0x296: {  	v58 =	vadd.f32 $6.666666860e-01, v6;
	v6 =	vor.u32 s2, v4;
	v20 =	vadd.f32 $-1.000000000e+00, v20  }
0x297: {  	v21 =	vmul.f32 v21, v29;
	v32 =	vshll.u32 v6, $0x4;
	v59 =	vand.u32 $0xFFFFFFF8, v57  }
0x298: {  	v20 =	vmul.f32 v26, v20;
	v26 =	vand.u32 $0x7, v57;
	v29 =	vadd.s32 v32, v59  }
0x299: {  	v60 =	vsel vm2, $0x1, v5;
	v61 =	vmul.f32 v21, v21;
	v26 =	vor.u32 v26, v29  }
0x29a: {  	v14 =	vadd.s32 v60, v14;
	v15 =	vadd.f32 v15, v19;
	v62 =	vmul.f32 v20, v20  }
0x29b: {  	v36 =	vadd.s32 $0xFFFFFF81, v14;
	v63 =	vmul.f32 $2.857142980e-01, v61;
	v28 =	vmul.f32 v58, v56  }
0x29c: {  	v22 =	vcvt.s32.f32 v36;
	v15 =	vsub.f32 $0.0e+00, v15;
	v33 =	vmul.f32 $2.857142980e-01, v62;
	s7 =	simm.s32 $0x380  }
0x29d: {  	vm2 =	vmmov vm4;
	v30 =	vadd.f32 $4.000000060e-01, v63;
	v28 =	vadd.f32 $2.000000000e+00, v28;
	v14 =	vld [tilespmem:s7+$0x0]  }
0x29e: {  	v22 =	vmul.f32 $6.931471820e-01, v22;
	v41 =	vsel vm2, $0x1, v5;
	v38 =	vadd.f32 $4.000000060e-01, v33;
	v39 =	vld.idx.msk [tilespmem:v26+s12+$0x0], $0xffff  }
0x29f: {  	vm2 =	vlt.u32 v8, $0x1F4;
	v30 =	vmul.f32 v30, v61;
	v25 =	vmul.f32 v28, v25;
	v34 =	vld.idx.msk [tilespmem:v26+s14+$0x0], $0xffff  }
0x2a0: {  	v15 =	vnsel vm2, $0x0, v15;
	v19 =	vmul.f32 v38, v62;
	v40 =	vld.idx.msk [tilespmem:v26+s16+$0x0], $0xffff  }
0x2a1: {  	v18 =	vshrl.u32 v18, $0x17;
	v22 =	vadd.f32 v25, v22;
	v25 =	vadd.f32 $6.666666860e-01, v30;
	v26 =	vld.idx.msk [tilespmem:v26+s18+$0x0], $0xffff  }
0x2a2: {  	s2 =	simm.s32 $0x590;
	vm2 =	vmmov vm5;
	v8 =	vadd.f32 $6.666666860e-01, v19;
	v19 =	vadd.f32 $-1.000000000e+00, v23  }
0x2a3: {  	v48 =	vsel vm2, $0x1, v5;
	v23 =	vshrl.u32 v24, $0x17;
	v24 =	vmul.f32 v25, v61;
	v37 =	vld [tilespmem:s2+$0x0]  }
0x2a4: {  	v23 =	vadd.s32 v41, v23;
	v25 =	vmul.f32 v8, v62;
	v19 =	vmul.f32 v27, v19  }
0x2a5: {  	v23 =	vadd.s32 $0xFFFFFF81, v23;
	s7 =	simm.s32 $0x190;
	v27 =	vmul.f32 v39, v14;
	v28 =	vmul.f32 v40, v14  }
0x2a6: {  	v8 =	vor.u32 s7, v4;
	v43 =	vmul.f32 v34, v14;
	v26 =	vmul.f32 v26, v14  }
0x2a7: {  	v24 =	vadd.f32 $2.000000000e+00, v24;
	v44 =	vshll.u32 v8, $0x4;
	v33 =	vmax.f32 v27, v28  }
0x2a8: {  	v42 =	vand.u32 $0xFFFFFFF8, v37;
	v45 =	vmax.f32 v43, v26;
	v33 =	vadd.f32 $9.999999970e-07, v33  }
0x2a9: {  	v31 =	vand.u32 $0x7, v37;
	v29 =	vadd.s32 v44, v42;
	v46 =	vadd.f32 $9.999999970e-07, v45  }
0x2aa: {  	v47 =	vmul.f32 v19, v19;
	v29 =	vor.u32 v31, v29;
	(erf) = vrcp.f32 v33  }
0x2ab: {  	v18 =	vadd.s32 v48, v18;
	v23 =	vcvt.s32.f32 v23;
	(erf) = vrcp.f32 v46  }
0x2ac: {  	v18 =	vadd.s32 $0xFFFFFF81, v18;
	v21 =	vmul.f32 v24, v21;
	s2 =	simm.s32 $0x390;
	v24 =	vmul.f32 $2.857142980e-01, v47  }
0x2ad: {  	v13 =	vadd.f32 v15, v13;
	v15 =	vcvt.s32.f32 v18;
	v23 =	vmul.f32 $6.931471820e-01, v23;
	v49 =	vld [tilespmem:s2+$0x0];
	s7 =	simm.s32 $0x5A0  }
0x2ae: {  	vm2 =	vlt.u32 v7, $0x1F4;
	v25 =	vadd.f32 $2.000000000e+00, v25;
	v18 =	vadd.f32 $4.000000060e-01, v24;
	v24 =	vld [tilespmem:s7+$0x0]  }
0x2af: {  	v7 =	vmul.f32 $6.931471820e-01, v15;
	v22 =	vsub.f32 $0.0e+00, v22;
	v21 =	vadd.f32 v21, v23;
	v23 =	vld.idx.msk [tilespmem:v29+s12+$0x0], $0xffff  }
0x2b0: {  	v17 =	vshrl.u32 v17, $0x17;
	v20 =	vmul.f32 v25, v20;
	v15 =	vmul.f32 v18, v47;
	v18 =	vld.idx.msk [tilespmem:v29+s14+$0x0], $0xffff  }
0x2b1: {  	vm3 =	vmmov vm3;
	v22 =	vnsel vm2, $0x0, v22;
	vm2 =	vlt.u32 v10, $0x1F4;
	s2 =	simm.s32 $0x1A0;
	v10 =	vld.idx.msk [tilespmem:v29+s16+$0x0], $0xffff  }
0x2b2: {  	v56 =	vsel vm3, $0x1, v5;
	v20 =	vadd.f32 v20, v7;
	v7 =	vor.u32 s2, v4;
	v25 =	vld.idx.msk [tilespmem:v29+s18+$0x0], $0xffff  }
0x2b3: {  	v12 =	vadd.f32 v16, v12;
	v17 =	vadd.s32 v56, v17;
	v53 =	vshll.u32 v7, $0x4;
	v50 =	vpop (erf)  }
0x2b4: {  	v15 =	vadd.f32 $6.666666860e-01, v15;
	v27 =	vmin.f32 v27, v28;
	v26 =	vmin.f32 v43, v26;
	v52 =	vpop (erf)  }
0x2b5: {  	v51 =	vand.u32 $0xFFFFFFF8, v24;
	v27 =	vmul.f32 v50, v27;
	v26 =	vmul.f32 v52, v26  }
0x2b6: {  	v24 =	vand.u32 $0x7, v24;
	v23 =	vmul.f32 v23, v49;
	v10 =	vmul.f32 v10, v49  }
0x2b7: {  	v18 =	vmul.f32 v18, v49;
	v25 =	vmul.f32 v25, v49;
	v26 =	vadd.f32 v26, v27  }
0x2b8: {  	v15 =	vmul.f32 v15, v47;
	v28 =	vadd.s32 v53, v51;
	v27 =	vmax.f32 v23, v10  }
0x2b9: {  	v54 =	vmax.f32 v18, v25;
	v27 =	vadd.f32 $9.999999970e-07, v27;
	v55 =	vand.u32 $0x7FFFFF, v26  }
0x2ba: {  	v24 =	vor.u32 v24, v28;
	v28 =	vadd.f32 $9.999999970e-07, v54;
	v29 =	vor.u32 $0x3F800000, v55  }
0x2bb: {  	v17 =	vadd.s32 $0xFFFFFF81, v17;
	(erf) = vrcp.f32 v27;
	v27 =	vmul.f32 $5.000000000e-01, v29  }
0x2bc: {  	v17 =	vcvt.s32.f32 v17;
	s7 =	simm.s32 $0x3A0;
	(erf) = vrcp.f32 v28;
	vm3 =	vgt.f32 v29, $1.414213540e+00  }
0x2bd: {  	s2 =	simm.s32 $0x5B0;
	v21 =	vsub.f32 $0.0e+00, v21;
	v57 =	vld [tilespmem:s7+$0x0];
	v15 =	vadd.f32 $2.000000000e+00, v15;
	v27 =	vsel vm3, v27, v29  }
0x2be: {  	v17 =	vmul.f32 $6.931471820e-01, v17;
	v13 =	vadd.f32 v22, v13;
	v22 =	vld [tilespmem:s2+$0x0];
	v29 =	vadd.f32 $1.000000000e+00, v27  }
0x2bf: {  	v20 =	vsub.f32 $0.0e+00, v20;
	v21 =	vnsel vm2, $0x0, v21;
	v15 =	vmul.f32 v15, v19;
	v19 =	vld.idx.msk [tilespmem:v24+s12+$0x0], $0xffff  }
0x2c0: {  	vm2 =	vlt.u32 v9, $0x1F4;
	v13 =	vadd.f32 v21, v13;
	v21 =	vld.idx.msk [tilespmem:v24+s16+$0x0], $0xffff;
	(erf) = vrcp.f32 v29  }
0x2c1: {  	v9 =	vnsel vm2, $0x0, v20;
	v15 =	vadd.f32 v15, v17;
	v17 =	vld.idx.msk [tilespmem:v24+s14+$0x0], $0xffff  }
0x2c2: {  	s7 =	simm.s32 $0x1B0;
	vm2 =	vlt.u32 v11, $0x1F4;
	v11 =	vadd.f32 v14, v12;
	v20 =	vadd.f32 v9, v13;
	v13 =	vld.idx.msk [tilespmem:v24+s18+$0x0], $0xffff  }
0x2c3: {  	v9 =	vor.u32 s7, v4;
	v16 =	vand.u32 $0xFFFFFFF8, v22;
	v22 =	vand.u32 $0x7, v22  }
0x2c4: {  	v11 =	vadd.f32 v49, v11;
	v18 =	vmin.f32 v18, v25;
	v58 =	vmul.f32 v19, v57;
	v19 =	vpop (erf)  }
0x2c5: {  	v24 =	vshll.u32 v9, $0x4;
	v59 =	vmul.f32 v21, v57;
	v10 =	vmin.f32 v23, v10;
	v21 =	vpop (erf)  }
0x2c6: {  	v16 =	vadd.s32 v24, v16;
	v10 =	vmul.f32 v19, v10;
	v18 =	vmul.f32 v21, v18  }
0x2c7: {  	v23 =	vmul.f32 v13, v57;
	v19 =	vor.u32 v22, v16;
	v22 =	vmul.f32 v17, v57  }
0x2c8: {  	v16 =	vmax.f32 v58, v59;
	v13 =	vadd.f32 v18, v10;
	v10 =	vadd.f32 $-1.000000000e+00, v27  }
0x2c9: {  	s0 =	simm.s32 $0x3B0;
	v15 =	vsub.f32 $0.0e+00, v15;
	v12 =	vadd.f32 $9.999999970e-07, v16;
	v14 =	vpop (erf)  }
0x2ca: {  	s2 =	simm.s32 $0x5C0;
	v24 =	vld [tilespmem:s0+$0x0];
	v16 =	vmax.f32 v22, v23;
	v17 =	vand.u32 $0x7FFFFF, v13;
	v14 =	vmul.f32 v14, v10  }
0x2cb: {  	v18 =	vld [tilespmem:s2+$0x0];
	(erf) = vrcp.f32 v12;
	v10 =	vadd.f32 $9.999999970e-07, v16;
	v12 =	vor.u32 $0x3F800000, v17  }
0x2cc: {  	v15 =	vnsel vm2, $0x0, v15;
	v27 =	vld.idx.msk [tilespmem:v19+s14+$0x0], $0xffff;
	v16 =	vmul.f32 $5.000000000e-01, v12;
	v25 =	vmul.f32 v14, v14  }
0x2cd: {  	v26 =	vshrl.u32 v26, $0x17;
	v60 =	vld.idx.msk [tilespmem:v19+s16+$0x0], $0xffff;
	vm2 =	vgt.f32 v12, $1.414213540e+00;
	(erf) = vrcp.f32 v10  }
0x2ce: {  	vm3 =	vmmov vm3;
	v17 =	vld.idx.msk [tilespmem:v19+s12+$0x0], $0xffff;
	v16 =	vsel vm2, v16, v12;
	v21 =	vmul.f32 $2.857142980e-01, v25  }
0x2cf: {  	v63 =	vsel vm3, $0x1, v5;
	v12 =	vadd.f32 v15, v20;
	v15 =	vld.idx.msk [tilespmem:v19+s18+$0x0], $0xffff;
	v19 =	vadd.f32 $1.000000000e+00, v16  }
0x2d0: {  	s7 =	simm.s32 $0x1C0;
	v28 =	vadd.s32 v63, v26;
	v20 =	vadd.f32 $4.000000060e-01, v21  }
0x2d1: {  	v10 =	vadd.f32 v57, v11;
	v11 =	vor.u32 s7, v4;
	(erf) = vrcp.f32 v19  }
0x2d2: {  	v61 =	vshll.u32 v11, $0x4;
	v21 =	vand.u32 $0xFFFFFFF8, v18;
	v62 =	vmul.f32 v20, v25  }
0x2d3: {  	v17 =	vmul.f32 v17, v24;
	v18 =	vand.u32 $0x7, v18;
	v19 =	vadd.s32 v61, v21  }
0x2d4: {  	v21 =	vor.u32 v18, v19;
	v19 =	vmul.f32 v15, v24;
	v15 =	vadd.f32 $6.666666860e-01, v62  }
0x2d5: {  	v10 =	vadd.f32 v24, v10;
	v18 =	vmul.f32 v27, v24;
	v20 =	vmul.f32 v60, v24;
	v24 =	vpop (erf)  }
0x2d6: {  	v22 =	vmin.f32 v22, v23;
	v27 =	vmin.f32 v58, v59;
	v23 =	vpop (erf);
	v15 =	vmul.f32 v15, v25  }
0x2d7: {  	v24 =	vmul.f32 v24, v27;
	v26 =	vmul.f32 v23, v22;
	v22 =	vadd.s32 $0xFFFFFF81, v28  }
0x2d8: {  	s7 =	simm.s32 $0x1D0;
	v25 =	vmax.f32 v17, v20;
	v22 =	vcvt.s32.f32 v22;
	v23 =	vadd.f32 $2.000000000e+00, v15  }
.LBB2_8:
0x2d9: {  	p1 =	sne.s32 s7, $0x1F0;
	v15 =	vmax.f32 v18, v19;
	s0 =	sadd.s32 $0x10, s0;
	v24 =	vadd.f32 v26, v24;
	v16 =	vadd.f32 $-1.000000000e+00, v16  }
0x2da: {  	s2 =	sadd.s32 $0x10, s2;
	v25 =	vadd.f32 $9.999999970e-07, v25;
	v26 =	vld [tilespmem:s0+$0x0];
	v27 =	vpop (erf);
	v23 =	vmul.f32 v23, v14;
	v22 =	vmul.f32 $6.931471820e-01, v22  }
0x2db: {  	v15 =	vadd.f32 $9.999999970e-07, v15;
	v28 =	vld [tilespmem:s2+$0x0];
	v29 =	vand.u32 $0x7FFFFF, v24;
	v14 =	vmul.f32 v27, v16  }
0x2dc: {  	v27 =	vld.idx.msk [tilespmem:v21+s12+$0x0], $0xffff;
	(erf) = vrcp.f32 v25;
	v16 =	vor.u32 $0x3F800000, v29;
	v22 =	vadd.f32 v23, v22  }
0x2dd: {  	vm3 =	vmmov vm2;
	v23 =	vld.idx.msk [tilespmem:v21+s14+$0x0], $0xffff;
	v25 =	vmul.f32 $5.000000000e-01, v16;
	v29 =	vmul.f32 v14, v14  }
0x2de: {  	vm2 =	vgt.f32 v16, $1.414213540e+00;
	v30 =	vld.idx.msk [tilespmem:v21+s16+$0x0], $0xffff;
	(erf) = vrcp.f32 v15;
	v15 =	vsub.f32 $0.0e+00, v22  }
0x2df: {  	vm4 =	vlt.u32 v6, $0x1F4;
	v6 =	vmovc v8;
	v8 =	vmovc v7;
	v22 =	vld.idx.msk [tilespmem:v21+s18+$0x0], $0xffff;
	v16 =	vsel vm2, v25, v16;
	v21 =	vmul.f32 $2.857142980e-01, v29  }
0x2e0: {  	v7 =	vmovc v9;
	v9 =	vmovc v11;
	v10 =	vadd.f32 v26, v10;
	v25 =	vadd.f32 $1.000000000e+00, v16;
	v15 =	vnsel vm4, $0x0, v15  }
0x2e1: {  	v11 =	vor.u32 s7, v4;
	v21 =	vadd.f32 $4.000000060e-01, v21;
	v12 =	vadd.f32 v15, v12  }
0x2e2: {  	v31 =	vshll.u32 v11, $0x4;
	v15 =	vand.u32 $0xFFFFFFF8, v28;
	(erf) = vrcp.f32 v25  }
0x2e3: {  	v25 =	vand.u32 $0x7, v28;
	v15 =	vadd.s32 v31, v15;
	v28 =	vmul.f32 v21, v29  }
0x2e4: {  	v23 =	vmul.f32 v23, v26;
	v21 =	vor.u32 v25, v15;
	v15 =	vmul.f32 v27, v26  }
.Ltmp5:
0x2e5: {  	v25 =	vmul.f32 v30, v26;
	v27 =	vmul.f32 v22, v26;
	v22 =	vpop (erf);
	v26 =	vadd.f32 $6.666666860e-01, v28;
	(pc) =	sbr.rel @p1 .LBB2_8-.Ltmp5, $4  }
0x2e6: {  	v31 =	vmin.f32 v17, v20;
	v30 =	vsel vm3, $0x1, v5;
	v28 =	vshrl.u32 v13, $0x17;
	v13 =	vmovc v24;
	v17 =	vmovc v15  }
0x2e7: {  	v15 =	vmin.f32 v18, v19;
	v30 =	vadd.s32 v30, v28;
	v18 =	vpop (erf);
	v28 =	vmul.f32 v26, v29  }
0x2e8: {  	v20 =	vmovc v25;
	v24 =	vmul.f32 v22, v31;
	v26 =	vmul.f32 v18, v15;
	v15 =	vadd.s32 $0xFFFFFF81, v30;
	v18 =	vmovc v23  }
0x2e9: {  	s7 =	sadd.s32 $0x10, s7;
	v25 =	vmax.f32 v17, v20;
	v19 =	vmovc v27;
	v22 =	vcvt.s32.f32 v15;
	v23 =	vadd.f32 $2.000000000e+00, v28  }
0x2ea: {  	_ =	sdelay $0x3  }
0x2eb: {  	v27 =	vld.idx.msk [tilespmem:v21+s12+$0x0], $0xffff  }
0x2ec: {  	v28 =	vld.idx.msk [tilespmem:v21+s14+$0x0], $0xffff  }
0x2ed: {  	s0 =	sadd.s32 $0x10, s0;
	v51 =	vld.idx.msk [tilespmem:v21+s16+$0x0], $0xffff  }
0x2ee: {  	v24 =	vadd.f32 v26, v24;
	v15 =	vld [tilespmem:s0+$0x0]  }
0x2ef: {  	v52 =	vld.idx.msk [tilespmem:v21+s18+$0x0], $0xffff  }
0x2f0: {  	v29 =	vand.u32 $0x7FFFFF, v24  }
0x2f1: {  	v30 =	vmax.f32 v18, v19;
	v29 =	vor.u32 $0x3F800000, v29  }
0x2f2: {  	v25 =	vadd.f32 $9.999999970e-07, v25;
	v30 =	vadd.f32 $9.999999970e-07, v30;
	v31 =	vmul.f32 $5.000000000e-01, v29  }
0x2f3: {  	vm3 =	vgt.f32 v29, $1.414213540e+00;
	v27 =	vmul.f32 v27, v15;
	v26 =	vmul.f32 v51, v15  }
0x2f4: {  	v29 =	vsel vm3, v31, v29;
	v28 =	vmul.f32 v28, v15;
	v21 =	vmul.f32 v52, v15  }
0x2f5: {  	(erf) = vrcp.f32 v25;
	v53 =	vadd.f32 $1.000000000e+00, v29;
	v54 =	vmax.f32 v27, v26  }
0x2f6: {  	(erf) = vrcp.f32 v30;
	v55 =	vmax.f32 v28, v21;
	v31 =	vadd.f32 $9.999999970e-07, v54  }
0x2f7: {  	(erf) = vrcp.f32 v53;
	v56 =	vadd.f32 $9.999999970e-07, v55  }
0x2f8: {  	(erf) = vrcp.f32 v31  }
0x2f9: {  	(erf) = vrcp.f32 v56;
	_ =	sdelay $0x3  }
0x2fa: {  	v57 =	vpop (erf)  }
0x2fb: {  	v58 =	vpop (erf)  }
0x2fc: {  	v59 =	vpop (erf)  }
0x2fd: {  	v17 =	vmin.f32 v17, v20;
	v60 =	vmin.f32 v18, v19;
	v61 =	vpop (erf)  }
0x2fe: {  	v17 =	vmul.f32 v58, v17;
	v18 =	vmul.f32 v59, v60;
	v62 =	vpop (erf)  }
0x2ff: {  	v63 =	vmin.f32 v27, v26;
	v21 =	vmin.f32 v28, v21;
	v28 =	vpop (erf)  }
0x300: {  	v17 =	vadd.f32 v18, v17;
	v18 =	vmul.f32 v62, v63;
	v30 =	vmul.f32 v28, v21;
	_ =	sdelay $0x1  }
0x301: {  	v31 =	vand.u32 $0x7FFFFF, v17;
	v18 =	vadd.f32 v30, v18  }
0x302: {  	v21 =	vor.u32 $0x3F800000, v31  }
0x303: {  	v16 =	vadd.f32 $-1.000000000e+00, v16;
	v32 =	vmul.f32 $5.000000000e-01, v21;
	v33 =	vand.u32 $0x7FFFFF, v18  }
0x304: {  	vm5 =	vgt.f32 v21, $1.414213540e+00;
	v35 =	vor.u32 $0x3F800000, v33  }
0x305: {  	v16 =	vmul.f32 v57, v16;
	v20 =	vsel vm5, v32, v21;
	v37 =	vmul.f32 $5.000000000e-01, v35  }
0x306: {  	v36 =	vadd.f32 $1.000000000e+00, v20;
	vm4 =	vgt.f32 v35, $1.414213540e+00  }
0x307: {  	v34 =	vmul.f32 v16, v16;
	v21 =	vsel vm4, v37, v35  }
0x308: {  	(erf) = vrcp.f32 v36;
	v27 =	vadd.f32 $1.000000000e+00, v21  }
0x309: {  	v38 =	vmul.f32 $2.857142980e-01, v34  }
0x30a: {  	vm2 =	vmmov vm2;
	(erf) = vrcp.f32 v27  }
0x30b: {  	v13 =	vshrl.u32 v13, $0x17;
	v42 =	vsel vm2, $0x1, v5;
	v39 =	vadd.f32 $4.000000060e-01, v38  }
0x30c: {  	v14 =	vmul.f32 v23, v14;
	v22 =	vmul.f32 $6.931471820e-01, v22;
	v13 =	vadd.s32 v42, v13  }
0x30d: {  	v13 =	vadd.s32 $0xFFFFFF81, v13;
	v40 =	vadd.f32 $-1.000000000e+00, v29;
	v25 =	vmul.f32 v39, v34  }
0x30e: {  	v14 =	vadd.f32 v14, v22;
	v13 =	vcvt.s32.f32 v13  }
0x30f: {  	vm2 =	vlt.u32 v6, $0x1F4;
	v41 =	vadd.f32 $6.666666860e-01, v25;
	v19 =	vmul.f32 v61, v40  }
0x310: {  	v14 =	vsub.f32 $0.0e+00, v14;
	v13 =	vmul.f32 $6.931471820e-01, v13;
	v20 =	vadd.f32 $-1.000000000e+00, v20  }
0x311: {  	v50 =	vshrl.u32 v24, $0x17;
	v44 =	vmul.f32 v41, v34;
	v43 =	vmul.f32 v19, v19;
	v46 =	vpop (erf)  }
0x312: {  	v14 =	vnsel vm2, $0x0, v14;
	v21 =	vadd.f32 $-1.000000000e+00, v21;
	v20 =	vmul.f32 v46, v20  }
0x313: {  	vm2 =	vmmov vm3;
	v22 =	vadd.f32 $2.000000000e+00, v44;
	v45 =	vmul.f32 $2.857142980e-01, v43;
	v48 =	vpop (erf)  }
0x314: {  	v52 =	vsel vm2, $0x1, v5;
	v47 =	vmul.f32 v20, v20;
	v21 =	vmul.f32 v48, v21  }
0x315: {  	vm2 =	vlt.u32 v8, $0x1F4;
	v16 =	vmul.f32 v22, v16;
	v23 =	vadd.f32 $4.000000060e-01, v45  }
0x316: {  	v17 =	vshrl.u32 v17, $0x17;
	v49 =	vmul.f32 $2.857142980e-01, v47;
	v51 =	vmul.f32 v21, v21  }
0x317: {  	v13 =	vadd.f32 v16, v13;
	vm3 =	vmmov vm5;
	v6 =	vmul.f32 v23, v43  }
0x318: {  	v56 =	vsel vm3, $0x1, v5;
	v16 =	vadd.f32 $4.000000060e-01, v49;
	v53 =	vmul.f32 $2.857142980e-01, v51  }
0x319: {  	v13 =	vsub.f32 $0.0e+00, v13;
	v17 =	vadd.s32 v56, v17;
	v6 =	vadd.f32 $6.666666860e-01, v6  }
0x31a: {  	v23 =	vadd.s32 v52, v50;
	v16 =	vmul.f32 v16, v47;
	v55 =	vadd.f32 $4.000000060e-01, v53  }
0x31b: {  	v17 =	vadd.s32 $0xFFFFFF81, v17;
	v23 =	vadd.s32 $0xFFFFFF81, v23;
	v6 =	vmul.f32 v6, v43  }
0x31c: {  	v54 =	vcvt.s32.f32 v23;
	v16 =	vadd.f32 $6.666666860e-01, v16;
	v23 =	vmul.f32 v55, v51  }
0x31d: {  	v18 =	vshrl.u32 v18, $0x17;
	v17 =	vcvt.s32.f32 v17;
	v6 =	vadd.f32 $2.000000000e+00, v6  }
0x31e: {  	vm3 =	vmmov vm4;
	v16 =	vmul.f32 v16, v47;
	v57 =	vadd.f32 $6.666666860e-01, v23  }
0x31f: {  	v58 =	vsel vm3, $0x1, v5;
	v8 =	vmul.f32 $6.931471820e-01, v54;
	v6 =	vmul.f32 v6, v19  }
0x320: {  	v18 =	vadd.s32 v58, v18;
	v16 =	vadd.f32 $2.000000000e+00, v16;
	v19 =	vmul.f32 v57, v51  }
0x321: {  	v17 =	vmul.f32 $6.931471820e-01, v17;
	v60 =	vadd.s32 $0xFFFFFF81, v18;
	v6 =	vadd.f32 v6, v8  }
0x322: {  	v59 =	vmul.f32 v16, v20;
	v16 =	vcvt.s32.f32 v60;
	v61 =	vadd.f32 $2.000000000e+00, v19  }
0x323: {  	v12 =	vadd.f32 v14, v12;
	v13 =	vnsel vm2, $0x0, v13;
	v6 =	vsub.f32 $0.0e+00, v6  }
0x324: {  	v8 =	vadd.f32 v59, v17;
	v16 =	vmul.f32 $6.931471820e-01, v16;
	v62 =	vmul.f32 v61, v21  }
0x325: {  	vm2 =	vlt.u32 v7, $0x1F4;
	v12 =	vadd.f32 v13, v12  }
0x326: {  	v6 =	vnsel vm2, $0x0, v6;
	v7 =	vsub.f32 $0.0e+00, v8;
	v63 =	vadd.f32 v62, v16  }
0x327: {  	vm2 =	vlt.u32 v9, $0x1F4;
	v6 =	vadd.f32 v6, v12  }
0x328: {  	v7 =	vnsel vm2, $0x0, v7;
	v8 =	vsub.f32 $0.0e+00, v63  }
0x329: {  	vm2 =	vlt.u32 v11, $0x1F4;
	v6 =	vadd.f32 v7, v6  }
0x32a: {  	v7 =	vnsel vm2, $0x0, v8  }
0x32b: {  	v6 =	vadd.f32 v7, v6  }
0x32c: {  	v7 =	vadd.f32 v15, v10  }
0x32d: {  	[tilespmem:$0x8E00] =	vst v6  }
0x32e: {  	[tilespmem:$0x8E10] =	vst v7  }
0x32f: {  	[spmem:s6] =	stream.linear.scatter [tilespmem:s29], [sflag:$0x6], $0x20, $0x38;
	[tilespmem:$0x9060] =	vst v63  }
.Ltmp6:
0x330: {  	_ =	swait.ge [sflag:s30], $0x20;
	(pc) =	sbr.rel @p0 .LBB2_11-.Ltmp6, $3  }
0x331: {  	[sflag:s30] =	ssyncset.done $0x0  }
0x332: {  	[sflag:s30] =	ssyncadd.s32 $0xFFFFFFE0  }
0x333: {  	[bflag:$0x0] =	sbarrier.arrive $0xFFFF;
	_ =	sdelay $0x1  }
0x334: {  	s0 =	rddreg [dreg:$0x3];
	s2 =	simm.s32 $0x8E40  }
0x335: {  	[tilespmem:s2], [sflag:$0x6] =	stream.linear.gather [spmem:s0], $0x200, $0x38;
	[tilespmem:$0x9060] =	vst v63  }
0x336: {  	_ =	swait.ge [sflag:s30], $0x200  }
0x337: {  	[sflag:s30] =	ssyncset.done $0x0  }
0x338: {  	[sflag:s30] =	ssyncadd.s32 $0xFFFFFE00  }
0x339: {  	v6 =	vld [tilespmem:$0x8E40]  }
0x33a: {  	v7 =	vld [tilespmem:$0x8E50]  }
0x33b: {  	v8 =	vld [tilespmem:$0x8E60]  }
0x33c: {  	v9 =	vld [tilespmem:$0x8E70]  }
0x33d: {  	v10 =	vld [tilespmem:$0x8E80]  }
0x33e: {  	v11 =	vld [tilespmem:$0x8E90];
	v6 =	vadd.f32 $0.0e+00, v6  }
0x33f: {  	v12 =	vld [tilespmem:$0x8EA0];
	v7 =	vadd.f32 $0.0e+00, v7  }
0x340: {  	v39 =	vld [tilespmem:$0x8EB0];
	v6 =	vadd.f32 v8, v6  }
0x341: {  	v40 =	vld [tilespmem:$0x8EC0];
	v7 =	vadd.f32 v9, v7  }
0x342: {  	v41 =	vld [tilespmem:$0x8ED0];
	v6 =	vadd.f32 v10, v6  }
0x343: {  	v42 =	vld [tilespmem:$0x8EE0];
	v7 =	vadd.f32 v11, v7  }
0x344: {  	v43 =	vld [tilespmem:$0x8EF0];
	v6 =	vadd.f32 v12, v6  }
0x345: {  	v44 =	vld [tilespmem:$0x8F00];
	v7 =	vadd.f32 v39, v7  }
0x346: {  	v45 =	vld [tilespmem:$0x8F10];
	v6 =	vadd.f32 v40, v6  }
0x347: {  	v46 =	vld [tilespmem:$0x8F20];
	v7 =	vadd.f32 v41, v7  }
0x348: {  	v47 =	vld [tilespmem:$0x8F30];
	v6 =	vadd.f32 v42, v6  }
0x349: {  	v48 =	vld [tilespmem:$0x8F40];
	v7 =	vadd.f32 v43, v7  }
0x34a: {  	v49 =	vld [tilespmem:$0x8F50];
	v6 =	vadd.f32 v44, v6  }
0x34b: {  	v50 =	vld [tilespmem:$0x8F60];
	v7 =	vadd.f32 v45, v7  }
0x34c: {  	v51 =	vld [tilespmem:$0x8F70];
	v6 =	vadd.f32 v46, v6  }
0x34d: {  	v52 =	vld [tilespmem:$0x8F80];
	v7 =	vadd.f32 v47, v7  }
0x34e: {  	v53 =	vld [tilespmem:$0x8F90];
	v6 =	vadd.f32 v48, v6  }
0x34f: {  	v54 =	vld [tilespmem:$0x8FA0];
	v7 =	vadd.f32 v49, v7  }
0x350: {  	v55 =	vld [tilespmem:$0x8FB0];
	v6 =	vadd.f32 v50, v6  }
0x351: {  	v56 =	vld [tilespmem:$0x8FC0];
	v7 =	vadd.f32 v51, v7  }
0x352: {  	v57 =	vld [tilespmem:$0x8FD0];
	v6 =	vadd.f32 v52, v6  }
0x353: {  	v58 =	vld [tilespmem:$0x8FE0];
	v7 =	vadd.f32 v53, v7  }
0x354: {  	v59 =	vld [tilespmem:$0x8FF0];
	v6 =	vadd.f32 v54, v6  }
0x355: {  	v60 =	vld [tilespmem:$0x9000];
	v7 =	vadd.f32 v55, v7  }
0x356: {  	v61 =	vld [tilespmem:$0x9010];
	v6 =	vadd.f32 v56, v6  }
0x357: {  	v62 =	vld [tilespmem:$0x9020];
	v7 =	vadd.f32 v57, v7  }
0x358: {  	v63 =	vld [tilespmem:$0x9030];
	v6 =	vadd.f32 v58, v6  }
0x359: {  	v7 =	vadd.f32 v59, v7  }
0x35a: {  	v6 =	vadd.f32 v60, v6  }
0x35b: {  	v7 =	vadd.f32 v61, v7  }
0x35c: {  	v6 =	vadd.f32 v62, v6  }
0x35d: {  	v7 =	vadd.f32 v63, v7  }
0x35e: {  	(xrf2) =	vadd.scan.msk.f32 $0xffff, v6  }
0x35f: {  	(xrf2) =	vadd.scan.msk.f32 $0xffff, v7;
	_ =	sdelay $0x8  }
0x360: {  	v6, _, _ =	vpop (xrf2)  }
0x361: {  	v7, _, _ =	vpop (xrf2)  }
0x362: {  	v7 =	vbroadcast v7, $0xF  }
0x363: {  	v6 =	vbroadcast v6, $0xF  }
0x364: {  	v7 =	vnsel vm0, $0x0, v7  }
0x365: {  	v6 =	vsel vm1, v7, v6  }
.Ltmp7:
0x366: {  	s7 =	simm.s32 $0x9040;
	s2 =	rddreg [dreg:$0x5];
	[tilespmem:$0x9040] =	vst v6;
	(pc) =	sbr.rel .LBB2_11-.Ltmp7, $4  }
0x367: {  	[hbm4b:s2+s3] =	stream.linear.scatter [tilespmem:s7], [sflag:$0x6], $0x10, $0x38;
	[tilespmem:$0x9060] =	vst v63  }
0x368: {  	_ =	swait.ge [sflag:s30], $0x10  }
0x369: {  	[sflag:s30] =	ssyncset.done $0x0  }
0x36a: {  	[sflag:s30] =	ssyncadd.s32 $0xFFFFFFF0  }
.LBB2_12:
0x36b: {  	_ =	sfence.sel $0x180000  }
0x36c: {  	[bflag:$0x0] =	sbarrier.arrive $0xFFFF  }
0x36d: {  	_ =	strace $0x90000047  }
0x36e: {  	[bflag:$0x2] =	sbarrier.arrive $0xFFFF  }
0x36f: {  	s0 =	rddreg [dreg:$0x4]  }
0x370: {  	s0 =	sadd.s32 @!p0 $0x100000, s0  }
0x371: {  	[sflag:s0] =	ssyncadd.tile.s32 @!p0 $0x1;
	_ =	shalt  }
.Lfunc_end2:
_tile_overlayer_lowered:
.L_overlay_start_2:
0x372: {  	(tag) =	ssettag $0x2  }
0x373: {  	s0 =	rddreg [dreg:$0x0];
	s2 =	stileid.u32  }
0x374: {  	s1 =	rddreg [dreg:$0x1];
	p0 =	sne.s32 s2, $0x0  }
0x375: {  	s3 =	rddreg [dreg:$0x2];
	[bflag:$0x3] =	sbarrier.arrive $0xFFFF;
	s2 =	simm.s32 @!p0 $0x1C06  }
0x376: {  	[timem:s3], [sflag:s2] =	dma.local @!p0 [hbm:s0], s1  }
0x377: {  	s0 =	simm.s32 @!p0 $0x6  }
0x378: {  	_ =	swait.ge @!p0 [sflag:s0], s1  }
0x379: {  	s1 =	ssub.s32 @!p0 $0x0, s1;
	[sflag:s0] =	ssyncset.done @!p0 $0x0  }
0x37a: {  	[sflag:s0] =	ssyncadd.s32 @!p0 s1  }
0x37b: {  	[bflag:$0x3] =	sbarrier.arrive $0xFFFF  }
0x37c: {  	_ =	shalt  }

</sc_bundles>
